<compile_context>
chip_gen: v7x
topology: tpu7x:2x2x1
jax: 0.10.2.dev20260603
libtpu: 0.0.44.dev20260713+nightly
codegen_flags: <defaults>
</compile_context>

<pallas_src>
import functools

import jax
import jax.numpy as jnp
from jax import lax
from jax.experimental import pallas as pl
from jax.experimental.pallas import tpu as pltpu
from jax.experimental.pallas import tpu_sc as plsc

NC, NS = 2, 16
NW = NC * NS
CHUNK = 128
BN = 1024
BE = 2048
F32 = jnp.float32


def _cdiv(a, b):
    return (a + b - 1) // b


def _silu(v):
    return v * jax.nn.sigmoid(v)


def _bf(v):
    return v.astype(jnp.bfloat16)


def _dot(a, b):
    return jnp.dot(_bf(a), _bf(b), preferred_element_type=F32)


def _full_spec(shape):
    return pl.BlockSpec(shape, lambda i: (0,) * len(shape))



def _init_body(nf, x16, w1, b1, w2, b2, we, be, out):
    z = _dot(nf[...], w1[...]) + b1[...]
    h = jnp.where(z > 0, z, jnp.exp(jnp.minimum(z, 0.0)) - 1.0)
    h = _dot(h, w2[...]) + b2[...]
    h = _dot(h, we[...]) + be[...]
    out[:, 0:32] = h
    out[:, 32:48] = x16[...]


def _edge_body(ehr, ehc, ea, w1a, w1b, w1r, w1e, eb1, w2, eb2, c1, cb1, c2,
               p_out):
    hr = ehr[:, 0:32]
    hc = ehc[:, 0:32]
    d = ehr[:, 32:48] - ehc[:, 32:48]
    radial = jnp.sum(d * d, axis=1, keepdims=True)
    t = (_dot(hr, w1a[...]) + _dot(hc, w1b[...])
         + _bf(radial).astype(F32) * _bf(w1r[...]).astype(F32)
         + _dot(ea[...], w1e[...]) + eb1[...])
    m = _silu(_dot(_silu(t), w2[...]) + eb2[...])
    c = _silu(_dot(m, c1[...]) + cb1[...])
    s = jnp.sum(_bf(c).astype(F32) * _bf(c2[...]).astype(F32),
                axis=1, keepdims=True)
    p_out[:, 0:32] = m
    lane8 = lax.broadcasted_iota(jnp.int32, (1, 8), 1)
    p_out[:, 32:40] = d[:, 0:8] * s + (lane8 == 3).astype(F32)


def _node_mid_body(tin, am2, ax2, n1a, n1b, nb1, n2, nb2, out):
    h = tin[:, 0:32]
    x = tin[:, 32:48]
    am = am2[0, :, 0:32] + am2[1, :, 0:32]
    ax = ax2[0, :, 0:8] + ax2[1, :, 0:8]
    cnt = jnp.maximum(ax[:, 3:4], 1.0)
    lane16 = lax.broadcasted_iota(jnp.int32, (1, 16), 1)
    delta16 = (jnp.pad(ax / cnt, ((0, 0), (0, 8)))
               * (lane16 < 3).astype(F32))
    hn = h + (_dot(_silu(_dot(h, n1a[...]) + _dot(am, n1b[...]) + nb1[...]),
                   n2[...]) + nb2[...])
    out[:, 0:32] = hn
    out[:, 32:48] = x + delta16


def _node_last_body(tin, am2, n1a, n1b, nb1, n2, nb2, wo, bo, out):
    h = tin[:, 0:32]
    am = am2[0, :, 0:32] + am2[1, :, 0:32]
    hn = h + (_dot(_silu(_dot(h, n1a[...]) + _dot(am, n1b[...]) + nb1[...]),
                   n2[...]) + nb2[...])
    out[...] = _dot(hn, wo[...]) + bo[...]



def _make_gather(n_pad, e_pad, cpw):
    K = 4
    GB = 7
    assert cpw % (K * GB) == 0
    ngrp = cpw // (K * GB)
    nb = cpw // K
    mesh = plsc.VectorSubcoreMesh(core_axis_name="c", subcore_axis_name="s")

    @functools.partial(
        pl.kernel,
        out_type=(jax.ShapeDtypeStruct((e_pad, 128), F32),
                  jax.ShapeDtypeStruct((e_pad, 128), F32)),
        mesh=mesh,
        scratch_types=[
            pltpu.VMEM((GB * K, CHUNK), jnp.int32),
            pltpu.VMEM((GB * K, CHUNK), jnp.int32),
            pltpu.VMEM((2, K * CHUNK, 48), F32),
            pltpu.VMEM((2, K * CHUNK, 48), F32),
            pltpu.SemaphoreType.DMA,
            pltpu.SemaphoreType.DMA,
        ],
        compiler_params=pltpu.CompilerParams(use_tc_tiling_on_sc=False),
    )
    def gather(t_hbm, idxr_hbm, idxc_hbm, ehr_hbm, ehc_hbm,
               idxr_v, idxc_v, bufr, bufc, semg, semw):
        wid = lax.axis_index("s") * NC + lax.axis_index("c")
        base = wid * cpw * CHUNK

        def wr(b, bank):
            off = base + b * K * CHUNK
            return (pltpu.make_async_copy(
                        bufr.at[bank],
                        ehr_hbm.at[pl.ds(off, K * CHUNK), pl.ds(0, 48)],
                        semw),
                    pltpu.make_async_copy(
                        bufc.at[bank],
                        ehc_hbm.at[pl.ds(off, K * CHUNK), pl.ds(0, 48)],
                        semw))

        def grp_body(g, carry):
            pltpu.sync_copy(idxr_hbm.at[pl.ds(wid * cpw + g * GB * K, GB * K)],
                            idxr_v)
            pltpu.sync_copy(idxc_hbm.at[pl.ds(wid * cpw + g * GB * K, GB * K)],
                            idxc_v)

            def burst(t, carry2):
                b = g * GB + t
                bank = lax.rem(b, 2)

                @pl.when(b >= 1)
                def _():
                    w0, w1 = wr(b - 1, 1 - bank)
                    w0.wait()
                    w1.wait()

                gs = []
                for k in range(K):
                    gs.append(pltpu.make_async_copy(
                        t_hbm.at[idxr_v.at[t * K + k]],
                        bufr.at[bank, pl.ds(k * CHUNK, CHUNK)], semg))
                    gs.append(pltpu.make_async_copy(
                        t_hbm.at[idxc_v.at[t * K + k]],
                        bufc.at[bank, pl.ds(k * CHUNK, CHUNK)], semg))
                for cp in gs:
                    cp.start()
                for cp in gs:
                    cp.wait()
                w0, w1 = wr(b, bank)
                w0.start()
                w1.start()
                return carry2

            lax.fori_loop(0, GB, burst, 0)
            return carry

        lax.fori_loop(0, ngrp, grp_body, 0)
        w0, w1 = wr(nb - 1, (nb - 1) % 2)
        w0.wait()
        w1.wait()

    return gather


def _make_scatter(n_pad, e_pad, cpw, grp, lane0, width):
    zpt = n_pad // NS
    assert cpw % grp == 0
    mesh = plsc.VectorSubcoreMesh(core_axis_name="c", subcore_axis_name="s")

    @functools.partial(
        pl.kernel,
        out_type=jax.ShapeDtypeStruct((NC * n_pad, 128), F32),
        mesh=mesh,
        scratch_types=[
            pltpu.VMEM_SHARED((n_pad, width), F32),
            pltpu.VMEM((grp, CHUNK), jnp.int32),
            pltpu.VMEM((2, CHUNK, width), F32),
            pltpu.SemaphoreType.DMA,
        ],
        compiler_params=pltpu.CompilerParams(use_tc_tiling_on_sc=False),
    )
    def scatter(m_hbm, idxr_hbm, zm_hbm, aggm_hbm, spm, idx_v, mbuf, seml):
        cid = lax.axis_index("c")
        sid = lax.axis_index("s")
        wid = sid * NC + cid
        base = wid * cpw * CHUNK
        pltpu.sync_copy(zm_hbm.at[:, pl.ds(0, width)],
                        spm.at[pl.ds(sid * zpt, zpt)])
        plsc.subcore_barrier()

        def load(jj, slot):
            return pltpu.make_async_copy(
                m_hbm.at[pl.ds(base + jj * CHUNK, CHUNK),
                         pl.ds(lane0, width)],
                mbuf.at[slot], seml)

        def group(g, carry):
            pltpu.sync_copy(idxr_hbm.at[pl.ds(wid * cpw + g * grp, grp)],
                            idx_v)

            @pl.when(g == 0)
            def _():
                load(0, 0).start()

            def step(j, carry2):
                jj = g * grp + j
                slot = lax.rem(jj, 2)

                @pl.when(jj + 1 < cpw)
                def _():
                    load(jj + 1, 1 - slot).start()

                load(jj, slot).wait()
                pltpu.sync_copy(mbuf.at[slot], spm.at[idx_v.at[j]], add=True)
                return carry2

            lax.fori_loop(0, grp, step, 0)
            return carry

        lax.fori_loop(0, cpw // grp, group, 0)
        plsc.subcore_barrier()
        off = cid * n_pad + sid * zpt
        pltpu.sync_copy(spm.at[pl.ds(sid * zpt, zpt)],
                        aggm_hbm.at[pl.ds(off, zpt), pl.ds(0, width)])

    return scatter



def kernel(node_feat, coords, edge_index, edge_attr, params):
    n, d_in = node_feat.shape
    e = edge_index.shape[1]
    e_pad = _cdiv(e, NW * CHUNK) * (NW * CHUNK)
    cpw = e_pad // (NW * CHUNK)
    n_pad = _cdiv(n + 1, NS * CHUNK) * (NS * CHUNK)
    zpt = n_pad // NS
    grid_n = n_pad // BN
    grid_e = e_pad // BE
    d_pad = _cdiv(d_in, 8) * 8

    nf = jnp.zeros((n_pad, d_pad), F32).at[:n, :d_in].set(node_feat)
    x16 = jnp.zeros((n_pad, 16), F32).at[:n, :3].set(coords)
    pad_idx = jnp.full((e_pad - e,), n, jnp.int32)
    row = jnp.concatenate([edge_index[0], pad_idx]).reshape(NW * cpw, CHUNK)
    col = jnp.concatenate([edge_index[1], pad_idx]).reshape(NW * cpw, CHUNK)
    ea = jnp.zeros((e_pad, 8), F32).at[:e, :2].set(edge_attr)
    z128 = jnp.zeros((zpt, 128), F32)

    p = params
    w1 = jnp.zeros((d_pad, d_pad), F32).at[:d_in, :d_in].set(p["lin1"]["W"])
    b1 = jnp.zeros((1, d_pad), F32).at[0, :d_in].set(p["lin1"]["b"])
    w2 = jnp.zeros((d_pad, 32), F32).at[:d_in].set(p["lin2"]["W"])
    b2 = p["lin2"]["b"].reshape(1, 32)
    we = p["emb_in"]["W"]
    be = p["emb_in"]["b"].reshape(1, 32)

    tcur = pl.pallas_call(
        _init_body,
        grid=(grid_n,),
        in_specs=[
            pl.BlockSpec((BN, d_pad), lambda i: (i, 0)),
            pl.BlockSpec((BN, 16), lambda i: (i, 0)),
            _full_spec((d_pad, d_pad)), _full_spec((1, d_pad)),
            _full_spec((d_pad, 32)), _full_spec((1, 32)),
            _full_spec((32, 32)), _full_spec((1, 32)),
        ],
        out_specs=pl.BlockSpec((BN, 48), lambda i: (i, 0)),
        out_shape=jax.ShapeDtypeStruct((n_pad, 48), F32),
    )(nf, x16, w1, b1, w2, b2, we, be)

    sc_gather = _make_gather(n_pad, e_pad, cpw)
    scat_grp = max(g for g in range(1, cpw + 1) if cpw % g == 0 and g <= 49)
    sc_scatter_m = _make_scatter(n_pad, e_pad, cpw, scat_grp, 0, 32)
    sc_scatter_x = _make_scatter(n_pad, e_pad, cpw, scat_grp, 32, 8)

    n_layers = len(p["layers"])
    out = None
    for li, lp in enumerate(p["layers"]):
        ehr, ehc = sc_gather(tcur, row, col)

        w1full = lp["edge1"]["W"]
        w1a = w1full[0:32]
        w1b = w1full[32:64]
        w1r = w1full[64:65]
        w1e = jnp.zeros((8, 32), F32).at[:2].set(w1full[65:67])
        eb1 = lp["edge1"]["b"].reshape(1, 32)
        ew2 = lp["edge2"]["W"]
        eb2 = lp["edge2"]["b"].reshape(1, 32)
        c1 = lp["coord1"]["W"]
        cb1 = lp["coord1"]["b"].reshape(1, 32)
        c2 = lp["coord2"]["W"].reshape(1, 32)

        payload = pl.pallas_call(
            _edge_body,
            grid=(grid_e,),
            in_specs=[
                pl.BlockSpec((BE, 128), lambda i: (i, 0)),
                pl.BlockSpec((BE, 128), lambda i: (i, 0)),
                pl.BlockSpec((BE, 8), lambda i: (i, 0)),
                _full_spec((32, 32)), _full_spec((32, 32)),
                _full_spec((1, 32)), _full_spec((8, 32)),
                _full_spec((1, 32)), _full_spec((32, 32)),
                _full_spec((1, 32)), _full_spec((32, 32)),
                _full_spec((1, 32)), _full_spec((1, 32)),
            ],
            out_specs=pl.BlockSpec((BE, 128), lambda i: (i, 0)),
            out_shape=jax.ShapeDtypeStruct((e_pad, 128), F32),
        )(ehr, ehc, ea, w1a, w1b, w1r, w1e, eb1, ew2, eb2, c1, cb1, c2)

        aggm = sc_scatter_m(payload, row, z128)
        aggx = sc_scatter_x(payload, row, z128)
        am2 = aggm.reshape(NC, n_pad, 128)
        ax2 = aggx.reshape(NC, n_pad, 128)

        n1full = lp["node1"]["W"]
        n1a = n1full[0:32]
        n1b = n1full[32:64]
        nb1 = lp["node1"]["b"].reshape(1, 32)
        n2 = lp["node2"]["W"]
        nb2 = lp["node2"]["b"].reshape(1, 32)

        if li < n_layers - 1:
            tcur = pl.pallas_call(
                _node_mid_body,
                grid=(grid_n,),
                in_specs=[
                    pl.BlockSpec((BN, 48), lambda i: (i, 0)),
                    pl.BlockSpec((NC, BN, 128), lambda i: (0, i, 0)),
                    pl.BlockSpec((NC, BN, 128), lambda i: (0, i, 0)),
                    _full_spec((32, 32)), _full_spec((32, 32)),
                    _full_spec((1, 32)), _full_spec((32, 32)),
                    _full_spec((1, 32)),
                ],
                out_specs=pl.BlockSpec((BN, 48), lambda i: (i, 0)),
                out_shape=jax.ShapeDtypeStruct((n_pad, 48), F32),
            )(tcur, am2, ax2, n1a, n1b, nb1, n2, nb2)
        else:
            wo = p["emb_out"]["W"]
            bo = p["emb_out"]["b"].reshape(1, 32)
            out = pl.pallas_call(
                _node_last_body,
                grid=(grid_n,),
                in_specs=[
                    pl.BlockSpec((BN, 48), lambda i: (i, 0)),
                    pl.BlockSpec((NC, BN, 128), lambda i: (0, i, 0)),
                    _full_spec((32, 32)), _full_spec((32, 32)),
                    _full_spec((1, 32)), _full_spec((32, 32)),
                    _full_spec((1, 32)), _full_spec((32, 32)),
                    _full_spec((1, 32)),
                ],
                out_specs=pl.BlockSpec((BN, 32), lambda i: (i, 0)),
                out_shape=jax.ShapeDtypeStruct((n_pad, 32), F32),
            )(tcur, am2, n1a, n1b, nb1, n2, nb2, wo, bo)

    return out[:n]

# --- scband reference (transcript-rebuilt; emitter-appended) ---
"""Pipeline reference for scband-residue-graph-51110110822711 (READ-ONLY COPY).

The authoritative reference and input builder live on the scoring server;
editing this copy changes nothing except your own understanding.
"""

import jax, jax.numpy as jnp
import numpy as np

N = 50000
E = 800000
D_IN = 35
H = 32
D_EDGE = 2
N_LAYERS = 2


def _lin(key, din, dout, bias=True):
    k1, k2 = jax.random.split(key)
    s = 1.0 / np.sqrt(din)
    p = {"W": jax.random.uniform(k1, (din, dout), minval=-s, maxval=s, dtype=jnp.float32)}
    if bias:
        p["b"] = jax.random.uniform(k2, (dout,), minval=-s, maxval=s, dtype=jnp.float32)
    return p


def setup_inputs(seed: int = 0) -> dict:
    key = jax.random.key(seed)
    ks = jax.random.split(key, 10)
    node_feat = jax.random.normal(ks[0], (N, D_IN), dtype=jnp.float32)
    coords = jax.random.normal(ks[1], (N, 3), dtype=jnp.float32) * 10.0
    edge_index = jax.random.randint(ks[2], (2, E), 0, N, dtype=jnp.int32)
    edge_attr = jax.random.normal(ks[3], (E, D_EDGE), dtype=jnp.float32)
    params = {
        "lin1": _lin(ks[4], D_IN, D_IN),
        "lin2": _lin(ks[5], D_IN, H),
        "emb_in": _lin(ks[6], H, H),
        "emb_out": _lin(ks[7], H, H),
        "layers": [],
    }
    for i in range(N_LAYERS):
        kk = jax.random.split(ks[8 + i], 6)
        params["layers"].append({
            "edge1": _lin(kk[0], 2 * H + 1 + D_EDGE, H),
            "edge2": _lin(kk[1], H, H),
            "node1": _lin(kk[2], 2 * H, H),
            "node2": _lin(kk[3], H, H),
            "coord1": _lin(kk[4], H, H),
            "coord2": _lin(kk[5], H, 1, bias=False),
        })
    return {"node_feat": node_feat, "coords": coords, "edge_index": edge_index,
            "edge_attr": edge_attr, "params": params}


def _apply(p, x):
    y = x @ p["W"]
    if "b" in p:
        y = y + p["b"]
    return y


def _silu(x):
    return x * jax.nn.sigmoid(x)


def _forward(node_feat, coords, edge_attr, params, edge_index):
    # ResidueGraph head: linear1 -> ELU -> dropout(eval: identity) -> linear2
    h = jax.nn.elu(_apply(params["lin1"], node_feat))
    h = _apply(params["lin2"], h)
    row = edge_index[0]
    col = edge_index[1]
    # EGNN (egnn_clean, residual=True, attention=False, normalize=False, coords_agg='mean')
    h = _apply(params["emb_in"], h)
    x = coords
    for lp in params["layers"]:
        coord_diff = x[row] - x[col]
        radial = jnp.sum(coord_diff ** 2, axis=1, keepdims=True)
        e_in = jnp.concatenate([h[row], h[col], radial, edge_attr], axis=1)
        m = _silu(_apply(lp["edge2"], _silu(_apply(lp["edge1"], e_in))))
        # coord model: mean aggregation of coord_diff * coord_mlp(m)
        trans = coord_diff * _apply(lp["coord2"], _silu(_apply(lp["coord1"], m)))
        agg_sum = jax.ops.segment_sum(trans, row, num_segments=N)
        cnt = jax.ops.segment_sum(jnp.ones((E, 1), dtype=trans.dtype), row, num_segments=N)
        x = x + agg_sum / jnp.clip(cnt, 1.0, None)
        # node model: sum aggregation, residual
        agg = jax.ops.segment_sum(m, row, num_segments=N)
        h = h + _apply(lp["node2"], _silu(_apply(lp["node1"], jnp.concatenate([h, agg], axis=1))))
    h = _apply(params["emb_out"], h)
    return h


def reference(node_feat, coords, edge_index, edge_attr, params):
    return _forward(node_feat, coords, edge_attr, params, edge_index)

if __name__ == "__main__":
    import jax
    _d = setup_inputs()
    print(jax.jit(kernel)(*tuple(_d.values())))

</pallas_src>

<mosaic_0001>
#map = affine_map<(d0, d1) -> (0, 0)>
module attributes {stable_mosaic.version = 14 : i64} {
  func.func @gather(%arg0: i32, %arg1: i32, %arg2: memref<51200x48xf32, #tpu.memory_space<hbm>>, %arg3: memref<6272x128xi32, #tpu.memory_space<hbm>>, %arg4: memref<6272x128xi32, #tpu.memory_space<hbm>>, %arg5: memref<802816x128xf32, #tpu.memory_space<hbm>>, %arg6: memref<802816x128xf32, #tpu.memory_space<hbm>>, %arg7: memref<28x128xi32, #tpu.memory_space<vmem>>, %arg8: memref<28x128xi32, #tpu.memory_space<vmem>>, %arg9: memref<2x512x48xf32, #tpu.memory_space<vmem>>, %arg10: memref<2x512x48xf32, #tpu.memory_space<vmem>>, %arg11: memref<!tpu.dma_semaphore, #tpu.memory_space<semaphore_mem>>, %arg12: memref<!tpu.dma_semaphore, #tpu.memory_space<semaphore_mem>>) attributes {dimension_semantics = [#tpu.dimension_semantics<core_parallel>, #tpu.dimension_semantics<subcore_parallel>], iteration_bounds = array<i64: 2, 16>, scalar_prefetch = 0 : i64, scratch_operands = 6 : i64, tpu.core_type = #tpu.core_type<sc_vector_subcore>, window_params = [{transform_indices = #map}, {transform_indices = #map}, {transform_indices = #map}, {transform_indices = #map}, {transform_indices = #map}]} {
    %mul3A = arith.constant 2 : i32
    %mul3A_0 = arith.muli %arg1, %mul3A : i32
    %add3A = arith.addi %mul3A_0, %arg0 : i32
    %mul3A_1 = arith.constant 196 : i32
    %mul3A_2 = arith.muli %add3A, %mul3A_1 : i32
    %mul3A_3 = arith.constant 128 : i32
    %mul3A_4 = arith.muli %mul3A_2, %mul3A_3 : i32
    %scan3A = arith.constant 0 : i32
    %scan3A_5 = arith.constant 0 : i32
    %scan3A_6 = arith.constant 7 : i32
    %scan3A_7 = arith.addi %scan3A_5, %scan3A_6 : i32
    %scan3A_8 = arith.constant 1 : i32
    scf.for %scan3A_37 = %scan3A_5 to %scan3A_7 step %scan3A_8  : i32 {
      %mul3A_38 = arith.constant 196 : i32
      %mul3A_39 = arith.muli %add3A, %mul3A_38 : i32
      %mul3A_40 = arith.constant 7 : i32
      %mul3A_41 = arith.muli %scan3A_37, %mul3A_40 : i32
      %mul3A_42 = arith.constant 4 : i32
      %mul3A_43 = arith.muli %mul3A_41, %mul3A_42 : i32
      %add3A_44 = arith.addi %mul3A_39, %mul3A_43 : i32
      "tpu.region"() ({
        %run_scoped3A = tpu.sem_alloc : memref<!tpu.dma_semaphore, #tpu.memory_space<semaphore_mem>>
        %dma_start3A = arith.constant 0 : i32
        %dma_start3A_58 = tpu.memref_slice %arg3[%add3A_44, %dma_start3A] : memref<6272x128xi32, #tpu.memory_space<hbm>> -> memref<28x128xi32, #tpu.memory_space<hbm>>
        %dma_start3A_59 = arith.constant 0 : i32
        %dma_start3A_60 = tpu.memref_slice %arg3[%add3A_44, %dma_start3A_59] : memref<6272x128xi32, #tpu.memory_space<hbm>> -> memref<28x128xi32, #tpu.memory_space<hbm>>
        tpu.enqueue_dma source(%dma_start3A_60 : memref<28x128xi32, #tpu.memory_space<hbm>>) target(%arg7 : memref<28x128xi32, #tpu.memory_space<vmem>>) target_semaphore(%run_scoped3A : memref<!tpu.dma_semaphore, #tpu.memory_space<semaphore_mem>>)
        %dma_wait3A_61 = arith.constant 0 : i32
        %dma_wait3A_62 = tpu.memref_slice %arg3[%add3A_44, %dma_wait3A_61] : memref<6272x128xi32, #tpu.memory_space<hbm>> -> memref<28x128xi32, #tpu.memory_space<hbm>>
        %dma_wait3A_63 = arith.constant 0 : i32
        %dma_wait3A_64 = tpu.memref_slice %arg3[%add3A_44, %dma_wait3A_63] : memref<6272x128xi32, #tpu.memory_space<hbm>> -> memref<28x128xi32, #tpu.memory_space<hbm>>
        tpu.wait_dma2 semaphore(%run_scoped3A : memref<!tpu.dma_semaphore, #tpu.memory_space<semaphore_mem>>) src(%dma_wait3A_64 : memref<28x128xi32, #tpu.memory_space<hbm>>) dst(%arg7 : memref<28x128xi32, #tpu.memory_space<vmem>>)
        tpu.yield
      }) : () -> ()
      %mul3A_45 = arith.constant 196 : i32
      %mul3A_46 = arith.muli %add3A, %mul3A_45 : i32
      %mul3A_47 = arith.constant 7 : i32
      %mul3A_48 = arith.muli %scan3A_37, %mul3A_47 : i32
      %mul3A_49 = arith.constant 4 : i32
      %mul3A_50 = arith.muli %mul3A_48, %mul3A_49 : i32
      %add3A_51 = arith.addi %mul3A_46, %mul3A_50 : i32
      "tpu.region"() ({
        %run_scoped3A = tpu.sem_alloc : memref<!tpu.dma_semaphore, #tpu.memory_space<semaphore_mem>>
        %dma_start3A = arith.constant 0 : i32
        %dma_start3A_58 = tpu.memref_slice %arg4[%add3A_51, %dma_start3A] : memref<6272x128xi32, #tpu.memory_space<hbm>> -> memref<28x128xi32, #tpu.memory_space<hbm>>
        %dma_start3A_59 = arith.constant 0 : i32
        %dma_start3A_60 = tpu.memref_slice %arg4[%add3A_51, %dma_start3A_59] : memref<6272x128xi32, #tpu.memory_space<hbm>> -> memref<28x128xi32, #tpu.memory_space<hbm>>
        tpu.enqueue_dma source(%dma_start3A_60 : memref<28x128xi32, #tpu.memory_space<hbm>>) target(%arg8 : memref<28x128xi32, #tpu.memory_space<vmem>>) target_semaphore(%run_scoped3A : memref<!tpu.dma_semaphore, #tpu.memory_space<semaphore_mem>>)
        %dma_wait3A_61 = arith.constant 0 : i32
        %dma_wait3A_62 = tpu.memref_slice %arg4[%add3A_51, %dma_wait3A_61] : memref<6272x128xi32, #tpu.memory_space<hbm>> -> memref<28x128xi32, #tpu.memory_space<hbm>>
        %dma_wait3A_63 = arith.constant 0 : i32
        %dma_wait3A_64 = tpu.memref_slice %arg4[%add3A_51, %dma_wait3A_63] : memref<6272x128xi32, #tpu.memory_space<hbm>> -> memref<28x128xi32, #tpu.memory_space<hbm>>
        tpu.wait_dma2 semaphore(%run_scoped3A : memref<!tpu.dma_semaphore, #tpu.memory_space<semaphore_mem>>) src(%dma_wait3A_64 : memref<28x128xi32, #tpu.memory_space<hbm>>) dst(%arg8 : memref<28x128xi32, #tpu.memory_space<vmem>>)
        tpu.yield
      }) : () -> ()
      %scan3A_52 = arith.constant 0 : i32
      %scan3A_53 = arith.constant 0 : i32
      %scan3A_54 = arith.constant 7 : i32
      %scan3A_55 = arith.addi %scan3A_53, %scan3A_54 : i32
      %scan3A_56 = arith.constant 1 : i32
      scf.for %scan3A_58 = %scan3A_53 to %scan3A_55 step %scan3A_56  : i32 {
        %mul3A_59 = arith.constant 7 : i32
        %mul3A_60 = arith.muli %scan3A_37, %mul3A_59 : i32
        %add3A_61 = arith.addi %mul3A_60, %scan3A_58 : i32
        %rem3A = arith.constant 2 : i32
        %rem3A_62 = arith.remsi %add3A_61, %rem3A : i32
        %ge3A = arith.constant 1 : i32
        %ge3A_63 = arith.cmpi sge, %add3A_61, %ge3A : i32
        %convert_element_type3A = arith.extui %ge3A_63 : i1 to i32
        %cond3A = arith.constant 0 : i32
        %cond3A_64 = arith.cmpi ne, %convert_element_type3A, %cond3A : i32
        scf.if %cond3A_64 {
          %sub3A = arith.constant 1 : i32
          %sub3A_285 = arith.subi %add3A_61, %sub3A : i32
          %sub3A_286 = arith.constant 1 : i32
          %sub3A_287 = arith.subi %sub3A_286, %rem3A_62 : i32
          %mul3A_288 = arith.constant 4 : i32
          %mul3A_289 = arith.muli %sub3A_285, %mul3A_288 : i32
          %mul3A_290 = arith.constant 128 : i32
          %mul3A_291 = arith.muli %mul3A_289, %mul3A_290 : i32
          %add3A_292 = arith.addi %mul3A_4, %mul3A_291 : i32
          %dma_wait3A_293 = arith.constant 0 : i32
          %dma_wait3A_294 = arith.constant 0 : i32
          %dma_wait3A_295 = tpu.memref_slice %arg9[%sub3A_287, %dma_wait3A_293, %dma_wait3A_294] : memref<2x512x48xf32, #tpu.memory_space<vmem>> -> memref<1x512x48xf32, #tpu.memory_space<vmem>>
          %dma_wait3A_296 = tpu.memref_squeeze %dma_wait3A_295 : memref<1x512x48xf32, #tpu.memory_space<vmem>> -> memref<512x48xf32, #tpu.memory_space<vmem>>
          %dma_wait3A_297 = arith.constant 0 : i32
          %dma_wait3A_298 = tpu.memref_slice %arg5[%add3A_292, %dma_wait3A_297] : memref<802816x128xf32, #tpu.memory_space<hbm>> -> memref<512x48xf32, #tpu.memory_space<hbm>>
          %dma_wait3A_299 = arith.constant 0 : i32
          %dma_wait3A_300 = tpu.memref_slice %arg5[%add3A_292, %dma_wait3A_299] : memref<802816x128xf32, #tpu.memory_space<hbm>> -> memref<512x48xf32, #tpu.memory_space<hbm>>
          %dma_wait3A_301 = arith.constant 0 : i32
          %dma_wait3A_302 = arith.constant 0 : i32
          %dma_wait3A_303 = tpu.memref_slice %arg9[%sub3A_287, %dma_wait3A_301, %dma_wait3A_302] : memref<2x512x48xf32, #tpu.memory_space<vmem>> -> memref<1x512x48xf32, #tpu.memory_space<vmem>>
          %dma_wait3A_304 = tpu.memref_squeeze %dma_wait3A_303 : memref<1x512x48xf32, #tpu.memory_space<vmem>> -> memref<512x48xf32, #tpu.memory_space<vmem>>
          tpu.wait_dma2 semaphore(%arg12 : memref<!tpu.dma_semaphore, #tpu.memory_space<semaphore_mem>>) src(%dma_wait3A_304 : memref<512x48xf32, #tpu.memory_space<vmem>>) dst(%dma_wait3A_300 : memref<512x48xf32, #tpu.memory_space<hbm>>)
          %dma_wait3A_305 = arith.constant 0 : i32
          %dma_wait3A_306 = arith.constant 0 : i32
          %dma_wait3A_307 = tpu.memref_slice %arg10[%sub3A_287, %dma_wait3A_305, %dma_wait3A_306] : memref<2x512x48xf32, #tpu.memory_space<vmem>> -> memref<1x512x48xf32, #tpu.memory_space<vmem>>
          %dma_wait3A_308 = tpu.memref_squeeze %dma_wait3A_307 : memref<1x512x48xf32, #tpu.memory_space<vmem>> -> memref<512x48xf32, #tpu.memory_space<vmem>>
          %dma_wait3A_309 = arith.constant 0 : i32
          %dma_wait3A_310 = tpu.memref_slice %arg6[%add3A_292, %dma_wait3A_309] : memref<802816x128xf32, #tpu.memory_space<hbm>> -> memref<512x48xf32, #tpu.memory_space<hbm>>
          %dma_wait3A_311 = arith.constant 0 : i32
          %dma_wait3A_312 = tpu.memref_slice %arg6[%add3A_292, %dma_wait3A_311] : memref<802816x128xf32, #tpu.memory_space<hbm>> -> memref<512x48xf32, #tpu.memory_space<hbm>>
          %dma_wait3A_313 = arith.constant 0 : i32
          %dma_wait3A_314 = arith.constant 0 : i32
          %dma_wait3A_315 = tpu.memref_slice %arg10[%sub3A_287, %dma_wait3A_313, %dma_wait3A_314] : memref<2x512x48xf32, #tpu.memory_space<vmem>> -> memref<1x512x48xf32, #tpu.memory_space<vmem>>
          %dma_wait3A_316 = tpu.memref_squeeze %dma_wait3A_315 : memref<1x512x48xf32, #tpu.memory_space<vmem>> -> memref<512x48xf32, #tpu.memory_space<vmem>>
          tpu.wait_dma2 semaphore(%arg12 : memref<!tpu.dma_semaphore, #tpu.memory_space<semaphore_mem>>) src(%dma_wait3A_316 : memref<512x48xf32, #tpu.memory_space<vmem>>) dst(%dma_wait3A_312 : memref<512x48xf32, #tpu.memory_space<hbm>>)
        } else {
        }
        %mul3A_65 = arith.constant 4 : i32
        %mul3A_66 = arith.muli %scan3A_58, %mul3A_65 : i32
        %add3A_67 = arith.constant 0 : i32
        %add3A_68 = arith.addi %mul3A_66, %add3A_67 : i32
        %mul3A_69 = arith.constant 4 : i32
        %mul3A_70 = arith.muli %scan3A_58, %mul3A_69 : i32
        %add3A_71 = arith.constant 0 : i32
        %add3A_72 = arith.addi %mul3A_70, %add3A_71 : i32
        %mul3A_73 = arith.constant 4 : i32
        %mul3A_74 = arith.muli %scan3A_58, %mul3A_73 : i32
        %add3A_75 = arith.constant 1 : i32
        %add3A_76 = arith.addi %mul3A_74, %add3A_75 : i32
        %mul3A_77 = arith.constant 4 : i32
        %mul3A_78 = arith.muli %scan3A_58, %mul3A_77 : i32
        %add3A_79 = arith.constant 1 : i32
        %add3A_80 = arith.addi %mul3A_78, %add3A_79 : i32
        %mul3A_81 = arith.constant 4 : i32
        %mul3A_82 = arith.muli %scan3A_58, %mul3A_81 : i32
        %add3A_83 = arith.constant 2 : i32
        %add3A_84 = arith.addi %mul3A_82, %add3A_83 : i32
        %mul3A_85 = arith.constant 4 : i32
        %mul3A_86 = arith.muli %scan3A_58, %mul3A_85 : i32
        %add3A_87 = arith.constant 2 : i32
        %add3A_88 = arith.addi %mul3A_86, %add3A_87 : i32
        %mul3A_89 = arith.constant 4 : i32
        %mul3A_90 = arith.muli %scan3A_58, %mul3A_89 : i32
        %add3A_91 = arith.constant 3 : i32
        %add3A_92 = arith.addi %mul3A_90, %add3A_91 : i32
        %mul3A_93 = arith.constant 4 : i32
        %mul3A_94 = arith.muli %scan3A_58, %mul3A_93 : i32
        %add3A_95 = arith.constant 3 : i32
        %add3A_96 = arith.addi %mul3A_94, %add3A_95 : i32
        %dma_start3A = arith.constant 0 : i32
        %dma_start3A_97 = arith.constant 0 : i32
        %dma_start3A_98 = tpu.memref_slice %arg9[%rem3A_62, %dma_start3A, %dma_start3A_97] : memref<2x512x48xf32, #tpu.memory_space<vmem>> -> memref<1x128x48xf32, #tpu.memory_space<vmem>>
        %dma_start3A_99 = tpu.memref_squeeze %dma_start3A_98 : memref<1x128x48xf32, #tpu.memory_space<vmem>> -> memref<128x48xf32, #tpu.memory_space<vmem>>
        %dma_start3A_100 = arith.constant 0 : i32
        %dma_start3A_101 = tpu.memref_slice %arg7[%add3A_68, %dma_start3A_100] : memref<28x128xi32, #tpu.memory_space<vmem>> -> memref<1x128xi32, #tpu.memory_space<vmem>>
        %dma_start3A_102 = tpu.memref_squeeze %dma_start3A_101 : memref<1x128xi32, #tpu.memory_space<vmem>> -> memref<128xi32, #tpu.memory_space<vmem>>
        %dma_start3A_103 = arith.constant 0 : i32
        %dma_start3A_104 = arith.constant 0 : i32
        %dma_start3A_105 = tpu.memref_slice %arg2[%dma_start3A_103, %dma_start3A_104] : memref<51200x48xf32, #tpu.memory_space<hbm>> -> memref<51200x48xf32, #tpu.memory_space<hbm>>
        tpu.enqueue_indirect_dma source(%dma_start3A_105 : memref<51200x48xf32, #tpu.memory_space<hbm>>) target(%dma_start3A_99 : memref<128x48xf32, #tpu.memory_space<vmem>>) offsets(%dma_start3A_102 : memref<128xi32, #tpu.memory_space<vmem>>) semaphore(%arg11 : memref<!tpu.dma_semaphore, #tpu.memory_space<semaphore_mem>>)
        %dma_start3A_106 = arith.constant 0 : i32
        %dma_start3A_107 = arith.constant 0 : i32
        %dma_start3A_108 = tpu.memref_slice %arg10[%rem3A_62, %dma_start3A_106, %dma_start3A_107] : memref<2x512x48xf32, #tpu.memory_space<vmem>> -> memref<1x128x48xf32, #tpu.memory_space<vmem>>
        %dma_start3A_109 = tpu.memref_squeeze %dma_start3A_108 : memref<1x128x48xf32, #tpu.memory_space<vmem>> -> memref<128x48xf32, #tpu.memory_space<vmem>>
        %dma_start3A_110 = arith.constant 0 : i32
        %dma_start3A_111 = tpu.memref_slice %arg8[%add3A_72, %dma_start3A_110] : memref<28x128xi32, #tpu.memory_space<vmem>> -> memref<1x128xi32, #tpu.memory_space<vmem>>
        %dma_start3A_112 = tpu.memref_squeeze %dma_start3A_111 : memref<1x128xi32, #tpu.memory_space<vmem>> -> memref<128xi32, #tpu.memory_space<vmem>>
        %dma_start3A_113 = arith.constant 0 : i32
        %dma_start3A_114 = arith.constant 0 : i32
        %dma_start3A_115 = tpu.memref_slice %arg2[%dma_start3A_113, %dma_start3A_114] : memref<51200x48xf32, #tpu.memory_space<hbm>> -> memref<51200x48xf32, #tpu.memory_space<hbm>>
        tpu.enqueue_indirect_dma source(%dma_start3A_115 : memref<51200x48xf32, #tpu.memory_space<hbm>>) target(%dma_start3A_109 : memref<128x48xf32, #tpu.memory_space<vmem>>) offsets(%dma_start3A_112 : memref<128xi32, #tpu.memory_space<vmem>>) semaphore(%arg11 : memref<!tpu.dma_semaphore, #tpu.memory_space<semaphore_mem>>)
        %dma_start3A_116 = arith.constant 128 : i32
        %dma_start3A_117 = arith.constant 0 : i32
        %dma_start3A_118 = tpu.memref_slice %arg9[%rem3A_62, %dma_start3A_116, %dma_start3A_117] : memref<2x512x48xf32, #tpu.memory_space<vmem>> -> memref<1x128x48xf32, #tpu.memory_space<vmem>>
        %dma_start3A_119 = tpu.memref_squeeze %dma_start3A_118 : memref<1x128x48xf32, #tpu.memory_space<vmem>> -> memref<128x48xf32, #tpu.memory_space<vmem>>
        %dma_start3A_120 = arith.constant 0 : i32
        %dma_start3A_121 = tpu.memref_slice %arg7[%add3A_76, %dma_start3A_120] : memref<28x128xi32, #tpu.memory_space<vmem>> -> memref<1x128xi32, #tpu.memory_space<vmem>>
        %dma_start3A_122 = tpu.memref_squeeze %dma_start3A_121 : memref<1x128xi32, #tpu.memory_space<vmem>> -> memref<128xi32, #tpu.memory_space<vmem>>
        %dma_start3A_123 = arith.constant 0 : i32
        %dma_start3A_124 = arith.constant 0 : i32
        %dma_start3A_125 = tpu.memref_slice %arg2[%dma_start3A_123, %dma_start3A_124] : memref<51200x48xf32, #tpu.memory_space<hbm>> -> memref<51200x48xf32, #tpu.memory_space<hbm>>
        tpu.enqueue_indirect_dma source(%dma_start3A_125 : memref<51200x48xf32, #tpu.memory_space<hbm>>) target(%dma_start3A_119 : memref<128x48xf32, #tpu.memory_space<vmem>>) offsets(%dma_start3A_122 : memref<128xi32, #tpu.memory_space<vmem>>) semaphore(%arg11 : memref<!tpu.dma_semaphore, #tpu.memory_space<semaphore_mem>>)
        %dma_start3A_126 = arith.constant 128 : i32
        %dma_start3A_127 = arith.constant 0 : i32
        %dma_start3A_128 = tpu.memref_slice %arg10[%rem3A_62, %dma_start3A_126, %dma_start3A_127] : memref<2x512x48xf32, #tpu.memory_space<vmem>> -> memref<1x128x48xf32, #tpu.memory_space<vmem>>
        %dma_start3A_129 = tpu.memref_squeeze %dma_start3A_128 : memref<1x128x48xf32, #tpu.memory_space<vmem>> -> memref<128x48xf32, #tpu.memory_space<vmem>>
        %dma_start3A_130 = arith.constant 0 : i32
        %dma_start3A_131 = tpu.memref_slice %arg8[%add3A_80, %dma_start3A_130] : memref<28x128xi32, #tpu.memory_space<vmem>> -> memref<1x128xi32, #tpu.memory_space<vmem>>
        %dma_start3A_132 = tpu.memref_squeeze %dma_start3A_131 : memref<1x128xi32, #tpu.memory_space<vmem>> -> memref<128xi32, #tpu.memory_space<vmem>>
        %dma_start3A_133 = arith.constant 0 : i32
        %dma_start3A_134 = arith.constant 0 : i32
        %dma_start3A_135 = tpu.memref_slice %arg2[%dma_start3A_133, %dma_start3A_134] : memref<51200x48xf32, #tpu.memory_space<hbm>> -> memref<51200x48xf32, #tpu.memory_space<hbm>>
        tpu.enqueue_indirect_dma source(%dma_start3A_135 : memref<51200x48xf32, #tpu.memory_space<hbm>>) target(%dma_start3A_129 : memref<128x48xf32, #tpu.memory_space<vmem>>) offsets(%dma_start3A_132 : memref<128xi32, #tpu.memory_space<vmem>>) semaphore(%arg11 : memref<!tpu.dma_semaphore, #tpu.memory_space<semaphore_mem>>)
        %dma_start3A_136 = arith.constant 256 : i32
        %dma_start3A_137 = arith.constant 0 : i32
        %dma_start3A_138 = tpu.memref_slice %arg9[%rem3A_62, %dma_start3A_136, %dma_start3A_137] : memref<2x512x48xf32, #tpu.memory_space<vmem>> -> memref<1x128x48xf32, #tpu.memory_space<vmem>>
        %dma_start3A_139 = tpu.memref_squeeze %dma_start3A_138 : memref<1x128x48xf32, #tpu.memory_space<vmem>> -> memref<128x48xf32, #tpu.memory_space<vmem>>
        %dma_start3A_140 = arith.constant 0 : i32
        %dma_start3A_141 = tpu.memref_slice %arg7[%add3A_84, %dma_start3A_140] : memref<28x128xi32, #tpu.memory_space<vmem>> -> memref<1x128xi32, #tpu.memory_space<vmem>>
        %dma_start3A_142 = tpu.memref_squeeze %dma_start3A_141 : memref<1x128xi32, #tpu.memory_space<vmem>> -> memref<128xi32, #tpu.memory_space<vmem>>
        %dma_start3A_143 = arith.constant 0 : i32
        %dma_start3A_144 = arith.constant 0 : i32
        %dma_start3A_145 = tpu.memref_slice %arg2[%dma_start3A_143, %dma_start3A_144] : memref<51200x48xf32, #tpu.memory_space<hbm>> -> memref<51200x48xf32, #tpu.memory_space<hbm>>
        tpu.enqueue_indirect_dma source(%dma_start3A_145 : memref<51200x48xf32, #tpu.memory_space<hbm>>) target(%dma_start3A_139 : memref<128x48xf32, #tpu.memory_space<vmem>>) offsets(%dma_start3A_142 : memref<128xi32, #tpu.memory_space<vmem>>) semaphore(%arg11 : memref<!tpu.dma_semaphore, #tpu.memory_space<semaphore_mem>>)
        %dma_start3A_146 = arith.constant 256 : i32
        %dma_start3A_147 = arith.constant 0 : i32
        %dma_start3A_148 = tpu.memref_slice %arg10[%rem3A_62, %dma_start3A_146, %dma_start3A_147] : memref<2x512x48xf32, #tpu.memory_space<vmem>> -> memref<1x128x48xf32, #tpu.memory_space<vmem>>
        %dma_start3A_149 = tpu.memref_squeeze %dma_start3A_148 : memref<1x128x48xf32, #tpu.memory_space<vmem>> -> memref<128x48xf32, #tpu.memory_space<vmem>>
        %dma_start3A_150 = arith.constant 0 : i32
        %dma_start3A_151 = tpu.memref_slice %arg8[%add3A_88, %dma_start3A_150] : memref<28x128xi32, #tpu.memory_space<vmem>> -> memref<1x128xi32, #tpu.memory_space<vmem>>
        %dma_start3A_152 = tpu.memref_squeeze %dma_start3A_151 : memref<1x128xi32, #tpu.memory_space<vmem>> -> memref<128xi32, #tpu.memory_space<vmem>>
        %dma_start3A_153 = arith.constant 0 : i32
        %dma_start3A_154 = arith.constant 0 : i32
        %dma_start3A_155 = tpu.memref_slice %arg2[%dma_start3A_153, %dma_start3A_154] : memref<51200x48xf32, #tpu.memory_space<hbm>> -> memref<51200x48xf32, #tpu.memory_space<hbm>>
        tpu.enqueue_indirect_dma source(%dma_start3A_155 : memref<51200x48xf32, #tpu.memory_space<hbm>>) target(%dma_start3A_149 : memref<128x48xf32, #tpu.memory_space<vmem>>) offsets(%dma_start3A_152 : memref<128xi32, #tpu.memory_space<vmem>>) semaphore(%arg11 : memref<!tpu.dma_semaphore, #tpu.memory_space<semaphore_mem>>)
        %dma_start3A_156 = arith.constant 384 : i32
        %dma_start3A_157 = arith.constant 0 : i32
        %dma_start3A_158 = tpu.memref_slice %arg9[%rem3A_62, %dma_start3A_156, %dma_start3A_157] : memref<2x512x48xf32, #tpu.memory_space<vmem>> -> memref<1x128x48xf32, #tpu.memory_space<vmem>>
        %dma_start3A_159 = tpu.memref_squeeze %dma_start3A_158 : memref<1x128x48xf32, #tpu.memory_space<vmem>> -> memref<128x48xf32, #tpu.memory_space<vmem>>
        %dma_start3A_160 = arith.constant 0 : i32
        %dma_start3A_161 = tpu.memref_slice %arg7[%add3A_92, %dma_start3A_160] : memref<28x128xi32, #tpu.memory_space<vmem>> -> memref<1x128xi32, #tpu.memory_space<vmem>>
        %dma_start3A_162 = tpu.memref_squeeze %dma_start3A_161 : memref<1x128xi32, #tpu.memory_space<vmem>> -> memref<128xi32, #tpu.memory_space<vmem>>
        %dma_start3A_163 = arith.constant 0 : i32
        %dma_start3A_164 = arith.constant 0 : i32
        %dma_start3A_165 = tpu.memref_slice %arg2[%dma_start3A_163, %dma_start3A_164] : memref<51200x48xf32, #tpu.memory_space<hbm>> -> memref<51200x48xf32, #tpu.memory_space<hbm>>
        tpu.enqueue_indirect_dma source(%dma_start3A_165 : memref<51200x48xf32, #tpu.memory_space<hbm>>) target(%dma_start3A_159 : memref<128x48xf32, #tpu.memory_space<vmem>>) offsets(%dma_start3A_162 : memref<128xi32, #tpu.memory_space<vmem>>) semaphore(%arg11 : memref<!tpu.dma_semaphore, #tpu.memory_space<semaphore_mem>>)
        %dma_start3A_166 = arith.constant 384 : i32
        %dma_start3A_167 = arith.constant 0 : i32
        %dma_start3A_168 = tpu.memref_slice %arg10[%rem3A_62, %dma_start3A_166, %dma_start3A_167] : memref<2x512x48xf32, #tpu.memory_space<vmem>> -> memref<1x128x48xf32, #tpu.memory_space<vmem>>
        %dma_start3A_169 = tpu.memref_squeeze %dma_start3A_168 : memref<1x128x48xf32, #tpu.memory_space<vmem>> -> memref<128x48xf32, #tpu.memory_space<vmem>>
        %dma_start3A_170 = arith.constant 0 : i32
        %dma_start3A_171 = tpu.memref_slice %arg8[%add3A_96, %dma_start3A_170] : memref<28x128xi32, #tpu.memory_space<vmem>> -> memref<1x128xi32, #tpu.memory_space<vmem>>
        %dma_start3A_172 = tpu.memref_squeeze %dma_start3A_171 : memref<1x128xi32, #tpu.memory_space<vmem>> -> memref<128xi32, #tpu.memory_space<vmem>>
        %dma_start3A_173 = arith.constant 0 : i32
        %dma_start3A_174 = arith.constant 0 : i32
        %dma_start3A_175 = tpu.memref_slice %arg2[%dma_start3A_173, %dma_start3A_174] : memref<51200x48xf32, #tpu.memory_space<hbm>> -> memref<51200x48xf32, #tpu.memory_space<hbm>>
        tpu.enqueue_indirect_dma source(%dma_start3A_175 : memref<51200x48xf32, #tpu.memory_space<hbm>>) target(%dma_start3A_169 : memref<128x48xf32, #tpu.memory_space<vmem>>) offsets(%dma_start3A_172 : memref<128xi32, #tpu.memory_space<vmem>>) semaphore(%arg11 : memref<!tpu.dma_semaphore, #tpu.memory_space<semaphore_mem>>)
        %dma_wait3A_176 = arith.constant 0 : i32
        %dma_wait3A_177 = arith.constant 0 : i32
        %dma_wait3A_178 = tpu.memref_slice %arg9[%rem3A_62, %dma_wait3A_176, %dma_wait3A_177] : memref<2x512x48xf32, #tpu.memory_space<vmem>> -> memref<1x128x48xf32, #tpu.memory_space<vmem>>
        %dma_wait3A_179 = tpu.memref_squeeze %dma_wait3A_178 : memref<1x128x48xf32, #tpu.memory_space<vmem>> -> memref<128x48xf32, #tpu.memory_space<vmem>>
        %dma_wait3A_180 = arith.constant 0 : i32
        %dma_wait3A_181 = tpu.memref_slice %arg7[%add3A_68, %dma_wait3A_180] : memref<28x128xi32, #tpu.memory_space<vmem>> -> memref<1x128xi32, #tpu.memory_space<vmem>>
        %dma_wait3A_182 = tpu.memref_squeeze %dma_wait3A_181 : memref<1x128xi32, #tpu.memory_space<vmem>> -> memref<128xi32, #tpu.memory_space<vmem>>
        %dma_wait3A_183 = arith.constant 0 : i32
        %dma_wait3A_184 = arith.constant 0 : i32
        %dma_wait3A_185 = tpu.memref_slice %arg2[%dma_wait3A_183, %dma_wait3A_184] : memref<51200x48xf32, #tpu.memory_space<hbm>> -> memref<51200x48xf32, #tpu.memory_space<hbm>>
        tpu.wait_indirect_dma semaphore(%arg11 : memref<!tpu.dma_semaphore, #tpu.memory_space<semaphore_mem>>) src(%dma_wait3A_185 : memref<51200x48xf32, #tpu.memory_space<hbm>>) dst(%dma_wait3A_179 : memref<128x48xf32, #tpu.memory_space<vmem>>)
        %dma_wait3A_186 = arith.constant 0 : i32
        %dma_wait3A_187 = arith.constant 0 : i32
        %dma_wait3A_188 = tpu.memref_slice %arg10[%rem3A_62, %dma_wait3A_186, %dma_wait3A_187] : memref<2x512x48xf32, #tpu.memory_space<vmem>> -> memref<1x128x48xf32, #tpu.memory_space<vmem>>
        %dma_wait3A_189 = tpu.memref_squeeze %dma_wait3A_188 : memref<1x128x48xf32, #tpu.memory_space<vmem>> -> memref<128x48xf32, #tpu.memory_space<vmem>>
        %dma_wait3A_190 = arith.constant 0 : i32
        %dma_wait3A_191 = tpu.memref_slice %arg8[%add3A_72, %dma_wait3A_190] : memref<28x128xi32, #tpu.memory_space<vmem>> -> memref<1x128xi32, #tpu.memory_space<vmem>>
        %dma_wait3A_192 = tpu.memref_squeeze %dma_wait3A_191 : memref<1x128xi32, #tpu.memory_space<vmem>> -> memref<128xi32, #tpu.memory_space<vmem>>
        %dma_wait3A_193 = arith.constant 0 : i32
        %dma_wait3A_194 = arith.constant 0 : i32
        %dma_wait3A_195 = tpu.memref_slice %arg2[%dma_wait3A_193, %dma_wait3A_194] : memref<51200x48xf32, #tpu.memory_space<hbm>> -> memref<51200x48xf32, #tpu.memory_space<hbm>>
        tpu.wait_indirect_dma semaphore(%arg11 : memref<!tpu.dma_semaphore, #tpu.memory_space<semaphore_mem>>) src(%dma_wait3A_195 : memref<51200x48xf32, #tpu.memory_space<hbm>>) dst(%dma_wait3A_189 : memref<128x48xf32, #tpu.memory_space<vmem>>)
        %dma_wait3A_196 = arith.constant 128 : i32
        %dma_wait3A_197 = arith.constant 0 : i32
        %dma_wait3A_198 = tpu.memref_slice %arg9[%rem3A_62, %dma_wait3A_196, %dma_wait3A_197] : memref<2x512x48xf32, #tpu.memory_space<vmem>> -> memref<1x128x48xf32, #tpu.memory_space<vmem>>
        %dma_wait3A_199 = tpu.memref_squeeze %dma_wait3A_198 : memref<1x128x48xf32, #tpu.memory_space<vmem>> -> memref<128x48xf32, #tpu.memory_space<vmem>>
        %dma_wait3A_200 = arith.constant 0 : i32
        %dma_wait3A_201 = tpu.memref_slice %arg7[%add3A_76, %dma_wait3A_200] : memref<28x128xi32, #tpu.memory_space<vmem>> -> memref<1x128xi32, #tpu.memory_space<vmem>>
        %dma_wait3A_202 = tpu.memref_squeeze %dma_wait3A_201 : memref<1x128xi32, #tpu.memory_space<vmem>> -> memref<128xi32, #tpu.memory_space<vmem>>
        %dma_wait3A_203 = arith.constant 0 : i32
        %dma_wait3A_204 = arith.constant 0 : i32
        %dma_wait3A_205 = tpu.memref_slice %arg2[%dma_wait3A_203, %dma_wait3A_204] : memref<51200x48xf32, #tpu.memory_space<hbm>> -> memref<51200x48xf32, #tpu.memory_space<hbm>>
        tpu.wait_indirect_dma semaphore(%arg11 : memref<!tpu.dma_semaphore, #tpu.memory_space<semaphore_mem>>) src(%dma_wait3A_205 : memref<51200x48xf32, #tpu.memory_space<hbm>>) dst(%dma_wait3A_199 : memref<128x48xf32, #tpu.memory_space<vmem>>)
        %dma_wait3A_206 = arith.constant 128 : i32
        %dma_wait3A_207 = arith.constant 0 : i32
        %dma_wait3A_208 = tpu.memref_slice %arg10[%rem3A_62, %dma_wait3A_206, %dma_wait3A_207] : memref<2x512x48xf32, #tpu.memory_space<vmem>> -> memref<1x128x48xf32, #tpu.memory_space<vmem>>
        %dma_wait3A_209 = tpu.memref_squeeze %dma_wait3A_208 : memref<1x128x48xf32, #tpu.memory_space<vmem>> -> memref<128x48xf32, #tpu.memory_space<vmem>>
        %dma_wait3A_210 = arith.constant 0 : i32
        %dma_wait3A_211 = tpu.memref_slice %arg8[%add3A_80, %dma_wait3A_210] : memref<28x128xi32, #tpu.memory_space<vmem>> -> memref<1x128xi32, #tpu.memory_space<vmem>>
        %dma_wait3A_212 = tpu.memref_squeeze %dma_wait3A_211 : memref<1x128xi32, #tpu.memory_space<vmem>> -> memref<128xi32, #tpu.memory_space<vmem>>
        %dma_wait3A_213 = arith.constant 0 : i32
        %dma_wait3A_214 = arith.constant 0 : i32
        %dma_wait3A_215 = tpu.memref_slice %arg2[%dma_wait3A_213, %dma_wait3A_214] : memref<51200x48xf32, #tpu.memory_space<hbm>> -> memref<51200x48xf32, #tpu.memory_space<hbm>>
        tpu.wait_indirect_dma semaphore(%arg11 : memref<!tpu.dma_semaphore, #tpu.memory_space<semaphore_mem>>) src(%dma_wait3A_215 : memref<51200x48xf32, #tpu.memory_space<hbm>>) dst(%dma_wait3A_209 : memref<128x48xf32, #tpu.memory_space<vmem>>)
        %dma_wait3A_216 = arith.constant 256 : i32
        %dma_wait3A_217 = arith.constant 0 : i32
        %dma_wait3A_218 = tpu.memref_slice %arg9[%rem3A_62, %dma_wait3A_216, %dma_wait3A_217] : memref<2x512x48xf32, #tpu.memory_space<vmem>> -> memref<1x128x48xf32, #tpu.memory_space<vmem>>
        %dma_wait3A_219 = tpu.memref_squeeze %dma_wait3A_218 : memref<1x128x48xf32, #tpu.memory_space<vmem>> -> memref<128x48xf32, #tpu.memory_space<vmem>>
        %dma_wait3A_220 = arith.constant 0 : i32
        %dma_wait3A_221 = tpu.memref_slice %arg7[%add3A_84, %dma_wait3A_220] : memref<28x128xi32, #tpu.memory_space<vmem>> -> memref<1x128xi32, #tpu.memory_space<vmem>>
        %dma_wait3A_222 = tpu.memref_squeeze %dma_wait3A_221 : memref<1x128xi32, #tpu.memory_space<vmem>> -> memref<128xi32, #tpu.memory_space<vmem>>
        %dma_wait3A_223 = arith.constant 0 : i32
        %dma_wait3A_224 = arith.constant 0 : i32
        %dma_wait3A_225 = tpu.memref_slice %arg2[%dma_wait3A_223, %dma_wait3A_224] : memref<51200x48xf32, #tpu.memory_space<hbm>> -> memref<51200x48xf32, #tpu.memory_space<hbm>>
        tpu.wait_indirect_dma semaphore(%arg11 : memref<!tpu.dma_semaphore, #tpu.memory_space<semaphore_mem>>) src(%dma_wait3A_225 : memref<51200x48xf32, #tpu.memory_space<hbm>>) dst(%dma_wait3A_219 : memref<128x48xf32, #tpu.memory_space<vmem>>)
        %dma_wait3A_226 = arith.constant 256 : i32
        %dma_wait3A_227 = arith.constant 0 : i32
        %dma_wait3A_228 = tpu.memref_slice %arg10[%rem3A_62, %dma_wait3A_226, %dma_wait3A_227] : memref<2x512x48xf32, #tpu.memory_space<vmem>> -> memref<1x128x48xf32, #tpu.memory_space<vmem>>
        %dma_wait3A_229 = tpu.memref_squeeze %dma_wait3A_228 : memref<1x128x48xf32, #tpu.memory_space<vmem>> -> memref<128x48xf32, #tpu.memory_space<vmem>>
        %dma_wait3A_230 = arith.constant 0 : i32
        %dma_wait3A_231 = tpu.memref_slice %arg8[%add3A_88, %dma_wait3A_230] : memref<28x128xi32, #tpu.memory_space<vmem>> -> memref<1x128xi32, #tpu.memory_space<vmem>>
        %dma_wait3A_232 = tpu.memref_squeeze %dma_wait3A_231 : memref<1x128xi32, #tpu.memory_space<vmem>> -> memref<128xi32, #tpu.memory_space<vmem>>
        %dma_wait3A_233 = arith.constant 0 : i32
        %dma_wait3A_234 = arith.constant 0 : i32
        %dma_wait3A_235 = tpu.memref_slice %arg2[%dma_wait3A_233, %dma_wait3A_234] : memref<51200x48xf32, #tpu.memory_space<hbm>> -> memref<51200x48xf32, #tpu.memory_space<hbm>>
        tpu.wait_indirect_dma semaphore(%arg11 : memref<!tpu.dma_semaphore, #tpu.memory_space<semaphore_mem>>) src(%dma_wait3A_235 : memref<51200x48xf32, #tpu.memory_space<hbm>>) dst(%dma_wait3A_229 : memref<128x48xf32, #tpu.memory_space<vmem>>)
        %dma_wait3A_236 = arith.constant 384 : i32
        %dma_wait3A_237 = arith.constant 0 : i32
        %dma_wait3A_238 = tpu.memref_slice %arg9[%rem3A_62, %dma_wait3A_236, %dma_wait3A_237] : memref<2x512x48xf32, #tpu.memory_space<vmem>> -> memref<1x128x48xf32, #tpu.memory_space<vmem>>
        %dma_wait3A_239 = tpu.memref_squeeze %dma_wait3A_238 : memref<1x128x48xf32, #tpu.memory_space<vmem>> -> memref<128x48xf32, #tpu.memory_space<vmem>>
        %dma_wait3A_240 = arith.constant 0 : i32
        %dma_wait3A_241 = tpu.memref_slice %arg7[%add3A_92, %dma_wait3A_240] : memref<28x128xi32, #tpu.memory_space<vmem>> -> memref<1x128xi32, #tpu.memory_space<vmem>>
        %dma_wait3A_242 = tpu.memref_squeeze %dma_wait3A_241 : memref<1x128xi32, #tpu.memory_space<vmem>> -> memref<128xi32, #tpu.memory_space<vmem>>
        %dma_wait3A_243 = arith.constant 0 : i32
        %dma_wait3A_244 = arith.constant 0 : i32
        %dma_wait3A_245 = tpu.memref_slice %arg2[%dma_wait3A_243, %dma_wait3A_244] : memref<51200x48xf32, #tpu.memory_space<hbm>> -> memref<51200x48xf32, #tpu.memory_space<hbm>>
        tpu.wait_indirect_dma semaphore(%arg11 : memref<!tpu.dma_semaphore, #tpu.memory_space<semaphore_mem>>) src(%dma_wait3A_245 : memref<51200x48xf32, #tpu.memory_space<hbm>>) dst(%dma_wait3A_239 : memref<128x48xf32, #tpu.memory_space<vmem>>)
        %dma_wait3A_246 = arith.constant 384 : i32
        %dma_wait3A_247 = arith.constant 0 : i32
        %dma_wait3A_248 = tpu.memref_slice %arg10[%rem3A_62, %dma_wait3A_246, %dma_wait3A_247] : memref<2x512x48xf32, #tpu.memory_space<vmem>> -> memref<1x128x48xf32, #tpu.memory_space<vmem>>
        %dma_wait3A_249 = tpu.memref_squeeze %dma_wait3A_248 : memref<1x128x48xf32, #tpu.memory_space<vmem>> -> memref<128x48xf32, #tpu.memory_space<vmem>>
        %dma_wait3A_250 = arith.constant 0 : i32
        %dma_wait3A_251 = tpu.memref_slice %arg8[%add3A_96, %dma_wait3A_250] : memref<28x128xi32, #tpu.memory_space<vmem>> -> memref<1x128xi32, #tpu.memory_space<vmem>>
        %dma_wait3A_252 = tpu.memref_squeeze %dma_wait3A_251 : memref<1x128xi32, #tpu.memory_space<vmem>> -> memref<128xi32, #tpu.memory_space<vmem>>
        %dma_wait3A_253 = arith.constant 0 : i32
        %dma_wait3A_254 = arith.constant 0 : i32
        %dma_wait3A_255 = tpu.memref_slice %arg2[%dma_wait3A_253, %dma_wait3A_254] : memref<51200x48xf32, #tpu.memory_space<hbm>> -> memref<51200x48xf32, #tpu.memory_space<hbm>>
        tpu.wait_indirect_dma semaphore(%arg11 : memref<!tpu.dma_semaphore, #tpu.memory_space<semaphore_mem>>) src(%dma_wait3A_255 : memref<51200x48xf32, #tpu.memory_space<hbm>>) dst(%dma_wait3A_249 : memref<128x48xf32, #tpu.memory_space<vmem>>)
        %mul3A_256 = arith.constant 4 : i32
        %mul3A_257 = arith.muli %add3A_61, %mul3A_256 : i32
        %mul3A_258 = arith.constant 128 : i32
        %mul3A_259 = arith.muli %mul3A_257, %mul3A_258 : i32
        %add3A_260 = arith.addi %mul3A_4, %mul3A_259 : i32
        %dma_start3A_261 = arith.constant 0 : i32
        %dma_start3A_262 = arith.constant 0 : i32
        %dma_start3A_263 = tpu.memref_slice %arg9[%rem3A_62, %dma_start3A_261, %dma_start3A_262] : memref<2x512x48xf32, #tpu.memory_space<vmem>> -> memref<1x512x48xf32, #tpu.memory_space<vmem>>
        %dma_start3A_264 = tpu.memref_squeeze %dma_start3A_263 : memref<1x512x48xf32, #tpu.memory_space<vmem>> -> memref<512x48xf32, #tpu.memory_space<vmem>>
        %dma_start3A_265 = arith.constant 0 : i32
        %dma_start3A_266 = tpu.memref_slice %arg5[%add3A_260, %dma_start3A_265] : memref<802816x128xf32, #tpu.memory_space<hbm>> -> memref<512x48xf32, #tpu.memory_space<hbm>>
        %dma_start3A_267 = arith.constant 0 : i32
        %dma_start3A_268 = tpu.memref_slice %arg5[%add3A_260, %dma_start3A_267] : memref<802816x128xf32, #tpu.memory_space<hbm>> -> memref<512x48xf32, #tpu.memory_space<hbm>>
        %dma_start3A_269 = arith.constant 0 : i32
        %dma_start3A_270 = arith.constant 0 : i32
        %dma_start3A_271 = tpu.memref_slice %arg9[%rem3A_62, %dma_start3A_269, %dma_start3A_270] : memref<2x512x48xf32, #tpu.memory_space<vmem>> -> memref<1x512x48xf32, #tpu.memory_space<vmem>>
        %dma_start3A_272 = tpu.memref_squeeze %dma_start3A_271 : memref<1x512x48xf32, #tpu.memory_space<vmem>> -> memref<512x48xf32, #tpu.memory_space<vmem>>
        tpu.enqueue_dma source(%dma_start3A_272 : memref<512x48xf32, #tpu.memory_space<vmem>>) target(%dma_start3A_268 : memref<512x48xf32, #tpu.memory_space<hbm>>) target_semaphore(%arg12 : memref<!tpu.dma_semaphore, #tpu.memory_space<semaphore_mem>>)
        %dma_start3A_273 = arith.constant 0 : i32
        %dma_start3A_274 = arith.constant 0 : i32
        %dma_start3A_275 = tpu.memref_slice %arg10[%rem3A_62, %dma_start3A_273, %dma_start3A_274] : memref<2x512x48xf32, #tpu.memory_space<vmem>> -> memref<1x512x48xf32, #tpu.memory_space<vmem>>
        %dma_start3A_276 = tpu.memref_squeeze %dma_start3A_275 : memref<1x512x48xf32, #tpu.memory_space<vmem>> -> memref<512x48xf32, #tpu.memory_space<vmem>>
        %dma_start3A_277 = arith.constant 0 : i32
        %dma_start3A_278 = tpu.memref_slice %arg6[%add3A_260, %dma_start3A_277] : memref<802816x128xf32, #tpu.memory_space<hbm>> -> memref<512x48xf32, #tpu.memory_space<hbm>>
        %dma_start3A_279 = arith.constant 0 : i32
        %dma_start3A_280 = tpu.memref_slice %arg6[%add3A_260, %dma_start3A_279] : memref<802816x128xf32, #tpu.memory_space<hbm>> -> memref<512x48xf32, #tpu.memory_space<hbm>>
        %dma_start3A_281 = arith.constant 0 : i32
        %dma_start3A_282 = arith.constant 0 : i32
        %dma_start3A_283 = tpu.memref_slice %arg10[%rem3A_62, %dma_start3A_281, %dma_start3A_282] : memref<2x512x48xf32, #tpu.memory_space<vmem>> -> memref<1x512x48xf32, #tpu.memory_space<vmem>>
        %dma_start3A_284 = tpu.memref_squeeze %dma_start3A_283 : memref<1x512x48xf32, #tpu.memory_space<vmem>> -> memref<512x48xf32, #tpu.memory_space<vmem>>
        tpu.enqueue_dma source(%dma_start3A_284 : memref<512x48xf32, #tpu.memory_space<vmem>>) target(%dma_start3A_280 : memref<512x48xf32, #tpu.memory_space<hbm>>) target_semaphore(%arg12 : memref<!tpu.dma_semaphore, #tpu.memory_space<semaphore_mem>>)
      }
      %scan3A_57 = arith.constant 7 : i32
    }
    %scan3A_9 = arith.constant 7 : i32
    %add3A_10 = arith.constant 24576 : i32
    %add3A_11 = arith.addi %mul3A_4, %add3A_10 : i32
    %dma_wait3A = arith.constant 0 : i32
    %dma_wait3A_12 = arith.constant 0 : i32
    %dma_wait3A_13 = arith.constant 0 : i32
    %dma_wait3A_14 = tpu.memref_slice %arg9[%dma_wait3A, %dma_wait3A_12, %dma_wait3A_13] : memref<2x512x48xf32, #tpu.memory_space<vmem>> -> memref<1x512x48xf32, #tpu.memory_space<vmem>>
    %dma_wait3A_15 = tpu.memref_squeeze %dma_wait3A_14 : memref<1x512x48xf32, #tpu.memory_space<vmem>> -> memref<512x48xf32, #tpu.memory_space<vmem>>
    %dma_wait3A_16 = arith.constant 0 : i32
    %dma_wait3A_17 = tpu.memref_slice %arg5[%add3A_11, %dma_wait3A_16] : memref<802816x128xf32, #tpu.memory_space<hbm>> -> memref<512x48xf32, #tpu.memory_space<hbm>>
    %dma_wait3A_18 = arith.constant 0 : i32
    %dma_wait3A_19 = tpu.memref_slice %arg5[%add3A_11, %dma_wait3A_18] : memref<802816x128xf32, #tpu.memory_space<hbm>> -> memref<512x48xf32, #tpu.memory_space<hbm>>
    %dma_wait3A_20 = arith.constant 0 : i32
    %dma_wait3A_21 = arith.constant 0 : i32
    %dma_wait3A_22 = tpu.memref_slice %arg9[%dma_wait3A, %dma_wait3A_20, %dma_wait3A_21] : memref<2x512x48xf32, #tpu.memory_space<vmem>> -> memref<1x512x48xf32, #tpu.memory_space<vmem>>
    %dma_wait3A_23 = tpu.memref_squeeze %dma_wait3A_22 : memref<1x512x48xf32, #tpu.memory_space<vmem>> -> memref<512x48xf32, #tpu.memory_space<vmem>>
    tpu.wait_dma2 semaphore(%arg12 : memref<!tpu.dma_semaphore, #tpu.memory_space<semaphore_mem>>) src(%dma_wait3A_23 : memref<512x48xf32, #tpu.memory_space<vmem>>) dst(%dma_wait3A_19 : memref<512x48xf32, #tpu.memory_space<hbm>>)
    %dma_wait3A_24 = arith.constant 0 : i32
    %dma_wait3A_25 = arith.constant 0 : i32
    %dma_wait3A_26 = arith.constant 0 : i32
    %dma_wait3A_27 = tpu.memref_slice %arg10[%dma_wait3A_24, %dma_wait3A_25, %dma_wait3A_26] : memref<2x512x48xf32, #tpu.memory_space<vmem>> -> memref<1x512x48xf32, #tpu.memory_space<vmem>>
    %dma_wait3A_28 = tpu.memref_squeeze %dma_wait3A_27 : memref<1x512x48xf32, #tpu.memory_space<vmem>> -> memref<512x48xf32, #tpu.memory_space<vmem>>
    %dma_wait3A_29 = arith.constant 0 : i32
    %dma_wait3A_30 = tpu.memref_slice %arg6[%add3A_11, %dma_wait3A_29] : memref<802816x128xf32, #tpu.memory_space<hbm>> -> memref<512x48xf32, #tpu.memory_space<hbm>>
    %dma_wait3A_31 = arith.constant 0 : i32
    %dma_wait3A_32 = tpu.memref_slice %arg6[%add3A_11, %dma_wait3A_31] : memref<802816x128xf32, #tpu.memory_space<hbm>> -> memref<512x48xf32, #tpu.memory_space<hbm>>
    %dma_wait3A_33 = arith.constant 0 : i32
    %dma_wait3A_34 = arith.constant 0 : i32
    %dma_wait3A_35 = tpu.memref_slice %arg10[%dma_wait3A_24, %dma_wait3A_33, %dma_wait3A_34] : memref<2x512x48xf32, #tpu.memory_space<vmem>> -> memref<1x512x48xf32, #tpu.memory_space<vmem>>
    %dma_wait3A_36 = tpu.memref_squeeze %dma_wait3A_35 : memref<1x512x48xf32, #tpu.memory_space<vmem>> -> memref<512x48xf32, #tpu.memory_space<vmem>>
    tpu.wait_dma2 semaphore(%arg12 : memref<!tpu.dma_semaphore, #tpu.memory_space<semaphore_mem>>) src(%dma_wait3A_36 : memref<512x48xf32, #tpu.memory_space<vmem>>) dst(%dma_wait3A_32 : memref<512x48xf32, #tpu.memory_space<hbm>>)
    return
  }
}

#map = affine_map<(d0, d1) -> (0, 0)>
module attributes {stable_mosaic.version = 14 : i64} {
  func.func @gather(%arg0: i32, %arg1: i32, %arg2: memref<51200x48xf32, #tpu.memory_space<hbm>>, %arg3: memref<6272x128xi32, #tpu.memory_space<hbm>>, %arg4: memref<6272x128xi32, #tpu.memory_space<hbm>>, %arg5: memref<802816x128xf32, #tpu.memory_space<hbm>>, %arg6: memref<802816x128xf32, #tpu.memory_space<hbm>>, %arg7: memref<28x128xi32, #tpu.memory_space<vmem>>, %arg8: memref<28x128xi32, #tpu.memory_space<vmem>>, %arg9: memref<2x512x48xf32, #tpu.memory_space<vmem>>, %arg10: memref<2x512x48xf32, #tpu.memory_space<vmem>>, %arg11: memref<!tpu.dma_semaphore, #tpu.memory_space<semaphore_mem>>, %arg12: memref<!tpu.dma_semaphore, #tpu.memory_space<semaphore_mem>>) attributes {dimension_semantics = [#tpu.dimension_semantics<core_parallel>, #tpu.dimension_semantics<subcore_parallel>], iteration_bounds = array<i64: 2, 16>, scalar_prefetch = 0 : i64, scratch_operands = 6 : i64, tpu.core_type = #tpu.core_type<sc_vector_subcore>, window_params = [{transform_indices = #map}, {transform_indices = #map}, {transform_indices = #map}, {transform_indices = #map}, {transform_indices = #map}]} {
    %mul3A = arith.constant 2 : i32
    %mul3A_0 = arith.muli %arg1, %mul3A : i32
    %add3A = arith.addi %mul3A_0, %arg0 : i32
    %mul3A_1 = arith.constant 196 : i32
    %mul3A_2 = arith.muli %add3A, %mul3A_1 : i32
    %mul3A_3 = arith.constant 128 : i32
    %mul3A_4 = arith.muli %mul3A_2, %mul3A_3 : i32
    %scan3A = arith.constant 0 : i32
    %scan3A_5 = arith.constant 0 : i32
    %scan3A_6 = arith.constant 7 : i32
    %scan3A_7 = arith.addi %scan3A_5, %scan3A_6 : i32
    %scan3A_8 = arith.constant 1 : i32
    scf.for %scan3A_37 = %scan3A_5 to %scan3A_7 step %scan3A_8  : i32 {
      %mul3A_38 = arith.constant 196 : i32
      %mul3A_39 = arith.muli %add3A, %mul3A_38 : i32
      %mul3A_40 = arith.constant 7 : i32
      %mul3A_41 = arith.muli %scan3A_37, %mul3A_40 : i32
      %mul3A_42 = arith.constant 4 : i32
      %mul3A_43 = arith.muli %mul3A_41, %mul3A_42 : i32
      %add3A_44 = arith.addi %mul3A_39, %mul3A_43 : i32
      "tpu.region"() ({
        %run_scoped3A = tpu.sem_alloc : memref<!tpu.dma_semaphore, #tpu.memory_space<semaphore_mem>>
        %dma_start3A = arith.constant 0 : i32
        %dma_start3A_58 = tpu.memref_slice %arg3[%add3A_44, %dma_start3A] : memref<6272x128xi32, #tpu.memory_space<hbm>> -> memref<28x128xi32, #tpu.memory_space<hbm>>
        %dma_start3A_59 = arith.constant 0 : i32
        %dma_start3A_60 = tpu.memref_slice %arg3[%add3A_44, %dma_start3A_59] : memref<6272x128xi32, #tpu.memory_space<hbm>> -> memref<28x128xi32, #tpu.memory_space<hbm>>
        tpu.enqueue_dma source(%dma_start3A_60 : memref<28x128xi32, #tpu.memory_space<hbm>>) target(%arg7 : memref<28x128xi32, #tpu.memory_space<vmem>>) target_semaphore(%run_scoped3A : memref<!tpu.dma_semaphore, #tpu.memory_space<semaphore_mem>>)
        %dma_wait3A_61 = arith.constant 0 : i32
        %dma_wait3A_62 = tpu.memref_slice %arg3[%add3A_44, %dma_wait3A_61] : memref<6272x128xi32, #tpu.memory_space<hbm>> -> memref<28x128xi32, #tpu.memory_space<hbm>>
        %dma_wait3A_63 = arith.constant 0 : i32
        %dma_wait3A_64 = tpu.memref_slice %arg3[%add3A_44, %dma_wait3A_63] : memref<6272x128xi32, #tpu.memory_space<hbm>> -> memref<28x128xi32, #tpu.memory_space<hbm>>
        tpu.wait_dma2 semaphore(%run_scoped3A : memref<!tpu.dma_semaphore, #tpu.memory_space<semaphore_mem>>) src(%dma_wait3A_64 : memref<28x128xi32, #tpu.memory_space<hbm>>) dst(%arg7 : memref<28x128xi32, #tpu.memory_space<vmem>>)
        tpu.yield
      }) : () -> ()
      %mul3A_45 = arith.constant 196 : i32
      %mul3A_46 = arith.muli %add3A, %mul3A_45 : i32
      %mul3A_47 = arith.constant 7 : i32
      %mul3A_48 = arith.muli %scan3A_37, %mul3A_47 : i32
      %mul3A_49 = arith.constant 4 : i32
      %mul3A_50 = arith.muli %mul3A_48, %mul3A_49 : i32
      %add3A_51 = arith.addi %mul3A_46, %mul3A_50 : i32
      "tpu.region"() ({
        %run_scoped3A = tpu.sem_alloc : memref<!tpu.dma_semaphore, #tpu.memory_space<semaphore_mem>>
        %dma_start3A = arith.constant 0 : i32
        %dma_start3A_58 = tpu.memref_slice %arg4[%add3A_51, %dma_start3A] : memref<6272x128xi32, #tpu.memory_space<hbm>> -> memref<28x128xi32, #tpu.memory_space<hbm>>
        %dma_start3A_59 = arith.constant 0 : i32
        %dma_start3A_60 = tpu.memref_slice %arg4[%add3A_51, %dma_start3A_59] : memref<6272x128xi32, #tpu.memory_space<hbm>> -> memref<28x128xi32, #tpu.memory_space<hbm>>
        tpu.enqueue_dma source(%dma_start3A_60 : memref<28x128xi32, #tpu.memory_space<hbm>>) target(%arg8 : memref<28x128xi32, #tpu.memory_space<vmem>>) target_semaphore(%run_scoped3A : memref<!tpu.dma_semaphore, #tpu.memory_space<semaphore_mem>>)
        %dma_wait3A_61 = arith.constant 0 : i32
        %dma_wait3A_62 = tpu.memref_slice %arg4[%add3A_51, %dma_wait3A_61] : memref<6272x128xi32, #tpu.memory_space<hbm>> -> memref<28x128xi32, #tpu.memory_space<hbm>>
        %dma_wait3A_63 = arith.constant 0 : i32
        %dma_wait3A_64 = tpu.memref_slice %arg4[%add3A_51, %dma_wait3A_63] : memref<6272x128xi32, #tpu.memory_space<hbm>> -> memref<28x128xi32, #tpu.memory_space<hbm>>
        tpu.wait_dma2 semaphore(%run_scoped3A : memref<!tpu.dma_semaphore, #tpu.memory_space<semaphore_mem>>) src(%dma_wait3A_64 : memref<28x128xi32, #tpu.memory_space<hbm>>) dst(%arg8 : memref<28x128xi32, #tpu.memory_space<vmem>>)
        tpu.yield
      }) : () -> ()
      %scan3A_52 = arith.constant 0 : i32
      %scan3A_53 = arith.constant 0 : i32
      %scan3A_54 = arith.constant 7 : i32
      %scan3A_55 = arith.addi %scan3A_53, %scan3A_54 : i32
      %scan3A_56 = arith.constant 1 : i32
      scf.for %scan3A_58 = %scan3A_53 to %scan3A_55 step %scan3A_56  : i32 {
        %mul3A_59 = arith.constant 7 : i32
        %mul3A_60 = arith.muli %scan3A_37, %mul3A_59 : i32
        %add3A_61 = arith.addi %mul3A_60, %scan3A_58 : i32
        %rem3A = arith.constant 2 : i32
        %rem3A_62 = arith.remsi %add3A_61, %rem3A : i32
        %ge3A = arith.constant 1 : i32
        %ge3A_63 = arith.cmpi sge, %add3A_61, %ge3A : i32
        %convert_element_type3A = arith.extui %ge3A_63 : i1 to i32
        %cond3A = arith.constant 0 : i32
        %cond3A_64 = arith.cmpi ne, %convert_element_type3A, %cond3A : i32
        scf.if %cond3A_64 {
          %sub3A = arith.constant 1 : i32
          %sub3A_285 = arith.subi %add3A_61, %sub3A : i32
          %sub3A_286 = arith.constant 1 : i32
          %sub3A_287 = arith.subi %sub3A_286, %rem3A_62 : i32
          %mul3A_288 = arith.constant 4 : i32
          %mul3A_289 = arith.muli %sub3A_285, %mul3A_288 : i32
          %mul3A_290 = arith.constant 128 : i32
          %mul3A_291 = arith.muli %mul3A_289, %mul3A_290 : i32
          %add3A_292 = arith.addi %mul3A_4, %mul3A_291 : i32
          %dma_wait3A_293 = arith.constant 0 : i32
          %dma_wait3A_294 = arith.constant 0 : i32
          %dma_wait3A_295 = tpu.memref_slice %arg9[%sub3A_287, %dma_wait3A_293, %dma_wait3A_294] : memref<2x512x48xf32, #tpu.memory_space<vmem>> -> memref<1x512x48xf32, #tpu.memory_space<vmem>>
          %dma_wait3A_296 = tpu.memref_squeeze %dma_wait3A_295 : memref<1x512x48xf32, #tpu.memory_space<vmem>> -> memref<512x48xf32, #tpu.memory_space<vmem>>
          %dma_wait3A_297 = arith.constant 0 : i32
          %dma_wait3A_298 = tpu.memref_slice %arg5[%add3A_292, %dma_wait3A_297] : memref<802816x128xf32, #tpu.memory_space<hbm>> -> memref<512x48xf32, #tpu.memory_space<hbm>>
          %dma_wait3A_299 = arith.constant 0 : i32
          %dma_wait3A_300 = tpu.memref_slice %arg5[%add3A_292, %dma_wait3A_299] : memref<802816x128xf32, #tpu.memory_space<hbm>> -> memref<512x48xf32, #tpu.memory_space<hbm>>
          %dma_wait3A_301 = arith.constant 0 : i32
          %dma_wait3A_302 = arith.constant 0 : i32
          %dma_wait3A_303 = tpu.memref_slice %arg9[%sub3A_287, %dma_wait3A_301, %dma_wait3A_302] : memref<2x512x48xf32, #tpu.memory_space<vmem>> -> memref<1x512x48xf32, #tpu.memory_space<vmem>>
          %dma_wait3A_304 = tpu.memref_squeeze %dma_wait3A_303 : memref<1x512x48xf32, #tpu.memory_space<vmem>> -> memref<512x48xf32, #tpu.memory_space<vmem>>
          tpu.wait_dma2 semaphore(%arg12 : memref<!tpu.dma_semaphore, #tpu.memory_space<semaphore_mem>>) src(%dma_wait3A_304 : memref<512x48xf32, #tpu.memory_space<vmem>>) dst(%dma_wait3A_300 : memref<512x48xf32, #tpu.memory_space<hbm>>)
          %dma_wait3A_305 = arith.constant 0 : i32
          %dma_wait3A_306 = arith.constant 0 : i32
          %dma_wait3A_307 = tpu.memref_slice %arg10[%sub3A_287, %dma_wait3A_305, %dma_wait3A_306] : memref<2x512x48xf32, #tpu.memory_space<vmem>> -> memref<1x512x48xf32, #tpu.memory_space<vmem>>
          %dma_wait3A_308 = tpu.memref_squeeze %dma_wait3A_307 : memref<1x512x48xf32, #tpu.memory_space<vmem>> -> memref<512x48xf32, #tpu.memory_space<vmem>>
          %dma_wait3A_309 = arith.constant 0 : i32
          %dma_wait3A_310 = tpu.memref_slice %arg6[%add3A_292, %dma_wait3A_309] : memref<802816x128xf32, #tpu.memory_space<hbm>> -> memref<512x48xf32, #tpu.memory_space<hbm>>
          %dma_wait3A_311 = arith.constant 0 : i32
          %dma_wait3A_312 = tpu.memref_slice %arg6[%add3A_292, %dma_wait3A_311] : memref<802816x128xf32, #tpu.memory_space<hbm>> -> memref<512x48xf32, #tpu.memory_space<hbm>>
          %dma_wait3A_313 = arith.constant 0 : i32
          %dma_wait3A_314 = arith.constant 0 : i32
          %dma_wait3A_315 = tpu.memref_slice %arg10[%sub3A_287, %dma_wait3A_313, %dma_wait3A_314] : memref<2x512x48xf32, #tpu.memory_space<vmem>> -> memref<1x512x48xf32, #tpu.memory_space<vmem>>
          %dma_wait3A_316 = tpu.memref_squeeze %dma_wait3A_315 : memref<1x512x48xf32, #tpu.memory_space<vmem>> -> memref<512x48xf32, #tpu.memory_space<vmem>>
          tpu.wait_dma2 semaphore(%arg12 : memref<!tpu.dma_semaphore, #tpu.memory_space<semaphore_mem>>) src(%dma_wait3A_316 : memref<512x48xf32, #tpu.memory_space<vmem>>) dst(%dma_wait3A_312 : memref<512x48xf32, #tpu.memory_space<hbm>>)
        } else {
        }
        %mul3A_65 = arith.constant 4 : i32
        %mul3A_66 = arith.muli %scan3A_58, %mul3A_65 : i32
        %add3A_67 = arith.constant 0 : i32
        %add3A_68 = arith.addi %mul3A_66, %add3A_67 : i32
        %mul3A_69 = arith.constant 4 : i32
        %mul3A_70 = arith.muli %scan3A_58, %mul3A_69 : i32
        %add3A_71 = arith.constant 0 : i32
        %add3A_72 = arith.addi %mul3A_70, %add3A_71 : i32
        %mul3A_73 = arith.constant 4 : i32
        %mul3A_74 = arith.muli %scan3A_58, %mul3A_73 : i32
        %add3A_75 = arith.constant 1 : i32
        %add3A_76 = arith.addi %mul3A_74, %add3A_75 : i32
        %mul3A_77 = arith.constant 4 : i32
        %mul3A_78 = arith.muli %scan3A_58, %mul3A_77 : i32
        %add3A_79 = arith.constant 1 : i32
        %add3A_80 = arith.addi %mul3A_78, %add3A_79 : i32
        %mul3A_81 = arith.constant 4 : i32
        %mul3A_82 = arith.muli %scan3A_58, %mul3A_81 : i32
        %add3A_83 = arith.constant 2 : i32
        %add3A_84 = arith.addi %mul3A_82, %add3A_83 : i32
        %mul3A_85 = arith.constant 4 : i32
        %mul3A_86 = arith.muli %scan3A_58, %mul3A_85 : i32
        %add3A_87 = arith.constant 2 : i32
        %add3A_88 = arith.addi %mul3A_86, %add3A_87 : i32
        %mul3A_89 = arith.constant 4 : i32
        %mul3A_90 = arith.muli %scan3A_58, %mul3A_89 : i32
        %add3A_91 = arith.constant 3 : i32
        %add3A_92 = arith.addi %mul3A_90, %add3A_91 : i32
        %mul3A_93 = arith.constant 4 : i32
        %mul3A_94 = arith.muli %scan3A_58, %mul3A_93 : i32
        %add3A_95 = arith.constant 3 : i32
        %add3A_96 = arith.addi %mul3A_94, %add3A_95 : i32
        %dma_start3A = arith.constant 0 : i32
        %dma_start3A_97 = arith.constant 0 : i32
        %dma_start3A_98 = tpu.memref_slice %arg9[%rem3A_62, %dma_start3A, %dma_start3A_97] : memref<2x512x48xf32, #tpu.memory_space<vmem>> -> memref<1x128x48xf32, #tpu.memory_space<vmem>>
        %dma_start3A_99 = tpu.memref_squeeze %dma_start3A_98 : memref<1x128x48xf32, #tpu.memory_space<vmem>> -> memref<128x48xf32, #tpu.memory_space<vmem>>
        %dma_start3A_100 = arith.constant 0 : i32
        %dma_start3A_101 = tpu.memref_slice %arg7[%add3A_68, %dma_start3A_100] : memref<28x128xi32, #tpu.memory_space<vmem>> -> memref<1x128xi32, #tpu.memory_space<vmem>>
        %dma_start3A_102 = tpu.memref_squeeze %dma_start3A_101 : memref<1x128xi32, #tpu.memory_space<vmem>> -> memref<128xi32, #tpu.memory_space<vmem>>
        %dma_start3A_103 = arith.constant 0 : i32
        %dma_start3A_104 = arith.constant 0 : i32
        %dma_start3A_105 = tpu.memref_slice %arg2[%dma_start3A_103, %dma_start3A_104] : memref<51200x48xf32, #tpu.memory_space<hbm>> -> memref<51200x48xf32, #tpu.memory_space<hbm>>
        tpu.enqueue_indirect_dma source(%dma_start3A_105 : memref<51200x48xf32, #tpu.memory_space<hbm>>) target(%dma_start3A_99 : memref<128x48xf32, #tpu.memory_space<vmem>>) offsets(%dma_start3A_102 : memref<128xi32, #tpu.memory_space<vmem>>) semaphore(%arg11 : memref<!tpu.dma_semaphore, #tpu.memory_space<semaphore_mem>>)
        %dma_start3A_106 = arith.constant 0 : i32
        %dma_start3A_107 = arith.constant 0 : i32
        %dma_start3A_108 = tpu.memref_slice %arg10[%rem3A_62, %dma_start3A_106, %dma_start3A_107] : memref<2x512x48xf32, #tpu.memory_space<vmem>> -> memref<1x128x48xf32, #tpu.memory_space<vmem>>
        %dma_start3A_109 = tpu.memref_squeeze %dma_start3A_108 : memref<1x128x48xf32, #tpu.memory_space<vmem>> -> memref<128x48xf32, #tpu.memory_space<vmem>>
        %dma_start3A_110 = arith.constant 0 : i32
        %dma_start3A_111 = tpu.memref_slice %arg8[%add3A_72, %dma_start3A_110] : memref<28x128xi32, #tpu.memory_space<vmem>> -> memref<1x128xi32, #tpu.memory_space<vmem>>
        %dma_start3A_112 = tpu.memref_squeeze %dma_start3A_111 : memref<1x128xi32, #tpu.memory_space<vmem>> -> memref<128xi32, #tpu.memory_space<vmem>>
        %dma_start3A_113 = arith.constant 0 : i32
        %dma_start3A_114 = arith.constant 0 : i32
        %dma_start3A_115 = tpu.memref_slice %arg2[%dma_start3A_113, %dma_start3A_114] : memref<51200x48xf32, #tpu.memory_space<hbm>> -> memref<51200x48xf32, #tpu.memory_space<hbm>>
        tpu.enqueue_indirect_dma source(%dma_start3A_115 : memref<51200x48xf32, #tpu.memory_space<hbm>>) target(%dma_start3A_109 : memref<128x48xf32, #tpu.memory_space<vmem>>) offsets(%dma_start3A_112 : memref<128xi32, #tpu.memory_space<vmem>>) semaphore(%arg11 : memref<!tpu.dma_semaphore, #tpu.memory_space<semaphore_mem>>)
        %dma_start3A_116 = arith.constant 128 : i32
        %dma_start3A_117 = arith.constant 0 : i32
        %dma_start3A_118 = tpu.memref_slice %arg9[%rem3A_62, %dma_start3A_116, %dma_start3A_117] : memref<2x512x48xf32, #tpu.memory_space<vmem>> -> memref<1x128x48xf32, #tpu.memory_space<vmem>>
        %dma_start3A_119 = tpu.memref_squeeze %dma_start3A_118 : memref<1x128x48xf32, #tpu.memory_space<vmem>> -> memref<128x48xf32, #tpu.memory_space<vmem>>
        %dma_start3A_120 = arith.constant 0 : i32
        %dma_start3A_121 = tpu.memref_slice %arg7[%add3A_76, %dma_start3A_120] : memref<28x128xi32, #tpu.memory_space<vmem>> -> memref<1x128xi32, #tpu.memory_space<vmem>>
        %dma_start3A_122 = tpu.memref_squeeze %dma_start3A_121 : memref<1x128xi32, #tpu.memory_space<vmem>> -> memref<128xi32, #tpu.memory_space<vmem>>
        %dma_start3A_123 = arith.constant 0 : i32
        %dma_start3A_124 = arith.constant 0 : i32
        %dma_start3A_125 = tpu.memref_slice %arg2[%dma_start3A_123, %dma_start3A_124] : memref<51200x48xf32, #tpu.memory_space<hbm>> -> memref<51200x48xf32, #tpu.memory_space<hbm>>
        tpu.enqueue_indirect_dma source(%dma_start3A_125 : memref<51200x48xf32, #tpu.memory_space<hbm>>) target(%dma_start3A_119 : memref<128x48xf32, #tpu.memory_space<vmem>>) offsets(%dma_start3A_122 : memref<128xi32, #tpu.memory_space<vmem>>) semaphore(%arg11 : memref<!tpu.dma_semaphore, #tpu.memory_space<semaphore_mem>>)
        %dma_start3A_126 = arith.constant 128 : i32
        %dma_start3A_127 = arith.constant 0 : i32
        %dma_start3A_128 = tpu.memref_slice %arg10[%rem3A_62, %dma_start3A_126, %dma_start3A_127] : memref<2x512x48xf32, #tpu.memory_space<vmem>> -> memref<1x128x48xf32, #tpu.memory_space<vmem>>
        %dma_start3A_129 = tpu.memref_squeeze %dma_start3A_128 : memref<1x128x48xf32, #tpu.memory_space<vmem>> -> memref<128x48xf32, #tpu.memory_space<vmem>>
        %dma_start3A_130 = arith.constant 0 : i32
        %dma_start3A_131 = tpu.memref_slice %arg8[%add3A_80, %dma_start3A_130] : memref<28x128xi32, #tpu.memory_space<vmem>> -> memref<1x128xi32, #tpu.memory_space<vmem>>
        %dma_start3A_132 = tpu.memref_squeeze %dma_start3A_131 : memref<1x128xi32, #tpu.memory_space<vmem>> -> memref<128xi32, #tpu.memory_space<vmem>>
        %dma_start3A_133 = arith.constant 0 : i32
        %dma_start3A_134 = arith.constant 0 : i32
        %dma_start3A_135 = tpu.memref_slice %arg2[%dma_start3A_133, %dma_start3A_134] : memref<51200x48xf32, #tpu.memory_space<hbm>> -> memref<51200x48xf32, #tpu.memory_space<hbm>>
        tpu.enqueue_indirect_dma source(%dma_start3A_135 : memref<51200x48xf32, #tpu.memory_space<hbm>>) target(%dma_start3A_129 : memref<128x48xf32, #tpu.memory_space<vmem>>) offsets(%dma_start3A_132 : memref<128xi32, #tpu.memory_space<vmem>>) semaphore(%arg11 : memref<!tpu.dma_semaphore, #tpu.memory_space<semaphore_mem>>)
        %dma_start3A_136 = arith.constant 256 : i32
        %dma_start3A_137 = arith.constant 0 : i32
        %dma_start3A_138 = tpu.memref_slice %arg9[%rem3A_62, %dma_start3A_136, %dma_start3A_137] : memref<2x512x48xf32, #tpu.memory_space<vmem>> -> memref<1x128x48xf32, #tpu.memory_space<vmem>>
        %dma_start3A_139 = tpu.memref_squeeze %dma_start3A_138 : memref<1x128x48xf32, #tpu.memory_space<vmem>> -> memref<128x48xf32, #tpu.memory_space<vmem>>
        %dma_start3A_140 = arith.constant 0 : i32
        %dma_start3A_141 = tpu.memref_slice %arg7[%add3A_84, %dma_start3A_140] : memref<28x128xi32, #tpu.memory_space<vmem>> -> memref<1x128xi32, #tpu.memory_space<vmem>>
        %dma_start3A_142 = tpu.memref_squeeze %dma_start3A_141 : memref<1x128xi32, #tpu.memory_space<vmem>> -> memref<128xi32, #tpu.memory_space<vmem>>
        %dma_start3A_143 = arith.constant 0 : i32
        %dma_start3A_144 = arith.constant 0 : i32
        %dma_start3A_145 = tpu.memref_slice %arg2[%dma_start3A_143, %dma_start3A_144] : memref<51200x48xf32, #tpu.memory_space<hbm>> -> memref<51200x48xf32, #tpu.memory_space<hbm>>
        tpu.enqueue_indirect_dma source(%dma_start3A_145 : memref<51200x48xf32, #tpu.memory_space<hbm>>) target(%dma_start3A_139 : memref<128x48xf32, #tpu.memory_space<vmem>>) offsets(%dma_start3A_142 : memref<128xi32, #tpu.memory_space<vmem>>) semaphore(%arg11 : memref<!tpu.dma_semaphore, #tpu.memory_space<semaphore_mem>>)
        %dma_start3A_146 = arith.constant 256 : i32
        %dma_start3A_147 = arith.constant 0 : i32
        %dma_start3A_148 = tpu.memref_slice %arg10[%rem3A_62, %dma_start3A_146, %dma_start3A_147] : memref<2x512x48xf32, #tpu.memory_space<vmem>> -> memref<1x128x48xf32, #tpu.memory_space<vmem>>
        %dma_start3A_149 = tpu.memref_squeeze %dma_start3A_148 : memref<1x128x48xf32, #tpu.memory_space<vmem>> -> memref<128x48xf32, #tpu.memory_space<vmem>>
        %dma_start3A_150 = arith.constant 0 : i32
        %dma_start3A_151 = tpu.memref_slice %arg8[%add3A_88, %dma_start3A_150] : memref<28x128xi32, #tpu.memory_space<vmem>> -> memref<1x128xi32, #tpu.memory_space<vmem>>
        %dma_start3A_152 = tpu.memref_squeeze %dma_start3A_151 : memref<1x128xi32, #tpu.memory_space<vmem>> -> memref<128xi32, #tpu.memory_space<vmem>>
        %dma_start3A_153 = arith.constant 0 : i32
        %dma_start3A_154 = arith.constant 0 : i32
        %dma_start3A_155 = tpu.memref_slice %arg2[%dma_start3A_153, %dma_start3A_154] : memref<51200x48xf32, #tpu.memory_space<hbm>> -> memref<51200x48xf32, #tpu.memory_space<hbm>>
        tpu.enqueue_indirect_dma source(%dma_start3A_155 : memref<51200x48xf32, #tpu.memory_space<hbm>>) target(%dma_start3A_149 : memref<128x48xf32, #tpu.memory_space<vmem>>) offsets(%dma_start3A_152 : memref<128xi32, #tpu.memory_space<vmem>>) semaphore(%arg11 : memref<!tpu.dma_semaphore, #tpu.memory_space<semaphore_mem>>)
        %dma_start3A_156 = arith.constant 384 : i32
        %dma_start3A_157 = arith.constant 0 : i32
        %dma_start3A_158 = tpu.memref_slice %arg9[%rem3A_62, %dma_start3A_156, %dma_start3A_157] : memref<2x512x48xf32, #tpu.memory_space<vmem>> -> memref<1x128x48xf32, #tpu.memory_space<vmem>>
        %dma_start3A_159 = tpu.memref_squeeze %dma_start3A_158 : memref<1x128x48xf32, #tpu.memory_space<vmem>> -> memref<128x48xf32, #tpu.memory_space<vmem>>
        %dma_start3A_160 = arith.constant 0 : i32
        %dma_start3A_161 = tpu.memref_slice %arg7[%add3A_92, %dma_start3A_160] : memref<28x128xi32, #tpu.memory_space<vmem>> -> memref<1x128xi32, #tpu.memory_space<vmem>>
        %dma_start3A_162 = tpu.memref_squeeze %dma_start3A_161 : memref<1x128xi32, #tpu.memory_space<vmem>> -> memref<128xi32, #tpu.memory_space<vmem>>
        %dma_start3A_163 = arith.constant 0 : i32
        %dma_start3A_164 = arith.constant 0 : i32
        %dma_start3A_165 = tpu.memref_slice %arg2[%dma_start3A_163, %dma_start3A_164] : memref<51200x48xf32, #tpu.memory_space<hbm>> -> memref<51200x48xf32, #tpu.memory_space<hbm>>
        tpu.enqueue_indirect_dma source(%dma_start3A_165 : memref<51200x48xf32, #tpu.memory_space<hbm>>) target(%dma_start3A_159 : memref<128x48xf32, #tpu.memory_space<vmem>>) offsets(%dma_start3A_162 : memref<128xi32, #tpu.memory_space<vmem>>) semaphore(%arg11 : memref<!tpu.dma_semaphore, #tpu.memory_space<semaphore_mem>>)
        %dma_start3A_166 = arith.constant 384 : i32
        %dma_start3A_167 = arith.constant 0 : i32
        %dma_start3A_168 = tpu.memref_slice %arg10[%rem3A_62, %dma_start3A_166, %dma_start3A_167] : memref<2x512x48xf32, #tpu.memory_space<vmem>> -> memref<1x128x48xf32, #tpu.memory_space<vmem>>
        %dma_start3A_169 = tpu.memref_squeeze %dma_start3A_168 : memref<1x128x48xf32, #tpu.memory_space<vmem>> -> memref<128x48xf32, #tpu.memory_space<vmem>>
        %dma_start3A_170 = arith.constant 0 : i32
        %dma_start3A_171 = tpu.memref_slice %arg8[%add3A_96, %dma_start3A_170] : memref<28x128xi32, #tpu.memory_space<vmem>> -> memref<1x128xi32, #tpu.memory_space<vmem>>
        %dma_start3A_172 = tpu.memref_squeeze %dma_start3A_171 : memref<1x128xi32, #tpu.memory_space<vmem>> -> memref<128xi32, #tpu.memory_space<vmem>>
        %dma_start3A_173 = arith.constant 0 : i32
        %dma_start3A_174 = arith.constant 0 : i32
        %dma_start3A_175 = tpu.memref_slice %arg2[%dma_start3A_173, %dma_start3A_174] : memref<51200x48xf32, #tpu.memory_space<hbm>> -> memref<51200x48xf32, #tpu.memory_space<hbm>>
        tpu.enqueue_indirect_dma source(%dma_start3A_175 : memref<51200x48xf32, #tpu.memory_space<hbm>>) target(%dma_start3A_169 : memref<128x48xf32, #tpu.memory_space<vmem>>) offsets(%dma_start3A_172 : memref<128xi32, #tpu.memory_space<vmem>>) semaphore(%arg11 : memref<!tpu.dma_semaphore, #tpu.memory_space<semaphore_mem>>)
        %dma_wait3A_176 = arith.constant 0 : i32
        %dma_wait3A_177 = arith.constant 0 : i32
        %dma_wait3A_178 = tpu.memref_slice %arg9[%rem3A_62, %dma_wait3A_176, %dma_wait3A_177] : memref<2x512x48xf32, #tpu.memory_space<vmem>> -> memref<1x128x48xf32, #tpu.memory_space<vmem>>
        %dma_wait3A_179 = tpu.memref_squeeze %dma_wait3A_178 : memref<1x128x48xf32, #tpu.memory_space<vmem>> -> memref<128x48xf32, #tpu.memory_space<vmem>>
        %dma_wait3A_180 = arith.constant 0 : i32
        %dma_wait3A_181 = tpu.memref_slice %arg7[%add3A_68, %dma_wait3A_180] : memref<28x128xi32, #tpu.memory_space<vmem>> -> memref<1x128xi32, #tpu.memory_space<vmem>>
        %dma_wait3A_182 = tpu.memref_squeeze %dma_wait3A_181 : memref<1x128xi32, #tpu.memory_space<vmem>> -> memref<128xi32, #tpu.memory_space<vmem>>
        %dma_wait3A_183 = arith.constant 0 : i32
        %dma_wait3A_184 = arith.constant 0 : i32
        %dma_wait3A_185 = tpu.memref_slice %arg2[%dma_wait3A_183, %dma_wait3A_184] : memref<51200x48xf32, #tpu.memory_space<hbm>> -> memref<51200x48xf32, #tpu.memory_space<hbm>>
        tpu.wait_indirect_dma semaphore(%arg11 : memref<!tpu.dma_semaphore, #tpu.memory_space<semaphore_mem>>) src(%dma_wait3A_185 : memref<51200x48xf32, #tpu.memory_space<hbm>>) dst(%dma_wait3A_179 : memref<128x48xf32, #tpu.memory_space<vmem>>)
        %dma_wait3A_186 = arith.constant 0 : i32
        %dma_wait3A_187 = arith.constant 0 : i32
        %dma_wait3A_188 = tpu.memref_slice %arg10[%rem3A_62, %dma_wait3A_186, %dma_wait3A_187] : memref<2x512x48xf32, #tpu.memory_space<vmem>> -> memref<1x128x48xf32, #tpu.memory_space<vmem>>
        %dma_wait3A_189 = tpu.memref_squeeze %dma_wait3A_188 : memref<1x128x48xf32, #tpu.memory_space<vmem>> -> memref<128x48xf32, #tpu.memory_space<vmem>>
        %dma_wait3A_190 = arith.constant 0 : i32
        %dma_wait3A_191 = tpu.memref_slice %arg8[%add3A_72, %dma_wait3A_190] : memref<28x128xi32, #tpu.memory_space<vmem>> -> memref<1x128xi32, #tpu.memory_space<vmem>>
        %dma_wait3A_192 = tpu.memref_squeeze %dma_wait3A_191 : memref<1x128xi32, #tpu.memory_space<vmem>> -> memref<128xi32, #tpu.memory_space<vmem>>
        %dma_wait3A_193 = arith.constant 0 : i32
        %dma_wait3A_194 = arith.constant 0 : i32
        %dma_wait3A_195 = tpu.memref_slice %arg2[%dma_wait3A_193, %dma_wait3A_194] : memref<51200x48xf32, #tpu.memory_space<hbm>> -> memref<51200x48xf32, #tpu.memory_space<hbm>>
        tpu.wait_indirect_dma semaphore(%arg11 : memref<!tpu.dma_semaphore, #tpu.memory_space<semaphore_mem>>) src(%dma_wait3A_195 : memref<51200x48xf32, #tpu.memory_space<hbm>>) dst(%dma_wait3A_189 : memref<128x48xf32, #tpu.memory_space<vmem>>)
        %dma_wait3A_196 = arith.constant 128 : i32
        %dma_wait3A_197 = arith.constant 0 : i32
        %dma_wait3A_198 = tpu.memref_slice %arg9[%rem3A_62, %dma_wait3A_196, %dma_wait3A_197] : memref<2x512x48xf32, #tpu.memory_space<vmem>> -> memref<1x128x48xf32, #tpu.memory_space<vmem>>
        %dma_wait3A_199 = tpu.memref_squeeze %dma_wait3A_198 : memref<1x128x48xf32, #tpu.memory_space<vmem>> -> memref<128x48xf32, #tpu.memory_space<vmem>>
        %dma_wait3A_200 = arith.constant 0 : i32
        %dma_wait3A_201 = tpu.memref_slice %arg7[%add3A_76, %dma_wait3A_200] : memref<28x128xi32, #tpu.memory_space<vmem>> -> memref<1x128xi32, #tpu.memory_space<vmem>>
        %dma_wait3A_202 = tpu.memref_squeeze %dma_wait3A_201 : memref<1x128xi32, #tpu.memory_space<vmem>> -> memref<128xi32, #tpu.memory_space<vmem>>
        %dma_wait3A_203 = arith.constant 0 : i32
        %dma_wait3A_204 = arith.constant 0 : i32
        %dma_wait3A_205 = tpu.memref_slice %arg2[%dma_wait3A_203, %dma_wait3A_204] : memref<51200x48xf32, #tpu.memory_space<hbm>> -> memref<51200x48xf32, #tpu.memory_space<hbm>>
        tpu.wait_indirect_dma semaphore(%arg11 : memref<!tpu.dma_semaphore, #tpu.memory_space<semaphore_mem>>) src(%dma_wait3A_205 : memref<51200x48xf32, #tpu.memory_space<hbm>>) dst(%dma_wait3A_199 : memref<128x48xf32, #tpu.memory_space<vmem>>)
        %dma_wait3A_206 = arith.constant 128 : i32
        %dma_wait3A_207 = arith.constant 0 : i32
        %dma_wait3A_208 = tpu.memref_slice %arg10[%rem3A_62, %dma_wait3A_206, %dma_wait3A_207] : memref<2x512x48xf32, #tpu.memory_space<vmem>> -> memref<1x128x48xf32, #tpu.memory_space<vmem>>
        %dma_wait3A_209 = tpu.memref_squeeze %dma_wait3A_208 : memref<1x128x48xf32, #tpu.memory_space<vmem>> -> memref<128x48xf32, #tpu.memory_space<vmem>>
        %dma_wait3A_210 = arith.constant 0 : i32
        %dma_wait3A_211 = tpu.memref_slice %arg8[%add3A_80, %dma_wait3A_210] : memref<28x128xi32, #tpu.memory_space<vmem>> -> memref<1x128xi32, #tpu.memory_space<vmem>>
        %dma_wait3A_212 = tpu.memref_squeeze %dma_wait3A_211 : memref<1x128xi32, #tpu.memory_space<vmem>> -> memref<128xi32, #tpu.memory_space<vmem>>
        %dma_wait3A_213 = arith.constant 0 : i32
        %dma_wait3A_214 = arith.constant 0 : i32
        %dma_wait3A_215 = tpu.memref_slice %arg2[%dma_wait3A_213, %dma_wait3A_214] : memref<51200x48xf32, #tpu.memory_space<hbm>> -> memref<51200x48xf32, #tpu.memory_space<hbm>>
        tpu.wait_indirect_dma semaphore(%arg11 : memref<!tpu.dma_semaphore, #tpu.memory_space<semaphore_mem>>) src(%dma_wait3A_215 : memref<51200x48xf32, #tpu.memory_space<hbm>>) dst(%dma_wait3A_209 : memref<128x48xf32, #tpu.memory_space<vmem>>)
        %dma_wait3A_216 = arith.constant 256 : i32
        %dma_wait3A_217 = arith.constant 0 : i32
        %dma_wait3A_218 = tpu.memref_slice %arg9[%rem3A_62, %dma_wait3A_216, %dma_wait3A_217] : memref<2x512x48xf32, #tpu.memory_space<vmem>> -> memref<1x128x48xf32, #tpu.memory_space<vmem>>
        %dma_wait3A_219 = tpu.memref_squeeze %dma_wait3A_218 : memref<1x128x48xf32, #tpu.memory_space<vmem>> -> memref<128x48xf32, #tpu.memory_space<vmem>>
        %dma_wait3A_220 = arith.constant 0 : i32
        %dma_wait3A_221 = tpu.memref_slice %arg7[%add3A_84, %dma_wait3A_220] : memref<28x128xi32, #tpu.memory_space<vmem>> -> memref<1x128xi32, #tpu.memory_space<vmem>>
        %dma_wait3A_222 = tpu.memref_squeeze %dma_wait3A_221 : memref<1x128xi32, #tpu.memory_space<vmem>> -> memref<128xi32, #tpu.memory_space<vmem>>
        %dma_wait3A_223 = arith.constant 0 : i32
        %dma_wait3A_224 = arith.constant 0 : i32
        %dma_wait3A_225 = tpu.memref_slice %arg2[%dma_wait3A_223, %dma_wait3A_224] : memref<51200x48xf32, #tpu.memory_space<hbm>> -> memref<51200x48xf32, #tpu.memory_space<hbm>>
        tpu.wait_indirect_dma semaphore(%arg11 : memref<!tpu.dma_semaphore, #tpu.memory_space<semaphore_mem>>) src(%dma_wait3A_225 : memref<51200x48xf32, #tpu.memory_space<hbm>>) dst(%dma_wait3A_219 : memref<128x48xf32, #tpu.memory_space<vmem>>)
        %dma_wait3A_226 = arith.constant 256 : i32
        %dma_wait3A_227 = arith.constant 0 : i32
        %dma_wait3A_228 = tpu.memref_slice %arg10[%rem3A_62, %dma_wait3A_226, %dma_wait3A_227] : memref<2x512x48xf32, #tpu.memory_space<vmem>> -> memref<1x128x48xf32, #tpu.memory_space<vmem>>
        %dma_wait3A_229 = tpu.memref_squeeze %dma_wait3A_228 : memref<1x128x48xf32, #tpu.memory_space<vmem>> -> memref<128x48xf32, #tpu.memory_space<vmem>>
        %dma_wait3A_230 = arith.constant 0 : i32
        %dma_wait3A_231 = tpu.memref_slice %arg8[%add3A_88, %dma_wait3A_230] : memref<28x128xi32, #tpu.memory_space<vmem>> -> memref<1x128xi32, #tpu.memory_space<vmem>>
        %dma_wait3A_232 = tpu.memref_squeeze %dma_wait3A_231 : memref<1x128xi32, #tpu.memory_space<vmem>> -> memref<128xi32, #tpu.memory_space<vmem>>
        %dma_wait3A_233 = arith.constant 0 : i32
        %dma_wait3A_234 = arith.constant 0 : i32
        %dma_wait3A_235 = tpu.memref_slice %arg2[%dma_wait3A_233, %dma_wait3A_234] : memref<51200x48xf32, #tpu.memory_space<hbm>> -> memref<51200x48xf32, #tpu.memory_space<hbm>>
        tpu.wait_indirect_dma semaphore(%arg11 : memref<!tpu.dma_semaphore, #tpu.memory_space<semaphore_mem>>) src(%dma_wait3A_235 : memref<51200x48xf32, #tpu.memory_space<hbm>>) dst(%dma_wait3A_229 : memref<128x48xf32, #tpu.memory_space<vmem>>)
        %dma_wait3A_236 = arith.constant 384 : i32
        %dma_wait3A_237 = arith.constant 0 : i32
        %dma_wait3A_238 = tpu.memref_slice %arg9[%rem3A_62, %dma_wait3A_236, %dma_wait3A_237] : memref<2x512x48xf32, #tpu.memory_space<vmem>> -> memref<1x128x48xf32, #tpu.memory_space<vmem>>
        %dma_wait3A_239 = tpu.memref_squeeze %dma_wait3A_238 : memref<1x128x48xf32, #tpu.memory_space<vmem>> -> memref<128x48xf32, #tpu.memory_space<vmem>>
        %dma_wait3A_240 = arith.constant 0 : i32
        %dma_wait3A_241 = tpu.memref_slice %arg7[%add3A_92, %dma_wait3A_240] : memref<28x128xi32, #tpu.memory_space<vmem>> -> memref<1x128xi32, #tpu.memory_space<vmem>>
        %dma_wait3A_242 = tpu.memref_squeeze %dma_wait3A_241 : memref<1x128xi32, #tpu.memory_space<vmem>> -> memref<128xi32, #tpu.memory_space<vmem>>
        %dma_wait3A_243 = arith.constant 0 : i32
        %dma_wait3A_244 = arith.constant 0 : i32
        %dma_wait3A_245 = tpu.memref_slice %arg2[%dma_wait3A_243, %dma_wait3A_244] : memref<51200x48xf32, #tpu.memory_space<hbm>> -> memref<51200x48xf32, #tpu.memory_space<hbm>>
        tpu.wait_indirect_dma semaphore(%arg11 : memref<!tpu.dma_semaphore, #tpu.memory_space<semaphore_mem>>) src(%dma_wait3A_245 : memref<51200x48xf32, #tpu.memory_space<hbm>>) dst(%dma_wait3A_239 : memref<128x48xf32, #tpu.memory_space<vmem>>)
        %dma_wait3A_246 = arith.constant 384 : i32
        %dma_wait3A_247 = arith.constant 0 : i32
        %dma_wait3A_248 = tpu.memref_slice %arg10[%rem3A_62, %dma_wait3A_246, %dma_wait3A_247] : memref<2x512x48xf32, #tpu.memory_space<vmem>> -> memref<1x128x48xf32, #tpu.memory_space<vmem>>
        %dma_wait3A_249 = tpu.memref_squeeze %dma_wait3A_248 : memref<1x128x48xf32, #tpu.memory_space<vmem>> -> memref<128x48xf32, #tpu.memory_space<vmem>>
        %dma_wait3A_250 = arith.constant 0 : i32
        %dma_wait3A_251 = tpu.memref_slice %arg8[%add3A_96, %dma_wait3A_250] : memref<28x128xi32, #tpu.memory_space<vmem>> -> memref<1x128xi32, #tpu.memory_space<vmem>>
        %dma_wait3A_252 = tpu.memref_squeeze %dma_wait3A_251 : memref<1x128xi32, #tpu.memory_space<vmem>> -> memref<128xi32, #tpu.memory_space<vmem>>
        %dma_wait3A_253 = arith.constant 0 : i32
        %dma_wait3A_254 = arith.constant 0 : i32
        %dma_wait3A_255 = tpu.memref_slice %arg2[%dma_wait3A_253, %dma_wait3A_254] : memref<51200x48xf32, #tpu.memory_space<hbm>> -> memref<51200x48xf32, #tpu.memory_space<hbm>>
        tpu.wait_indirect_dma semaphore(%arg11 : memref<!tpu.dma_semaphore, #tpu.memory_space<semaphore_mem>>) src(%dma_wait3A_255 : memref<51200x48xf32, #tpu.memory_space<hbm>>) dst(%dma_wait3A_249 : memref<128x48xf32, #tpu.memory_space<vmem>>)
        %mul3A_256 = arith.constant 4 : i32
        %mul3A_257 = arith.muli %add3A_61, %mul3A_256 : i32
        %mul3A_258 = arith.constant 128 : i32
        %mul3A_259 = arith.muli %mul3A_257, %mul3A_258 : i32
        %add3A_260 = arith.addi %mul3A_4, %mul3A_259 : i32
        %dma_start3A_261 = arith.constant 0 : i32
        %dma_start3A_262 = arith.constant 0 : i32
        %dma_start3A_263 = tpu.memref_slice %arg9[%rem3A_62, %dma_start3A_261, %dma_start3A_262] : memref<2x512x48xf32, #tpu.memory_space<vmem>> -> memref<1x512x48xf32, #tpu.memory_space<vmem>>
        %dma_start3A_264 = tpu.memref_squeeze %dma_start3A_263 : memref<1x512x48xf32, #tpu.memory_space<vmem>> -> memref<512x48xf32, #tpu.memory_space<vmem>>
        %dma_start3A_265 = arith.constant 0 : i32
        %dma_start3A_266 = tpu.memref_slice %arg5[%add3A_260, %dma_start3A_265] : memref<802816x128xf32, #tpu.memory_space<hbm>> -> memref<512x48xf32, #tpu.memory_space<hbm>>
        %dma_start3A_267 = arith.constant 0 : i32
        %dma_start3A_268 = tpu.memref_slice %arg5[%add3A_260, %dma_start3A_267] : memref<802816x128xf32, #tpu.memory_space<hbm>> -> memref<512x48xf32, #tpu.memory_space<hbm>>
        %dma_start3A_269 = arith.constant 0 : i32
        %dma_start3A_270 = arith.constant 0 : i32
        %dma_start3A_271 = tpu.memref_slice %arg9[%rem3A_62, %dma_start3A_269, %dma_start3A_270] : memref<2x512x48xf32, #tpu.memory_space<vmem>> -> memref<1x512x48xf32, #tpu.memory_space<vmem>>
        %dma_start3A_272 = tpu.memref_squeeze %dma_start3A_271 : memref<1x512x48xf32, #tpu.memory_space<vmem>> -> memref<512x48xf32, #tpu.memory_space<vmem>>
        tpu.enqueue_dma source(%dma_start3A_272 : memref<512x48xf32, #tpu.memory_space<vmem>>) target(%dma_start3A_268 : memref<512x48xf32, #tpu.memory_space<hbm>>) target_semaphore(%arg12 : memref<!tpu.dma_semaphore, #tpu.memory_space<semaphore_mem>>)
        %dma_start3A_273 = arith.constant 0 : i32
        %dma_start3A_274 = arith.constant 0 : i32
        %dma_start3A_275 = tpu.memref_slice %arg10[%rem3A_62, %dma_start3A_273, %dma_start3A_274] : memref<2x512x48xf32, #tpu.memory_space<vmem>> -> memref<1x512x48xf32, #tpu.memory_space<vmem>>
        %dma_start3A_276 = tpu.memref_squeeze %dma_start3A_275 : memref<1x512x48xf32, #tpu.memory_space<vmem>> -> memref<512x48xf32, #tpu.memory_space<vmem>>
        %dma_start3A_277 = arith.constant 0 : i32
        %dma_start3A_278 = tpu.memref_slice %arg6[%add3A_260, %dma_start3A_277] : memref<802816x128xf32, #tpu.memory_space<hbm>> -> memref<512x48xf32, #tpu.memory_space<hbm>>
        %dma_start3A_279 = arith.constant 0 : i32
        %dma_start3A_280 = tpu.memref_slice %arg6[%add3A_260, %dma_start3A_279] : memref<802816x128xf32, #tpu.memory_space<hbm>> -> memref<512x48xf32, #tpu.memory_space<hbm>>
        %dma_start3A_281 = arith.constant 0 : i32
        %dma_start3A_282 = arith.constant 0 : i32
        %dma_start3A_283 = tpu.memref_slice %arg10[%rem3A_62, %dma_start3A_281, %dma_start3A_282] : memref<2x512x48xf32, #tpu.memory_space<vmem>> -> memref<1x512x48xf32, #tpu.memory_space<vmem>>
        %dma_start3A_284 = tpu.memref_squeeze %dma_start3A_283 : memref<1x512x48xf32, #tpu.memory_space<vmem>> -> memref<512x48xf32, #tpu.memory_space<vmem>>
        tpu.enqueue_dma source(%dma_start3A_284 : memref<512x48xf32, #tpu.memory_space<vmem>>) target(%dma_start3A_280 : memref<512x48xf32, #tpu.memory_space<hbm>>) target_semaphore(%arg12 : memref<!tpu.dma_semaphore, #tpu.memory_space<semaphore_mem>>)
      }
      %scan3A_57 = arith.constant 7 : i32
    }
    %scan3A_9 = arith.constant 7 : i32
    %add3A_10 = arith.constant 24576 : i32
    %add3A_11 = arith.addi %mul3A_4, %add3A_10 : i32
    %dma_wait3A = arith.constant 0 : i32
    %dma_wait3A_12 = arith.constant 0 : i32
    %dma_wait3A_13 = arith.constant 0 : i32
    %dma_wait3A_14 = tpu.memref_slice %arg9[%dma_wait3A, %dma_wait3A_12, %dma_wait3A_13] : memref<2x512x48xf32, #tpu.memory_space<vmem>> -> memref<1x512x48xf32, #tpu.memory_space<vmem>>
    %dma_wait3A_15 = tpu.memref_squeeze %dma_wait3A_14 : memref<1x512x48xf32, #tpu.memory_space<vmem>> -> memref<512x48xf32, #tpu.memory_space<vmem>>
    %dma_wait3A_16 = arith.constant 0 : i32
    %dma_wait3A_17 = tpu.memref_slice %arg5[%add3A_11, %dma_wait3A_16] : memref<802816x128xf32, #tpu.memory_space<hbm>> -> memref<512x48xf32, #tpu.memory_space<hbm>>
    %dma_wait3A_18 = arith.constant 0 : i32
    %dma_wait3A_19 = tpu.memref_slice %arg5[%add3A_11, %dma_wait3A_18] : memref<802816x128xf32, #tpu.memory_space<hbm>> -> memref<512x48xf32, #tpu.memory_space<hbm>>
    %dma_wait3A_20 = arith.constant 0 : i32
    %dma_wait3A_21 = arith.constant 0 : i32
    %dma_wait3A_22 = tpu.memref_slice %arg9[%dma_wait3A, %dma_wait3A_20, %dma_wait3A_21] : memref<2x512x48xf32, #tpu.memory_space<vmem>> -> memref<1x512x48xf32, #tpu.memory_space<vmem>>
    %dma_wait3A_23 = tpu.memref_squeeze %dma_wait3A_22 : memref<1x512x48xf32, #tpu.memory_space<vmem>> -> memref<512x48xf32, #tpu.memory_space<vmem>>
    tpu.wait_dma2 semaphore(%arg12 : memref<!tpu.dma_semaphore, #tpu.memory_space<semaphore_mem>>) src(%dma_wait3A_23 : memref<512x48xf32, #tpu.memory_space<vmem>>) dst(%dma_wait3A_19 : memref<512x48xf32, #tpu.memory_space<hbm>>)
    %dma_wait3A_24 = arith.constant 0 : i32
    %dma_wait3A_25 = arith.constant 0 : i32
    %dma_wait3A_26 = arith.constant 0 : i32
    %dma_wait3A_27 = tpu.memref_slice %arg10[%dma_wait3A_24, %dma_wait3A_25, %dma_wait3A_26] : memref<2x512x48xf32, #tpu.memory_space<vmem>> -> memref<1x512x48xf32, #tpu.memory_space<vmem>>
    %dma_wait3A_28 = tpu.memref_squeeze %dma_wait3A_27 : memref<1x512x48xf32, #tpu.memory_space<vmem>> -> memref<512x48xf32, #tpu.memory_space<vmem>>
    %dma_wait3A_29 = arith.constant 0 : i32
    %dma_wait3A_30 = tpu.memref_slice %arg6[%add3A_11, %dma_wait3A_29] : memref<802816x128xf32, #tpu.memory_space<hbm>> -> memref<512x48xf32, #tpu.memory_space<hbm>>
    %dma_wait3A_31 = arith.constant 0 : i32
    %dma_wait3A_32 = tpu.memref_slice %arg6[%add3A_11, %dma_wait3A_31] : memref<802816x128xf32, #tpu.memory_space<hbm>> -> memref<512x48xf32, #tpu.memory_space<hbm>>
    %dma_wait3A_33 = arith.constant 0 : i32
    %dma_wait3A_34 = arith.constant 0 : i32
    %dma_wait3A_35 = tpu.memref_slice %arg10[%dma_wait3A_24, %dma_wait3A_33, %dma_wait3A_34] : memref<2x512x48xf32, #tpu.memory_space<vmem>> -> memref<1x512x48xf32, #tpu.memory_space<vmem>>
    %dma_wait3A_36 = tpu.memref_squeeze %dma_wait3A_35 : memref<1x512x48xf32, #tpu.memory_space<vmem>> -> memref<512x48xf32, #tpu.memory_space<vmem>>
    tpu.wait_dma2 semaphore(%arg12 : memref<!tpu.dma_semaphore, #tpu.memory_space<semaphore_mem>>) src(%dma_wait3A_36 : memref<512x48xf32, #tpu.memory_space<vmem>>) dst(%dma_wait3A_32 : memref<512x48xf32, #tpu.memory_space<hbm>>)
    return
  }
}

#map = affine_map<(d0, d1) -> (0, 0)>
module attributes {stable_mosaic.version = 14 : i64} {
  func.func @scatter(%arg0: i32, %arg1: i32, %arg2: memref<802816x128xf32, #tpu.memory_space<hbm>>, %arg3: memref<6272x128xi32, #tpu.memory_space<hbm>>, %arg4: memref<3200x128xf32, #tpu.memory_space<hbm>>, %arg5: memref<102400x128xf32, #tpu.memory_space<hbm>>, %arg6: memref<51200x8xf32, #tpu.memory_space<vmem_shared>>, %arg7: memref<49x128xi32, #tpu.memory_space<vmem>>, %arg8: memref<2x128x8xf32, #tpu.memory_space<vmem>>, %arg9: memref<!tpu.dma_semaphore, #tpu.memory_space<semaphore_mem>>) attributes {dimension_semantics = [#tpu.dimension_semantics<core_parallel>, #tpu.dimension_semantics<subcore_parallel>], iteration_bounds = array<i64: 2, 16>, scalar_prefetch = 0 : i64, scratch_operands = 4 : i64, tpu.core_type = #tpu.core_type<sc_vector_subcore>, window_params = [{transform_indices = #map}, {transform_indices = #map}, {transform_indices = #map}, {transform_indices = #map}]} {
    %mul3A = arith.constant 2 : i32
    %mul3A_0 = arith.muli %arg1, %mul3A : i32
    %add3A = arith.addi %mul3A_0, %arg0 : i32
    %mul3A_1 = arith.constant 196 : i32
    %mul3A_2 = arith.muli %add3A, %mul3A_1 : i32
    %mul3A_3 = arith.constant 128 : i32
    %mul3A_4 = arith.muli %mul3A_2, %mul3A_3 : i32
    %mul3A_5 = arith.constant 3200 : i32
    %mul3A_6 = arith.muli %arg1, %mul3A_5 : i32
    "tpu.region"() ({
      %run_scoped3A = tpu.sem_alloc : memref<!tpu.dma_semaphore, #tpu.memory_space<semaphore_mem>>
      %dma_start3A = arith.constant 0 : i32
      %dma_start3A_20 = tpu.memref_slice %arg6[%mul3A_6, %dma_start3A] : memref<51200x8xf32, #tpu.memory_space<vmem_shared>> -> memref<3200x8xf32, #tpu.memory_space<vmem_shared>>
      %dma_start3A_21 = arith.constant 0 : i32
      %dma_start3A_22 = arith.constant 0 : i32
      %dma_start3A_23 = tpu.memref_slice %arg4[%dma_start3A_21, %dma_start3A_22] : memref<3200x128xf32, #tpu.memory_space<hbm>> -> memref<3200x8xf32, #tpu.memory_space<hbm>>
      tpu.enqueue_dma source(%dma_start3A_23 : memref<3200x8xf32, #tpu.memory_space<hbm>>) target(%dma_start3A_20 : memref<3200x8xf32, #tpu.memory_space<vmem_shared>>) target_semaphore(%run_scoped3A : memref<!tpu.dma_semaphore, #tpu.memory_space<semaphore_mem>>)
      %dma_wait3A = arith.constant 0 : i32
      %dma_wait3A_24 = tpu.memref_slice %arg6[%mul3A_6, %dma_wait3A] : memref<51200x8xf32, #tpu.memory_space<vmem_shared>> -> memref<3200x8xf32, #tpu.memory_space<vmem_shared>>
      %dma_wait3A_25 = arith.constant 0 : i32
      %dma_wait3A_26 = arith.constant 0 : i32
      %dma_wait3A_27 = tpu.memref_slice %arg4[%dma_wait3A_25, %dma_wait3A_26] : memref<3200x128xf32, #tpu.memory_space<hbm>> -> memref<3200x8xf32, #tpu.memory_space<hbm>>
      tpu.wait_dma2 semaphore(%run_scoped3A : memref<!tpu.dma_semaphore, #tpu.memory_space<semaphore_mem>>) src(%dma_wait3A_27 : memref<3200x8xf32, #tpu.memory_space<hbm>>) dst(%dma_wait3A_24 : memref<3200x8xf32, #tpu.memory_space<vmem_shared>>)
      tpu.yield
    }) : () -> ()
    %barrier3A = arith.constant 0 : index
    tpu.barrier barrier_id(%barrier3A)
    %scan3A = arith.constant 0 : i32
    %scan3A_7 = arith.constant 0 : i32
    %scan3A_8 = arith.constant 4 : i32
    %scan3A_9 = arith.addi %scan3A_7, %scan3A_8 : i32
    %scan3A_10 = arith.constant 1 : i32
    scf.for %scan3A_20 = %scan3A_7 to %scan3A_9 step %scan3A_10  : i32 {
      %mul3A_21 = arith.constant 196 : i32
      %mul3A_22 = arith.muli %add3A, %mul3A_21 : i32
      %mul3A_23 = arith.constant 49 : i32
      %mul3A_24 = arith.muli %scan3A_20, %mul3A_23 : i32
      %add3A_25 = arith.addi %mul3A_22, %mul3A_24 : i32
      "tpu.region"() ({
        %run_scoped3A = tpu.sem_alloc : memref<!tpu.dma_semaphore, #tpu.memory_space<semaphore_mem>>
        %dma_start3A = arith.constant 0 : i32
        %dma_start3A_34 = tpu.memref_slice %arg3[%add3A_25, %dma_start3A] : memref<6272x128xi32, #tpu.memory_space<hbm>> -> memref<49x128xi32, #tpu.memory_space<hbm>>
        %dma_start3A_35 = arith.constant 0 : i32
        %dma_start3A_36 = tpu.memref_slice %arg3[%add3A_25, %dma_start3A_35] : memref<6272x128xi32, #tpu.memory_space<hbm>> -> memref<49x128xi32, #tpu.memory_space<hbm>>
        tpu.enqueue_dma source(%dma_start3A_36 : memref<49x128xi32, #tpu.memory_space<hbm>>) target(%arg7 : memref<49x128xi32, #tpu.memory_space<vmem>>) target_semaphore(%run_scoped3A : memref<!tpu.dma_semaphore, #tpu.memory_space<semaphore_mem>>)
        %dma_wait3A = arith.constant 0 : i32
        %dma_wait3A_37 = tpu.memref_slice %arg3[%add3A_25, %dma_wait3A] : memref<6272x128xi32, #tpu.memory_space<hbm>> -> memref<49x128xi32, #tpu.memory_space<hbm>>
        %dma_wait3A_38 = arith.constant 0 : i32
        %dma_wait3A_39 = tpu.memref_slice %arg3[%add3A_25, %dma_wait3A_38] : memref<6272x128xi32, #tpu.memory_space<hbm>> -> memref<49x128xi32, #tpu.memory_space<hbm>>
        tpu.wait_dma2 semaphore(%run_scoped3A : memref<!tpu.dma_semaphore, #tpu.memory_space<semaphore_mem>>) src(%dma_wait3A_39 : memref<49x128xi32, #tpu.memory_space<hbm>>) dst(%arg7 : memref<49x128xi32, #tpu.memory_space<vmem>>)
        tpu.yield
      }) : () -> ()
      %eq3A = arith.constant 0 : i32
      %eq3A_26 = arith.cmpi eq, %scan3A_20, %eq3A : i32
      %convert_element_type3A = arith.extui %eq3A_26 : i1 to i32
      %cond3A = arith.constant 0 : i32
      %cond3A_27 = arith.cmpi ne, %convert_element_type3A, %cond3A : i32
      scf.if %cond3A_27 {
        %add3A_34 = arith.constant 0 : i32
        %add3A_35 = arith.addi %mul3A_4, %add3A_34 : i32
        %dma_start3A = arith.constant 0 : i32
        %dma_start3A_36 = arith.constant 0 : i32
        %dma_start3A_37 = arith.constant 0 : i32
        %dma_start3A_38 = tpu.memref_slice %arg8[%dma_start3A, %dma_start3A_36, %dma_start3A_37] : memref<2x128x8xf32, #tpu.memory_space<vmem>> -> memref<1x128x8xf32, #tpu.memory_space<vmem>>
        %dma_start3A_39 = tpu.memref_squeeze %dma_start3A_38 : memref<1x128x8xf32, #tpu.memory_space<vmem>> -> memref<128x8xf32, #tpu.memory_space<vmem>>
        %dma_start3A_40 = arith.constant 32 : i32
        %dma_start3A_41 = tpu.memref_slice %arg2[%add3A_35, %dma_start3A_40] : memref<802816x128xf32, #tpu.memory_space<hbm>> -> memref<128x8xf32, #tpu.memory_space<hbm>>
        %dma_start3A_42 = arith.constant 0 : i32
        %dma_start3A_43 = arith.constant 0 : i32
        %dma_start3A_44 = tpu.memref_slice %arg8[%dma_start3A, %dma_start3A_42, %dma_start3A_43] : memref<2x128x8xf32, #tpu.memory_space<vmem>> -> memref<1x128x8xf32, #tpu.memory_space<vmem>>
        %dma_start3A_45 = tpu.memref_squeeze %dma_start3A_44 : memref<1x128x8xf32, #tpu.memory_space<vmem>> -> memref<128x8xf32, #tpu.memory_space<vmem>>
        %dma_start3A_46 = arith.constant 32 : i32
        %dma_start3A_47 = tpu.memref_slice %arg2[%add3A_35, %dma_start3A_46] : memref<802816x128xf32, #tpu.memory_space<hbm>> -> memref<128x8xf32, #tpu.memory_space<hbm>>
        tpu.enqueue_dma source(%dma_start3A_47 : memref<128x8xf32, #tpu.memory_space<hbm>>) target(%dma_start3A_45 : memref<128x8xf32, #tpu.memory_space<vmem>>) target_semaphore(%arg9 : memref<!tpu.dma_semaphore, #tpu.memory_space<semaphore_mem>>)
      } else {
      }
      %scan3A_28 = arith.constant 0 : i32
      %scan3A_29 = arith.constant 0 : i32
      %scan3A_30 = arith.constant 49 : i32
      %scan3A_31 = arith.addi %scan3A_29, %scan3A_30 : i32
      %scan3A_32 = arith.constant 1 : i32
      scf.for %scan3A_34 = %scan3A_29 to %scan3A_31 step %scan3A_32  : i32 {
        %mul3A_35 = arith.constant 49 : i32
        %mul3A_36 = arith.muli %scan3A_20, %mul3A_35 : i32
        %add3A_37 = arith.addi %mul3A_36, %scan3A_34 : i32
        %rem3A = arith.constant 2 : i32
        %rem3A_38 = arith.remsi %add3A_37, %rem3A : i32
        %add3A_39 = arith.constant 1 : i32
        %add3A_40 = arith.addi %add3A_37, %add3A_39 : i32
        %lt3A = arith.constant 196 : i32
        %lt3A_41 = arith.cmpi slt, %add3A_40, %lt3A : i32
        %convert_element_type3A_42 = arith.extui %lt3A_41 : i1 to i32
        %cond3A_43 = arith.constant 0 : i32
        %cond3A_44 = arith.cmpi ne, %convert_element_type3A_42, %cond3A_43 : i32
        scf.if %cond3A_44 {
          %add3A_59 = arith.constant 1 : i32
          %add3A_60 = arith.addi %add3A_37, %add3A_59 : i32
          %sub3A = arith.constant 1 : i32
          %sub3A_61 = arith.subi %sub3A, %rem3A_38 : i32
          %mul3A_62 = arith.constant 128 : i32
          %mul3A_63 = arith.muli %add3A_60, %mul3A_62 : i32
          %add3A_64 = arith.addi %mul3A_4, %mul3A_63 : i32
          %dma_start3A = arith.constant 0 : i32
          %dma_start3A_65 = arith.constant 0 : i32
          %dma_start3A_66 = tpu.memref_slice %arg8[%sub3A_61, %dma_start3A, %dma_start3A_65] : memref<2x128x8xf32, #tpu.memory_space<vmem>> -> memref<1x128x8xf32, #tpu.memory_space<vmem>>
          %dma_start3A_67 = tpu.memref_squeeze %dma_start3A_66 : memref<1x128x8xf32, #tpu.memory_space<vmem>> -> memref<128x8xf32, #tpu.memory_space<vmem>>
          %dma_start3A_68 = arith.constant 32 : i32
          %dma_start3A_69 = tpu.memref_slice %arg2[%add3A_64, %dma_start3A_68] : memref<802816x128xf32, #tpu.memory_space<hbm>> -> memref<128x8xf32, #tpu.memory_space<hbm>>
          %dma_start3A_70 = arith.constant 0 : i32
          %dma_start3A_71 = arith.constant 0 : i32
          %dma_start3A_72 = tpu.memref_slice %arg8[%sub3A_61, %dma_start3A_70, %dma_start3A_71] : memref<2x128x8xf32, #tpu.memory_space<vmem>> -> memref<1x128x8xf32, #tpu.memory_space<vmem>>
          %dma_start3A_73 = tpu.memref_squeeze %dma_start3A_72 : memref<1x128x8xf32, #tpu.memory_space<vmem>> -> memref<128x8xf32, #tpu.memory_space<vmem>>
          %dma_start3A_74 = arith.constant 32 : i32
          %dma_start3A_75 = tpu.memref_slice %arg2[%add3A_64, %dma_start3A_74] : memref<802816x128xf32, #tpu.memory_space<hbm>> -> memref<128x8xf32, #tpu.memory_space<hbm>>
          tpu.enqueue_dma source(%dma_start3A_75 : memref<128x8xf32, #tpu.memory_space<hbm>>) target(%dma_start3A_73 : memref<128x8xf32, #tpu.memory_space<vmem>>) target_semaphore(%arg9 : memref<!tpu.dma_semaphore, #tpu.memory_space<semaphore_mem>>)
        } else {
        }
        %mul3A_45 = arith.constant 128 : i32
        %mul3A_46 = arith.muli %add3A_37, %mul3A_45 : i32
        %add3A_47 = arith.addi %mul3A_4, %mul3A_46 : i32
        %dma_wait3A = arith.constant 0 : i32
        %dma_wait3A_48 = arith.constant 0 : i32
        %dma_wait3A_49 = tpu.memref_slice %arg8[%rem3A_38, %dma_wait3A, %dma_wait3A_48] : memref<2x128x8xf32, #tpu.memory_space<vmem>> -> memref<1x128x8xf32, #tpu.memory_space<vmem>>
        %dma_wait3A_50 = tpu.memref_squeeze %dma_wait3A_49 : memref<1x128x8xf32, #tpu.memory_space<vmem>> -> memref<128x8xf32, #tpu.memory_space<vmem>>
        %dma_wait3A_51 = arith.constant 32 : i32
        %dma_wait3A_52 = tpu.memref_slice %arg2[%add3A_47, %dma_wait3A_51] : memref<802816x128xf32, #tpu.memory_space<hbm>> -> memref<128x8xf32, #tpu.memory_space<hbm>>
        %dma_wait3A_53 = arith.constant 0 : i32
        %dma_wait3A_54 = arith.constant 0 : i32
        %dma_wait3A_55 = tpu.memref_slice %arg8[%rem3A_38, %dma_wait3A_53, %dma_wait3A_54] : memref<2x128x8xf32, #tpu.memory_space<vmem>> -> memref<1x128x8xf32, #tpu.memory_space<vmem>>
        %dma_wait3A_56 = tpu.memref_squeeze %dma_wait3A_55 : memref<1x128x8xf32, #tpu.memory_space<vmem>> -> memref<128x8xf32, #tpu.memory_space<vmem>>
        %dma_wait3A_57 = arith.constant 32 : i32
        %dma_wait3A_58 = tpu.memref_slice %arg2[%add3A_47, %dma_wait3A_57] : memref<802816x128xf32, #tpu.memory_space<hbm>> -> memref<128x8xf32, #tpu.memory_space<hbm>>
        tpu.wait_dma2 semaphore(%arg9 : memref<!tpu.dma_semaphore, #tpu.memory_space<semaphore_mem>>) src(%dma_wait3A_58 : memref<128x8xf32, #tpu.memory_space<hbm>>) dst(%dma_wait3A_56 : memref<128x8xf32, #tpu.memory_space<vmem>>)
        "tpu.region"() ({
          %run_scoped3A = tpu.sem_alloc : memref<!tpu.dma_semaphore, #tpu.memory_space<semaphore_mem>>
          %dma_start3A = arith.constant 0 : i32
          %dma_start3A_59 = arith.constant 0 : i32
          %dma_start3A_60 = tpu.memref_slice %arg8[%rem3A_38, %dma_start3A, %dma_start3A_59] : memref<2x128x8xf32, #tpu.memory_space<vmem>> -> memref<1x128x8xf32, #tpu.memory_space<vmem>>
          %dma_start3A_61 = tpu.memref_squeeze %dma_start3A_60 : memref<1x128x8xf32, #tpu.memory_space<vmem>> -> memref<128x8xf32, #tpu.memory_space<vmem>>
          %dma_start3A_62 = arith.constant 0 : i32
          %dma_start3A_63 = tpu.memref_slice %arg7[%scan3A_34, %dma_start3A_62] : memref<49x128xi32, #tpu.memory_space<vmem>> -> memref<1x128xi32, #tpu.memory_space<vmem>>
          %dma_start3A_64 = tpu.memref_squeeze %dma_start3A_63 : memref<1x128xi32, #tpu.memory_space<vmem>> -> memref<128xi32, #tpu.memory_space<vmem>>
          %dma_start3A_65 = arith.constant 0 : i32
          %dma_start3A_66 = arith.constant 0 : i32
          %dma_start3A_67 = tpu.memref_slice %arg6[%dma_start3A_65, %dma_start3A_66] : memref<51200x8xf32, #tpu.memory_space<vmem_shared>> -> memref<51200x8xf32, #tpu.memory_space<vmem_shared>>
          tpu.enqueue_indirect_dma source(%dma_start3A_61 : memref<128x8xf32, #tpu.memory_space<vmem>>) target(%dma_start3A_67 : memref<51200x8xf32, #tpu.memory_space<vmem_shared>>) offsets(%dma_start3A_64 : memref<128xi32, #tpu.memory_space<vmem>>) semaphore(%run_scoped3A : memref<!tpu.dma_semaphore, #tpu.memory_space<semaphore_mem>>) {add = true}
          %dma_wait3A_68 = arith.constant 0 : i32
          %dma_wait3A_69 = arith.constant 0 : i32
          %dma_wait3A_70 = tpu.memref_slice %arg8[%rem3A_38, %dma_wait3A_68, %dma_wait3A_69] : memref<2x128x8xf32, #tpu.memory_space<vmem>> -> memref<1x128x8xf32, #tpu.memory_space<vmem>>
          %dma_wait3A_71 = tpu.memref_squeeze %dma_wait3A_70 : memref<1x128x8xf32, #tpu.memory_space<vmem>> -> memref<128x8xf32, #tpu.memory_space<vmem>>
          %dma_wait3A_72 = arith.constant 0 : i32
          %dma_wait3A_73 = tpu.memref_slice %arg7[%scan3A_34, %dma_wait3A_72] : memref<49x128xi32, #tpu.memory_space<vmem>> -> memref<1x128xi32, #tpu.memory_space<vmem>>
          %dma_wait3A_74 = tpu.memref_squeeze %dma_wait3A_73 : memref<1x128xi32, #tpu.memory_space<vmem>> -> memref<128xi32, #tpu.memory_space<vmem>>
          %dma_wait3A_75 = arith.constant 0 : i32
          %dma_wait3A_76 = arith.constant 0 : i32
          %dma_wait3A_77 = tpu.memref_slice %arg6[%dma_wait3A_75, %dma_wait3A_76] : memref<51200x8xf32, #tpu.memory_space<vmem_shared>> -> memref<51200x8xf32, #tpu.memory_space<vmem_shared>>
          tpu.wait_indirect_dma semaphore(%run_scoped3A : memref<!tpu.dma_semaphore, #tpu.memory_space<semaphore_mem>>) src(%dma_wait3A_71 : memref<128x8xf32, #tpu.memory_space<vmem>>) dst(%dma_wait3A_77 : memref<51200x8xf32, #tpu.memory_space<vmem_shared>>)
          tpu.yield
        }) : () -> ()
      }
      %scan3A_33 = arith.constant 49 : i32
    }
    %scan3A_11 = arith.constant 4 : i32
    %barrier3A_12 = arith.constant 0 : index
    tpu.barrier barrier_id(%barrier3A_12)
    %mul3A_13 = arith.constant 51200 : i32
    %mul3A_14 = arith.muli %arg0, %mul3A_13 : i32
    %mul3A_15 = arith.constant 3200 : i32
    %mul3A_16 = arith.muli %arg1, %mul3A_15 : i32
    %add3A_17 = arith.addi %mul3A_14, %mul3A_16 : i32
    %mul3A_18 = arith.constant 3200 : i32
    %mul3A_19 = arith.muli %arg1, %mul3A_18 : i32
    "tpu.region"() ({
      %run_scoped3A = tpu.sem_alloc : memref<!tpu.dma_semaphore, #tpu.memory_space<semaphore_mem>>
      %dma_start3A = arith.constant 0 : i32
      %dma_start3A_20 = tpu.memref_slice %arg5[%add3A_17, %dma_start3A] : memref<102400x128xf32, #tpu.memory_space<hbm>> -> memref<3200x8xf32, #tpu.memory_space<hbm>>
      %dma_start3A_21 = arith.constant 0 : i32
      %dma_start3A_22 = tpu.memref_slice %arg6[%mul3A_19, %dma_start3A_21] : memref<51200x8xf32, #tpu.memory_space<vmem_shared>> -> memref<3200x8xf32, #tpu.memory_space<vmem_shared>>
      tpu.enqueue_dma source(%dma_start3A_22 : memref<3200x8xf32, #tpu.memory_space<vmem_shared>>) target(%dma_start3A_20 : memref<3200x8xf32, #tpu.memory_space<hbm>>) target_semaphore(%run_scoped3A : memref<!tpu.dma_semaphore, #tpu.memory_space<semaphore_mem>>)
      %dma_wait3A = arith.constant 0 : i32
      %dma_wait3A_23 = tpu.memref_slice %arg5[%add3A_17, %dma_wait3A] : memref<102400x128xf32, #tpu.memory_space<hbm>> -> memref<3200x8xf32, #tpu.memory_space<hbm>>
      %dma_wait3A_24 = arith.constant 0 : i32
      %dma_wait3A_25 = tpu.memref_slice %arg6[%mul3A_19, %dma_wait3A_24] : memref<51200x8xf32, #tpu.memory_space<vmem_shared>> -> memref<3200x8xf32, #tpu.memory_space<vmem_shared>>
      tpu.wait_dma2 semaphore(%run_scoped3A : memref<!tpu.dma_semaphore, #tpu.memory_space<semaphore_mem>>) src(%dma_wait3A_25 : memref<3200x8xf32, #tpu.memory_space<vmem_shared>>) dst(%dma_wait3A_23 : memref<3200x8xf32, #tpu.memory_space<hbm>>)
      tpu.yield
    }) : () -> ()
    return
  }
}

#map = affine_map<(d0, d1) -> (0, 0)>
module attributes {stable_mosaic.version = 14 : i64} {
  func.func @scatter(%arg0: i32, %arg1: i32, %arg2: memref<802816x128xf32, #tpu.memory_space<hbm>>, %arg3: memref<6272x128xi32, #tpu.memory_space<hbm>>, %arg4: memref<3200x128xf32, #tpu.memory_space<hbm>>, %arg5: memref<102400x128xf32, #tpu.memory_space<hbm>>, %arg6: memref<51200x32xf32, #tpu.memory_space<vmem_shared>>, %arg7: memref<49x128xi32, #tpu.memory_space<vmem>>, %arg8: memref<2x128x32xf32, #tpu.memory_space<vmem>>, %arg9: memref<!tpu.dma_semaphore, #tpu.memory_space<semaphore_mem>>) attributes {dimension_semantics = [#tpu.dimension_semantics<core_parallel>, #tpu.dimension_semantics<subcore_parallel>], iteration_bounds = array<i64: 2, 16>, scalar_prefetch = 0 : i64, scratch_operands = 4 : i64, tpu.core_type = #tpu.core_type<sc_vector_subcore>, window_params = [{transform_indices = #map}, {transform_indices = #map}, {transform_indices = #map}, {transform_indices = #map}]} {
    %mul3A = arith.constant 2 : i32
    %mul3A_0 = arith.muli %arg1, %mul3A : i32
    %add3A = arith.addi %mul3A_0, %arg0 : i32
    %mul3A_1 = arith.constant 196 : i32
    %mul3A_2 = arith.muli %add3A, %mul3A_1 : i32
    %mul3A_3 = arith.constant 128 : i32
    %mul3A_4 = arith.muli %mul3A_2, %mul3A_3 : i32
    %mul3A_5 = arith.constant 3200 : i32
    %mul3A_6 = arith.muli %arg1, %mul3A_5 : i32
    "tpu.region"() ({
      %run_scoped3A = tpu.sem_alloc : memref<!tpu.dma_semaphore, #tpu.memory_space<semaphore_mem>>
      %dma_start3A = arith.constant 0 : i32
      %dma_start3A_20 = tpu.memref_slice %arg6[%mul3A_6, %dma_start3A] : memref<51200x32xf32, #tpu.memory_space<vmem_shared>> -> memref<3200x32xf32, #tpu.memory_space<vmem_shared>>
      %dma_start3A_21 = arith.constant 0 : i32
      %dma_start3A_22 = arith.constant 0 : i32
      %dma_start3A_23 = tpu.memref_slice %arg4[%dma_start3A_21, %dma_start3A_22] : memref<3200x128xf32, #tpu.memory_space<hbm>> -> memref<3200x32xf32, #tpu.memory_space<hbm>>
      tpu.enqueue_dma source(%dma_start3A_23 : memref<3200x32xf32, #tpu.memory_space<hbm>>) target(%dma_start3A_20 : memref<3200x32xf32, #tpu.memory_space<vmem_shared>>) target_semaphore(%run_scoped3A : memref<!tpu.dma_semaphore, #tpu.memory_space<semaphore_mem>>)
      %dma_wait3A = arith.constant 0 : i32
      %dma_wait3A_24 = tpu.memref_slice %arg6[%mul3A_6, %dma_wait3A] : memref<51200x32xf32, #tpu.memory_space<vmem_shared>> -> memref<3200x32xf32, #tpu.memory_space<vmem_shared>>
      %dma_wait3A_25 = arith.constant 0 : i32
      %dma_wait3A_26 = arith.constant 0 : i32
      %dma_wait3A_27 = tpu.memref_slice %arg4[%dma_wait3A_25, %dma_wait3A_26] : memref<3200x128xf32, #tpu.memory_space<hbm>> -> memref<3200x32xf32, #tpu.memory_space<hbm>>
      tpu.wait_dma2 semaphore(%run_scoped3A : memref<!tpu.dma_semaphore, #tpu.memory_space<semaphore_mem>>) src(%dma_wait3A_27 : memref<3200x32xf32, #tpu.memory_space<hbm>>) dst(%dma_wait3A_24 : memref<3200x32xf32, #tpu.memory_space<vmem_shared>>)
      tpu.yield
    }) : () -> ()
    %barrier3A = arith.constant 0 : index
    tpu.barrier barrier_id(%barrier3A)
    %scan3A = arith.constant 0 : i32
    %scan3A_7 = arith.constant 0 : i32
    %scan3A_8 = arith.constant 4 : i32
    %scan3A_9 = arith.addi %scan3A_7, %scan3A_8 : i32
    %scan3A_10 = arith.constant 1 : i32
    scf.for %scan3A_20 = %scan3A_7 to %scan3A_9 step %scan3A_10  : i32 {
      %mul3A_21 = arith.constant 196 : i32
      %mul3A_22 = arith.muli %add3A, %mul3A_21 : i32
      %mul3A_23 = arith.constant 49 : i32
      %mul3A_24 = arith.muli %scan3A_20, %mul3A_23 : i32
      %add3A_25 = arith.addi %mul3A_22, %mul3A_24 : i32
      "tpu.region"() ({
        %run_scoped3A = tpu.sem_alloc : memref<!tpu.dma_semaphore, #tpu.memory_space<semaphore_mem>>
        %dma_start3A = arith.constant 0 : i32
        %dma_start3A_34 = tpu.memref_slice %arg3[%add3A_25, %dma_start3A] : memref<6272x128xi32, #tpu.memory_space<hbm>> -> memref<49x128xi32, #tpu.memory_space<hbm>>
        %dma_start3A_35 = arith.constant 0 : i32
        %dma_start3A_36 = tpu.memref_slice %arg3[%add3A_25, %dma_start3A_35] : memref<6272x128xi32, #tpu.memory_space<hbm>> -> memref<49x128xi32, #tpu.memory_space<hbm>>
        tpu.enqueue_dma source(%dma_start3A_36 : memref<49x128xi32, #tpu.memory_space<hbm>>) target(%arg7 : memref<49x128xi32, #tpu.memory_space<vmem>>) target_semaphore(%run_scoped3A : memref<!tpu.dma_semaphore, #tpu.memory_space<semaphore_mem>>)
        %dma_wait3A = arith.constant 0 : i32
        %dma_wait3A_37 = tpu.memref_slice %arg3[%add3A_25, %dma_wait3A] : memref<6272x128xi32, #tpu.memory_space<hbm>> -> memref<49x128xi32, #tpu.memory_space<hbm>>
        %dma_wait3A_38 = arith.constant 0 : i32
        %dma_wait3A_39 = tpu.memref_slice %arg3[%add3A_25, %dma_wait3A_38] : memref<6272x128xi32, #tpu.memory_space<hbm>> -> memref<49x128xi32, #tpu.memory_space<hbm>>
        tpu.wait_dma2 semaphore(%run_scoped3A : memref<!tpu.dma_semaphore, #tpu.memory_space<semaphore_mem>>) src(%dma_wait3A_39 : memref<49x128xi32, #tpu.memory_space<hbm>>) dst(%arg7 : memref<49x128xi32, #tpu.memory_space<vmem>>)
        tpu.yield
      }) : () -> ()
      %eq3A = arith.constant 0 : i32
      %eq3A_26 = arith.cmpi eq, %scan3A_20, %eq3A : i32
      %convert_element_type3A = arith.extui %eq3A_26 : i1 to i32
      %cond3A = arith.constant 0 : i32
      %cond3A_27 = arith.cmpi ne, %convert_element_type3A, %cond3A : i32
      scf.if %cond3A_27 {
        %add3A_34 = arith.constant 0 : i32
        %add3A_35 = arith.addi %mul3A_4, %add3A_34 : i32
        %dma_start3A = arith.constant 0 : i32
        %dma_start3A_36 = arith.constant 0 : i32
        %dma_start3A_37 = arith.constant 0 : i32
        %dma_start3A_38 = tpu.memref_slice %arg8[%dma_start3A, %dma_start3A_36, %dma_start3A_37] : memref<2x128x32xf32, #tpu.memory_space<vmem>> -> memref<1x128x32xf32, #tpu.memory_space<vmem>>
        %dma_start3A_39 = tpu.memref_squeeze %dma_start3A_38 : memref<1x128x32xf32, #tpu.memory_space<vmem>> -> memref<128x32xf32, #tpu.memory_space<vmem>>
        %dma_start3A_40 = arith.constant 0 : i32
        %dma_start3A_41 = tpu.memref_slice %arg2[%add3A_35, %dma_start3A_40] : memref<802816x128xf32, #tpu.memory_space<hbm>> -> memref<128x32xf32, #tpu.memory_space<hbm>>
        %dma_start3A_42 = arith.constant 0 : i32
        %dma_start3A_43 = arith.constant 0 : i32
        %dma_start3A_44 = tpu.memref_slice %arg8[%dma_start3A, %dma_start3A_42, %dma_start3A_43] : memref<2x128x32xf32, #tpu.memory_space<vmem>> -> memref<1x128x32xf32, #tpu.memory_space<vmem>>
        %dma_start3A_45 = tpu.memref_squeeze %dma_start3A_44 : memref<1x128x32xf32, #tpu.memory_space<vmem>> -> memref<128x32xf32, #tpu.memory_space<vmem>>
        %dma_start3A_46 = arith.constant 0 : i32
        %dma_start3A_47 = tpu.memref_slice %arg2[%add3A_35, %dma_start3A_46] : memref<802816x128xf32, #tpu.memory_space<hbm>> -> memref<128x32xf32, #tpu.memory_space<hbm>>
        tpu.enqueue_dma source(%dma_start3A_47 : memref<128x32xf32, #tpu.memory_space<hbm>>) target(%dma_start3A_45 : memref<128x32xf32, #tpu.memory_space<vmem>>) target_semaphore(%arg9 : memref<!tpu.dma_semaphore, #tpu.memory_space<semaphore_mem>>)
      } else {
      }
      %scan3A_28 = arith.constant 0 : i32
      %scan3A_29 = arith.constant 0 : i32
      %scan3A_30 = arith.constant 49 : i32
      %scan3A_31 = arith.addi %scan3A_29, %scan3A_30 : i32
      %scan3A_32 = arith.constant 1 : i32
      scf.for %scan3A_34 = %scan3A_29 to %scan3A_31 step %scan3A_32  : i32 {
        %mul3A_35 = arith.constant 49 : i32
        %mul3A_36 = arith.muli %scan3A_20, %mul3A_35 : i32
        %add3A_37 = arith.addi %mul3A_36, %scan3A_34 : i32
        %rem3A = arith.constant 2 : i32
        %rem3A_38 = arith.remsi %add3A_37, %rem3A : i32
        %add3A_39 = arith.constant 1 : i32
        %add3A_40 = arith.addi %add3A_37, %add3A_39 : i32
        %lt3A = arith.constant 196 : i32
        %lt3A_41 = arith.cmpi slt, %add3A_40, %lt3A : i32
        %convert_element_type3A_42 = arith.extui %lt3A_41 : i1 to i32
        %cond3A_43 = arith.constant 0 : i32
        %cond3A_44 = arith.cmpi ne, %convert_element_type3A_42, %cond3A_43 : i32
        scf.if %cond3A_44 {
          %add3A_59 = arith.constant 1 : i32
          %add3A_60 = arith.addi %add3A_37, %add3A_59 : i32
          %sub3A = arith.constant 1 : i32
          %sub3A_61 = arith.subi %sub3A, %rem3A_38 : i32
          %mul3A_62 = arith.constant 128 : i32
          %mul3A_63 = arith.muli %add3A_60, %mul3A_62 : i32
          %add3A_64 = arith.addi %mul3A_4, %mul3A_63 : i32
          %dma_start3A = arith.constant 0 : i32
          %dma_start3A_65 = arith.constant 0 : i32
          %dma_start3A_66 = tpu.memref_slice %arg8[%sub3A_61, %dma_start3A, %dma_start3A_65] : memref<2x128x32xf32, #tpu.memory_space<vmem>> -> memref<1x128x32xf32, #tpu.memory_space<vmem>>
          %dma_start3A_67 = tpu.memref_squeeze %dma_start3A_66 : memref<1x128x32xf32, #tpu.memory_space<vmem>> -> memref<128x32xf32, #tpu.memory_space<vmem>>
          %dma_start3A_68 = arith.constant 0 : i32
          %dma_start3A_69 = tpu.memref_slice %arg2[%add3A_64, %dma_start3A_68] : memref<802816x128xf32, #tpu.memory_space<hbm>> -> memref<128x32xf32, #tpu.memory_space<hbm>>
          %dma_start3A_70 = arith.constant 0 : i32
          %dma_start3A_71 = arith.constant 0 : i32
          %dma_start3A_72 = tpu.memref_slice %arg8[%sub3A_61, %dma_start3A_70, %dma_start3A_71] : memref<2x128x32xf32, #tpu.memory_space<vmem>> -> memref<1x128x32xf32, #tpu.memory_space<vmem>>
          %dma_start3A_73 = tpu.memref_squeeze %dma_start3A_72 : memref<1x128x32xf32, #tpu.memory_space<vmem>> -> memref<128x32xf32, #tpu.memory_space<vmem>>
          %dma_start3A_74 = arith.constant 0 : i32
          %dma_start3A_75 = tpu.memref_slice %arg2[%add3A_64, %dma_start3A_74] : memref<802816x128xf32, #tpu.memory_space<hbm>> -> memref<128x32xf32, #tpu.memory_space<hbm>>
          tpu.enqueue_dma source(%dma_start3A_75 : memref<128x32xf32, #tpu.memory_space<hbm>>) target(%dma_start3A_73 : memref<128x32xf32, #tpu.memory_space<vmem>>) target_semaphore(%arg9 : memref<!tpu.dma_semaphore, #tpu.memory_space<semaphore_mem>>)
        } else {
        }
        %mul3A_45 = arith.constant 128 : i32
        %mul3A_46 = arith.muli %add3A_37, %mul3A_45 : i32
        %add3A_47 = arith.addi %mul3A_4, %mul3A_46 : i32
        %dma_wait3A = arith.constant 0 : i32
        %dma_wait3A_48 = arith.constant 0 : i32
        %dma_wait3A_49 = tpu.memref_slice %arg8[%rem3A_38, %dma_wait3A, %dma_wait3A_48] : memref<2x128x32xf32, #tpu.memory_space<vmem>> -> memref<1x128x32xf32, #tpu.memory_space<vmem>>
        %dma_wait3A_50 = tpu.memref_squeeze %dma_wait3A_49 : memref<1x128x32xf32, #tpu.memory_space<vmem>> -> memref<128x32xf32, #tpu.memory_space<vmem>>
        %dma_wait3A_51 = arith.constant 0 : i32
        %dma_wait3A_52 = tpu.memref_slice %arg2[%add3A_47, %dma_wait3A_51] : memref<802816x128xf32, #tpu.memory_space<hbm>> -> memref<128x32xf32, #tpu.memory_space<hbm>>
        %dma_wait3A_53 = arith.constant 0 : i32
        %dma_wait3A_54 = arith.constant 0 : i32
        %dma_wait3A_55 = tpu.memref_slice %arg8[%rem3A_38, %dma_wait3A_53, %dma_wait3A_54] : memref<2x128x32xf32, #tpu.memory_space<vmem>> -> memref<1x128x32xf32, #tpu.memory_space<vmem>>
        %dma_wait3A_56 = tpu.memref_squeeze %dma_wait3A_55 : memref<1x128x32xf32, #tpu.memory_space<vmem>> -> memref<128x32xf32, #tpu.memory_space<vmem>>
        %dma_wait3A_57 = arith.constant 0 : i32
        %dma_wait3A_58 = tpu.memref_slice %arg2[%add3A_47, %dma_wait3A_57] : memref<802816x128xf32, #tpu.memory_space<hbm>> -> memref<128x32xf32, #tpu.memory_space<hbm>>
        tpu.wait_dma2 semaphore(%arg9 : memref<!tpu.dma_semaphore, #tpu.memory_space<semaphore_mem>>) src(%dma_wait3A_58 : memref<128x32xf32, #tpu.memory_space<hbm>>) dst(%dma_wait3A_56 : memref<128x32xf32, #tpu.memory_space<vmem>>)
        "tpu.region"() ({
          %run_scoped3A = tpu.sem_alloc : memref<!tpu.dma_semaphore, #tpu.memory_space<semaphore_mem>>
          %dma_start3A = arith.constant 0 : i32
          %dma_start3A_59 = arith.constant 0 : i32
          %dma_start3A_60 = tpu.memref_slice %arg8[%rem3A_38, %dma_start3A, %dma_start3A_59] : memref<2x128x32xf32, #tpu.memory_space<vmem>> -> memref<1x128x32xf32, #tpu.memory_space<vmem>>
          %dma_start3A_61 = tpu.memref_squeeze %dma_start3A_60 : memref<1x128x32xf32, #tpu.memory_space<vmem>> -> memref<128x32xf32, #tpu.memory_space<vmem>>
          %dma_start3A_62 = arith.constant 0 : i32
          %dma_start3A_63 = tpu.memref_slice %arg7[%scan3A_34, %dma_start3A_62] : memref<49x128xi32, #tpu.memory_space<vmem>> -> memref<1x128xi32, #tpu.memory_space<vmem>>
          %dma_start3A_64 = tpu.memref_squeeze %dma_start3A_63 : memref<1x128xi32, #tpu.memory_space<vmem>> -> memref<128xi32, #tpu.memory_space<vmem>>
          %dma_start3A_65 = arith.constant 0 : i32
          %dma_start3A_66 = arith.constant 0 : i32
          %dma_start3A_67 = tpu.memref_slice %arg6[%dma_start3A_65, %dma_start3A_66] : memref<51200x32xf32, #tpu.memory_space<vmem_shared>> -> memref<51200x32xf32, #tpu.memory_space<vmem_shared>>
          tpu.enqueue_indirect_dma source(%dma_start3A_61 : memref<128x32xf32, #tpu.memory_space<vmem>>) target(%dma_start3A_67 : memref<51200x32xf32, #tpu.memory_space<vmem_shared>>) offsets(%dma_start3A_64 : memref<128xi32, #tpu.memory_space<vmem>>) semaphore(%run_scoped3A : memref<!tpu.dma_semaphore, #tpu.memory_space<semaphore_mem>>) {add = true}
          %dma_wait3A_68 = arith.constant 0 : i32
          %dma_wait3A_69 = arith.constant 0 : i32
          %dma_wait3A_70 = tpu.memref_slice %arg8[%rem3A_38, %dma_wait3A_68, %dma_wait3A_69] : memref<2x128x32xf32, #tpu.memory_space<vmem>> -> memref<1x128x32xf32, #tpu.memory_space<vmem>>
          %dma_wait3A_71 = tpu.memref_squeeze %dma_wait3A_70 : memref<1x128x32xf32, #tpu.memory_space<vmem>> -> memref<128x32xf32, #tpu.memory_space<vmem>>
          %dma_wait3A_72 = arith.constant 0 : i32
          %dma_wait3A_73 = tpu.memref_slice %arg7[%scan3A_34, %dma_wait3A_72] : memref<49x128xi32, #tpu.memory_space<vmem>> -> memref<1x128xi32, #tpu.memory_space<vmem>>
          %dma_wait3A_74 = tpu.memref_squeeze %dma_wait3A_73 : memref<1x128xi32, #tpu.memory_space<vmem>> -> memref<128xi32, #tpu.memory_space<vmem>>
          %dma_wait3A_75 = arith.constant 0 : i32
          %dma_wait3A_76 = arith.constant 0 : i32
          %dma_wait3A_77 = tpu.memref_slice %arg6[%dma_wait3A_75, %dma_wait3A_76] : memref<51200x32xf32, #tpu.memory_space<vmem_shared>> -> memref<51200x32xf32, #tpu.memory_space<vmem_shared>>
          tpu.wait_indirect_dma semaphore(%run_scoped3A : memref<!tpu.dma_semaphore, #tpu.memory_space<semaphore_mem>>) src(%dma_wait3A_71 : memref<128x32xf32, #tpu.memory_space<vmem>>) dst(%dma_wait3A_77 : memref<51200x32xf32, #tpu.memory_space<vmem_shared>>)
          tpu.yield
        }) : () -> ()
      }
      %scan3A_33 = arith.constant 49 : i32
    }
    %scan3A_11 = arith.constant 4 : i32
    %barrier3A_12 = arith.constant 0 : index
    tpu.barrier barrier_id(%barrier3A_12)
    %mul3A_13 = arith.constant 51200 : i32
    %mul3A_14 = arith.muli %arg0, %mul3A_13 : i32
    %mul3A_15 = arith.constant 3200 : i32
    %mul3A_16 = arith.muli %arg1, %mul3A_15 : i32
    %add3A_17 = arith.addi %mul3A_14, %mul3A_16 : i32
    %mul3A_18 = arith.constant 3200 : i32
    %mul3A_19 = arith.muli %arg1, %mul3A_18 : i32
    "tpu.region"() ({
      %run_scoped3A = tpu.sem_alloc : memref<!tpu.dma_semaphore, #tpu.memory_space<semaphore_mem>>
      %dma_start3A = arith.constant 0 : i32
      %dma_start3A_20 = tpu.memref_slice %arg5[%add3A_17, %dma_start3A] : memref<102400x128xf32, #tpu.memory_space<hbm>> -> memref<3200x32xf32, #tpu.memory_space<hbm>>
      %dma_start3A_21 = arith.constant 0 : i32
      %dma_start3A_22 = tpu.memref_slice %arg6[%mul3A_19, %dma_start3A_21] : memref<51200x32xf32, #tpu.memory_space<vmem_shared>> -> memref<3200x32xf32, #tpu.memory_space<vmem_shared>>
      tpu.enqueue_dma source(%dma_start3A_22 : memref<3200x32xf32, #tpu.memory_space<vmem_shared>>) target(%dma_start3A_20 : memref<3200x32xf32, #tpu.memory_space<hbm>>) target_semaphore(%run_scoped3A : memref<!tpu.dma_semaphore, #tpu.memory_space<semaphore_mem>>)
      %dma_wait3A = arith.constant 0 : i32
      %dma_wait3A_23 = tpu.memref_slice %arg5[%add3A_17, %dma_wait3A] : memref<102400x128xf32, #tpu.memory_space<hbm>> -> memref<3200x32xf32, #tpu.memory_space<hbm>>
      %dma_wait3A_24 = arith.constant 0 : i32
      %dma_wait3A_25 = tpu.memref_slice %arg6[%mul3A_19, %dma_wait3A_24] : memref<51200x32xf32, #tpu.memory_space<vmem_shared>> -> memref<3200x32xf32, #tpu.memory_space<vmem_shared>>
      tpu.wait_dma2 semaphore(%run_scoped3A : memref<!tpu.dma_semaphore, #tpu.memory_space<semaphore_mem>>) src(%dma_wait3A_25 : memref<3200x32xf32, #tpu.memory_space<vmem_shared>>) dst(%dma_wait3A_23 : memref<3200x32xf32, #tpu.memory_space<hbm>>)
      tpu.yield
    }) : () -> ()
    return
  }
}

#map = affine_map<(d0, d1) -> (0, 0)>
module attributes {stable_mosaic.version = 14 : i64} {
  func.func @scatter(%arg0: i32, %arg1: i32, %arg2: memref<802816x128xf32, #tpu.memory_space<hbm>>, %arg3: memref<6272x128xi32, #tpu.memory_space<hbm>>, %arg4: memref<3200x128xf32, #tpu.memory_space<hbm>>, %arg5: memref<102400x128xf32, #tpu.memory_space<hbm>>, %arg6: memref<51200x32xf32, #tpu.memory_space<vmem_shared>>, %arg7: memref<49x128xi32, #tpu.memory_space<vmem>>, %arg8: memref<2x128x32xf32, #tpu.memory_space<vmem>>, %arg9: memref<!tpu.dma_semaphore, #tpu.memory_space<semaphore_mem>>) attributes {dimension_semantics = [#tpu.dimension_semantics<core_parallel>, #tpu.dimension_semantics<subcore_parallel>], iteration_bounds = array<i64: 2, 16>, scalar_prefetch = 0 : i64, scratch_operands = 4 : i64, tpu.core_type = #tpu.core_type<sc_vector_subcore>, window_params = [{transform_indices = #map}, {transform_indices = #map}, {transform_indices = #map}, {transform_indices = #map}]} {
    %mul3A = arith.constant 2 : i32
    %mul3A_0 = arith.muli %arg1, %mul3A : i32
    %add3A = arith.addi %mul3A_0, %arg0 : i32
    %mul3A_1 = arith.constant 196 : i32
    %mul3A_2 = arith.muli %add3A, %mul3A_1 : i32
    %mul3A_3 = arith.constant 128 : i32
    %mul3A_4 = arith.muli %mul3A_2, %mul3A_3 : i32
    %mul3A_5 = arith.constant 3200 : i32
    %mul3A_6 = arith.muli %arg1, %mul3A_5 : i32
    "tpu.region"() ({
      %run_scoped3A = tpu.sem_alloc : memref<!tpu.dma_semaphore, #tpu.memory_space<semaphore_mem>>
      %dma_start3A = arith.constant 0 : i32
      %dma_start3A_20 = tpu.memref_slice %arg6[%mul3A_6, %dma_start3A] : memref<51200x32xf32, #tpu.memory_space<vmem_shared>> -> memref<3200x32xf32, #tpu.memory_space<vmem_shared>>
      %dma_start3A_21 = arith.constant 0 : i32
      %dma_start3A_22 = arith.constant 0 : i32
      %dma_start3A_23 = tpu.memref_slice %arg4[%dma_start3A_21, %dma_start3A_22] : memref<3200x128xf32, #tpu.memory_space<hbm>> -> memref<3200x32xf32, #tpu.memory_space<hbm>>
      tpu.enqueue_dma source(%dma_start3A_23 : memref<3200x32xf32, #tpu.memory_space<hbm>>) target(%dma_start3A_20 : memref<3200x32xf32, #tpu.memory_space<vmem_shared>>) target_semaphore(%run_scoped3A : memref<!tpu.dma_semaphore, #tpu.memory_space<semaphore_mem>>)
      %dma_wait3A = arith.constant 0 : i32
      %dma_wait3A_24 = tpu.memref_slice %arg6[%mul3A_6, %dma_wait3A] : memref<51200x32xf32, #tpu.memory_space<vmem_shared>> -> memref<3200x32xf32, #tpu.memory_space<vmem_shared>>
      %dma_wait3A_25 = arith.constant 0 : i32
      %dma_wait3A_26 = arith.constant 0 : i32
      %dma_wait3A_27 = tpu.memref_slice %arg4[%dma_wait3A_25, %dma_wait3A_26] : memref<3200x128xf32, #tpu.memory_space<hbm>> -> memref<3200x32xf32, #tpu.memory_space<hbm>>
      tpu.wait_dma2 semaphore(%run_scoped3A : memref<!tpu.dma_semaphore, #tpu.memory_space<semaphore_mem>>) src(%dma_wait3A_27 : memref<3200x32xf32, #tpu.memory_space<hbm>>) dst(%dma_wait3A_24 : memref<3200x32xf32, #tpu.memory_space<vmem_shared>>)
      tpu.yield
    }) : () -> ()
    %barrier3A = arith.constant 0 : index
    tpu.barrier barrier_id(%barrier3A)
    %scan3A = arith.constant 0 : i32
    %scan3A_7 = arith.constant 0 : i32
    %scan3A_8 = arith.constant 4 : i32
    %scan3A_9 = arith.addi %scan3A_7, %scan3A_8 : i32
    %scan3A_10 = arith.constant 1 : i32
    scf.for %scan3A_20 = %scan3A_7 to %scan3A_9 step %scan3A_10  : i32 {
      %mul3A_21 = arith.constant 196 : i32
      %mul3A_22 = arith.muli %add3A, %mul3A_21 : i32
      %mul3A_23 = arith.constant 49 : i32
      %mul3A_24 = arith.muli %scan3A_20, %mul3A_23 : i32
      %add3A_25 = arith.addi %mul3A_22, %mul3A_24 : i32
      "tpu.region"() ({
        %run_scoped3A = tpu.sem_alloc : memref<!tpu.dma_semaphore, #tpu.memory_space<semaphore_mem>>
        %dma_start3A = arith.constant 0 : i32
        %dma_start3A_34 = tpu.memref_slice %arg3[%add3A_25, %dma_start3A] : memref<6272x128xi32, #tpu.memory_space<hbm>> -> memref<49x128xi32, #tpu.memory_space<hbm>>
        %dma_start3A_35 = arith.constant 0 : i32
        %dma_start3A_36 = tpu.memref_slice %arg3[%add3A_25, %dma_start3A_35] : memref<6272x128xi32, #tpu.memory_space<hbm>> -> memref<49x128xi32, #tpu.memory_space<hbm>>
        tpu.enqueue_dma source(%dma_start3A_36 : memref<49x128xi32, #tpu.memory_space<hbm>>) target(%arg7 : memref<49x128xi32, #tpu.memory_space<vmem>>) target_semaphore(%run_scoped3A : memref<!tpu.dma_semaphore, #tpu.memory_space<semaphore_mem>>)
        %dma_wait3A = arith.constant 0 : i32
        %dma_wait3A_37 = tpu.memref_slice %arg3[%add3A_25, %dma_wait3A] : memref<6272x128xi32, #tpu.memory_space<hbm>> -> memref<49x128xi32, #tpu.memory_space<hbm>>
        %dma_wait3A_38 = arith.constant 0 : i32
        %dma_wait3A_39 = tpu.memref_slice %arg3[%add3A_25, %dma_wait3A_38] : memref<6272x128xi32, #tpu.memory_space<hbm>> -> memref<49x128xi32, #tpu.memory_space<hbm>>
        tpu.wait_dma2 semaphore(%run_scoped3A : memref<!tpu.dma_semaphore, #tpu.memory_space<semaphore_mem>>) src(%dma_wait3A_39 : memref<49x128xi32, #tpu.memory_space<hbm>>) dst(%arg7 : memref<49x128xi32, #tpu.memory_space<vmem>>)
        tpu.yield
      }) : () -> ()
      %eq3A = arith.constant 0 : i32
      %eq3A_26 = arith.cmpi eq, %scan3A_20, %eq3A : i32
      %convert_element_type3A = arith.extui %eq3A_26 : i1 to i32
      %cond3A = arith.constant 0 : i32
      %cond3A_27 = arith.cmpi ne, %convert_element_type3A, %cond3A : i32
      scf.if %cond3A_27 {
        %add3A_34 = arith.constant 0 : i32
        %add3A_35 = arith.addi %mul3A_4, %add3A_34 : i32
        %dma_start3A = arith.constant 0 : i32
        %dma_start3A_36 = arith.constant 0 : i32
        %dma_start3A_37 = arith.constant 0 : i32
        %dma_start3A_38 = tpu.memref_slice %arg8[%dma_start3A, %dma_start3A_36, %dma_start3A_37] : memref<2x128x32xf32, #tpu.memory_space<vmem>> -> memref<1x128x32xf32, #tpu.memory_space<vmem>>
        %dma_start3A_39 = tpu.memref_squeeze %dma_start3A_38 : memref<1x128x32xf32, #tpu.memory_space<vmem>> -> memref<128x32xf32, #tpu.memory_space<vmem>>
        %dma_start3A_40 = arith.constant 0 : i32
        %dma_start3A_41 = tpu.memref_slice %arg2[%add3A_35, %dma_start3A_40] : memref<802816x128xf32, #tpu.memory_space<hbm>> -> memref<128x32xf32, #tpu.memory_space<hbm>>
        %dma_start3A_42 = arith.constant 0 : i32
        %dma_start3A_43 = arith.constant 0 : i32
        %dma_start3A_44 = tpu.memref_slice %arg8[%dma_start3A, %dma_start3A_42, %dma_start3A_43] : memref<2x128x32xf32, #tpu.memory_space<vmem>> -> memref<1x128x32xf32, #tpu.memory_space<vmem>>
        %dma_start3A_45 = tpu.memref_squeeze %dma_start3A_44 : memref<1x128x32xf32, #tpu.memory_space<vmem>> -> memref<128x32xf32, #tpu.memory_space<vmem>>
        %dma_start3A_46 = arith.constant 0 : i32
        %dma_start3A_47 = tpu.memref_slice %arg2[%add3A_35, %dma_start3A_46] : memref<802816x128xf32, #tpu.memory_space<hbm>> -> memref<128x32xf32, #tpu.memory_space<hbm>>
        tpu.enqueue_dma source(%dma_start3A_47 : memref<128x32xf32, #tpu.memory_space<hbm>>) target(%dma_start3A_45 : memref<128x32xf32, #tpu.memory_space<vmem>>) target_semaphore(%arg9 : memref<!tpu.dma_semaphore, #tpu.memory_space<semaphore_mem>>)
      } else {
      }
      %scan3A_28 = arith.constant 0 : i32
      %scan3A_29 = arith.constant 0 : i32
      %scan3A_30 = arith.constant 49 : i32
      %scan3A_31 = arith.addi %scan3A_29, %scan3A_30 : i32
      %scan3A_32 = arith.constant 1 : i32
      scf.for %scan3A_34 = %scan3A_29 to %scan3A_31 step %scan3A_32  : i32 {
        %mul3A_35 = arith.constant 49 : i32
        %mul3A_36 = arith.muli %scan3A_20, %mul3A_35 : i32
        %add3A_37 = arith.addi %mul3A_36, %scan3A_34 : i32
        %rem3A = arith.constant 2 : i32
        %rem3A_38 = arith.remsi %add3A_37, %rem3A : i32
        %add3A_39 = arith.constant 1 : i32
        %add3A_40 = arith.addi %add3A_37, %add3A_39 : i32
        %lt3A = arith.constant 196 : i32
        %lt3A_41 = arith.cmpi slt, %add3A_40, %lt3A : i32
        %convert_element_type3A_42 = arith.extui %lt3A_41 : i1 to i32
        %cond3A_43 = arith.constant 0 : i32
        %cond3A_44 = arith.cmpi ne, %convert_element_type3A_42, %cond3A_43 : i32
        scf.if %cond3A_44 {
          %add3A_59 = arith.constant 1 : i32
          %add3A_60 = arith.addi %add3A_37, %add3A_59 : i32
          %sub3A = arith.constant 1 : i32
          %sub3A_61 = arith.subi %sub3A, %rem3A_38 : i32
          %mul3A_62 = arith.constant 128 : i32
          %mul3A_63 = arith.muli %add3A_60, %mul3A_62 : i32
          %add3A_64 = arith.addi %mul3A_4, %mul3A_63 : i32
          %dma_start3A = arith.constant 0 : i32
          %dma_start3A_65 = arith.constant 0 : i32
          %dma_start3A_66 = tpu.memref_slice %arg8[%sub3A_61, %dma_start3A, %dma_start3A_65] : memref<2x128x32xf32, #tpu.memory_space<vmem>> -> memref<1x128x32xf32, #tpu.memory_space<vmem>>
          %dma_start3A_67 = tpu.memref_squeeze %dma_start3A_66 : memref<1x128x32xf32, #tpu.memory_space<vmem>> -> memref<128x32xf32, #tpu.memory_space<vmem>>
          %dma_start3A_68 = arith.constant 0 : i32
          %dma_start3A_69 = tpu.memref_slice %arg2[%add3A_64, %dma_start3A_68] : memref<802816x128xf32, #tpu.memory_space<hbm>> -> memref<128x32xf32, #tpu.memory_space<hbm>>
          %dma_start3A_70 = arith.constant 0 : i32
          %dma_start3A_71 = arith.constant 0 : i32
          %dma_start3A_72 = tpu.memref_slice %arg8[%sub3A_61, %dma_start3A_70, %dma_start3A_71] : memref<2x128x32xf32, #tpu.memory_space<vmem>> -> memref<1x128x32xf32, #tpu.memory_space<vmem>>
          %dma_start3A_73 = tpu.memref_squeeze %dma_start3A_72 : memref<1x128x32xf32, #tpu.memory_space<vmem>> -> memref<128x32xf32, #tpu.memory_space<vmem>>
          %dma_start3A_74 = arith.constant 0 : i32
          %dma_start3A_75 = tpu.memref_slice %arg2[%add3A_64, %dma_start3A_74] : memref<802816x128xf32, #tpu.memory_space<hbm>> -> memref<128x32xf32, #tpu.memory_space<hbm>>
          tpu.enqueue_dma source(%dma_start3A_75 : memref<128x32xf32, #tpu.memory_space<hbm>>) target(%dma_start3A_73 : memref<128x32xf32, #tpu.memory_space<vmem>>) target_semaphore(%arg9 : memref<!tpu.dma_semaphore, #tpu.memory_space<semaphore_mem>>)
        } else {
        }
        %mul3A_45 = arith.constant 128 : i32
        %mul3A_46 = arith.muli %add3A_37, %mul3A_45 : i32
        %add3A_47 = arith.addi %mul3A_4, %mul3A_46 : i32
        %dma_wait3A = arith.constant 0 : i32
        %dma_wait3A_48 = arith.constant 0 : i32
        %dma_wait3A_49 = tpu.memref_slice %arg8[%rem3A_38, %dma_wait3A, %dma_wait3A_48] : memref<2x128x32xf32, #tpu.memory_space<vmem>> -> memref<1x128x32xf32, #tpu.memory_space<vmem>>
        %dma_wait3A_50 = tpu.memref_squeeze %dma_wait3A_49 : memref<1x128x32xf32, #tpu.memory_space<vmem>> -> memref<128x32xf32, #tpu.memory_space<vmem>>
        %dma_wait3A_51 = arith.constant 0 : i32
        %dma_wait3A_52 = tpu.memref_slice %arg2[%add3A_47, %dma_wait3A_51] : memref<802816x128xf32, #tpu.memory_space<hbm>> -> memref<128x32xf32, #tpu.memory_space<hbm>>
        %dma_wait3A_53 = arith.constant 0 : i32
        %dma_wait3A_54 = arith.constant 0 : i32
        %dma_wait3A_55 = tpu.memref_slice %arg8[%rem3A_38, %dma_wait3A_53, %dma_wait3A_54] : memref<2x128x32xf32, #tpu.memory_space<vmem>> -> memref<1x128x32xf32, #tpu.memory_space<vmem>>
        %dma_wait3A_56 = tpu.memref_squeeze %dma_wait3A_55 : memref<1x128x32xf32, #tpu.memory_space<vmem>> -> memref<128x32xf32, #tpu.memory_space<vmem>>
        %dma_wait3A_57 = arith.constant 0 : i32
        %dma_wait3A_58 = tpu.memref_slice %arg2[%add3A_47, %dma_wait3A_57] : memref<802816x128xf32, #tpu.memory_space<hbm>> -> memref<128x32xf32, #tpu.memory_space<hbm>>
        tpu.wait_dma2 semaphore(%arg9 : memref<!tpu.dma_semaphore, #tpu.memory_space<semaphore_mem>>) src(%dma_wait3A_58 : memref<128x32xf32, #tpu.memory_space<hbm>>) dst(%dma_wait3A_56 : memref<128x32xf32, #tpu.memory_space<vmem>>)
        "tpu.region"() ({
          %run_scoped3A = tpu.sem_alloc : memref<!tpu.dma_semaphore, #tpu.memory_space<semaphore_mem>>
          %dma_start3A = arith.constant 0 : i32
          %dma_start3A_59 = arith.constant 0 : i32
          %dma_start3A_60 = tpu.memref_slice %arg8[%rem3A_38, %dma_start3A, %dma_start3A_59] : memref<2x128x32xf32, #tpu.memory_space<vmem>> -> memref<1x128x32xf32, #tpu.memory_space<vmem>>
          %dma_start3A_61 = tpu.memref_squeeze %dma_start3A_60 : memref<1x128x32xf32, #tpu.memory_space<vmem>> -> memref<128x32xf32, #tpu.memory_space<vmem>>
          %dma_start3A_62 = arith.constant 0 : i32
          %dma_start3A_63 = tpu.memref_slice %arg7[%scan3A_34, %dma_start3A_62] : memref<49x128xi32, #tpu.memory_space<vmem>> -> memref<1x128xi32, #tpu.memory_space<vmem>>
          %dma_start3A_64 = tpu.memref_squeeze %dma_start3A_63 : memref<1x128xi32, #tpu.memory_space<vmem>> -> memref<128xi32, #tpu.memory_space<vmem>>
          %dma_start3A_65 = arith.constant 0 : i32
          %dma_start3A_66 = arith.constant 0 : i32
          %dma_start3A_67 = tpu.memref_slice %arg6[%dma_start3A_65, %dma_start3A_66] : memref<51200x32xf32, #tpu.memory_space<vmem_shared>> -> memref<51200x32xf32, #tpu.memory_space<vmem_shared>>
          tpu.enqueue_indirect_dma source(%dma_start3A_61 : memref<128x32xf32, #tpu.memory_space<vmem>>) target(%dma_start3A_67 : memref<51200x32xf32, #tpu.memory_space<vmem_shared>>) offsets(%dma_start3A_64 : memref<128xi32, #tpu.memory_space<vmem>>) semaphore(%run_scoped3A : memref<!tpu.dma_semaphore, #tpu.memory_space<semaphore_mem>>) {add = true}
          %dma_wait3A_68 = arith.constant 0 : i32
          %dma_wait3A_69 = arith.constant 0 : i32
          %dma_wait3A_70 = tpu.memref_slice %arg8[%rem3A_38, %dma_wait3A_68, %dma_wait3A_69] : memref<2x128x32xf32, #tpu.memory_space<vmem>> -> memref<1x128x32xf32, #tpu.memory_space<vmem>>
          %dma_wait3A_71 = tpu.memref_squeeze %dma_wait3A_70 : memref<1x128x32xf32, #tpu.memory_space<vmem>> -> memref<128x32xf32, #tpu.memory_space<vmem>>
          %dma_wait3A_72 = arith.constant 0 : i32
          %dma_wait3A_73 = tpu.memref_slice %arg7[%scan3A_34, %dma_wait3A_72] : memref<49x128xi32, #tpu.memory_space<vmem>> -> memref<1x128xi32, #tpu.memory_space<vmem>>
          %dma_wait3A_74 = tpu.memref_squeeze %dma_wait3A_73 : memref<1x128xi32, #tpu.memory_space<vmem>> -> memref<128xi32, #tpu.memory_space<vmem>>
          %dma_wait3A_75 = arith.constant 0 : i32
          %dma_wait3A_76 = arith.constant 0 : i32
          %dma_wait3A_77 = tpu.memref_slice %arg6[%dma_wait3A_75, %dma_wait3A_76] : memref<51200x32xf32, #tpu.memory_space<vmem_shared>> -> memref<51200x32xf32, #tpu.memory_space<vmem_shared>>
          tpu.wait_indirect_dma semaphore(%run_scoped3A : memref<!tpu.dma_semaphore, #tpu.memory_space<semaphore_mem>>) src(%dma_wait3A_71 : memref<128x32xf32, #tpu.memory_space<vmem>>) dst(%dma_wait3A_77 : memref<51200x32xf32, #tpu.memory_space<vmem_shared>>)
          tpu.yield
        }) : () -> ()
      }
      %scan3A_33 = arith.constant 49 : i32
    }
    %scan3A_11 = arith.constant 4 : i32
    %barrier3A_12 = arith.constant 0 : index
    tpu.barrier barrier_id(%barrier3A_12)
    %mul3A_13 = arith.constant 51200 : i32
    %mul3A_14 = arith.muli %arg0, %mul3A_13 : i32
    %mul3A_15 = arith.constant 3200 : i32
    %mul3A_16 = arith.muli %arg1, %mul3A_15 : i32
    %add3A_17 = arith.addi %mul3A_14, %mul3A_16 : i32
    %mul3A_18 = arith.constant 3200 : i32
    %mul3A_19 = arith.muli %arg1, %mul3A_18 : i32
    "tpu.region"() ({
      %run_scoped3A = tpu.sem_alloc : memref<!tpu.dma_semaphore, #tpu.memory_space<semaphore_mem>>
      %dma_start3A = arith.constant 0 : i32
      %dma_start3A_20 = tpu.memref_slice %arg5[%add3A_17, %dma_start3A] : memref<102400x128xf32, #tpu.memory_space<hbm>> -> memref<3200x32xf32, #tpu.memory_space<hbm>>
      %dma_start3A_21 = arith.constant 0 : i32
      %dma_start3A_22 = tpu.memref_slice %arg6[%mul3A_19, %dma_start3A_21] : memref<51200x32xf32, #tpu.memory_space<vmem_shared>> -> memref<3200x32xf32, #tpu.memory_space<vmem_shared>>
      tpu.enqueue_dma source(%dma_start3A_22 : memref<3200x32xf32, #tpu.memory_space<vmem_shared>>) target(%dma_start3A_20 : memref<3200x32xf32, #tpu.memory_space<hbm>>) target_semaphore(%run_scoped3A : memref<!tpu.dma_semaphore, #tpu.memory_space<semaphore_mem>>)
      %dma_wait3A = arith.constant 0 : i32
      %dma_wait3A_23 = tpu.memref_slice %arg5[%add3A_17, %dma_wait3A] : memref<102400x128xf32, #tpu.memory_space<hbm>> -> memref<3200x32xf32, #tpu.memory_space<hbm>>
      %dma_wait3A_24 = arith.constant 0 : i32
      %dma_wait3A_25 = tpu.memref_slice %arg6[%mul3A_19, %dma_wait3A_24] : memref<51200x32xf32, #tpu.memory_space<vmem_shared>> -> memref<3200x32xf32, #tpu.memory_space<vmem_shared>>
      tpu.wait_dma2 semaphore(%run_scoped3A : memref<!tpu.dma_semaphore, #tpu.memory_space<semaphore_mem>>) src(%dma_wait3A_25 : memref<3200x32xf32, #tpu.memory_space<vmem_shared>>) dst(%dma_wait3A_23 : memref<3200x32xf32, #tpu.memory_space<hbm>>)
      tpu.yield
    }) : () -> ()
    return
  }
}

module attributes {stable_mosaic.version = 14 : i64} {
  func.func @_init_body(%arg0: i32, %arg1: memref<1024x40xf32, #tpu.memory_space<vmem>>, %arg2: memref<1024x16xf32, #tpu.memory_space<vmem>>, %arg3: memref<40x40xf32, #tpu.memory_space<vmem>>, %arg4: memref<1x40xf32, #tpu.memory_space<vmem>>, %arg5: memref<40x32xf32, #tpu.memory_space<vmem>>, %arg6: memref<1x32xf32, #tpu.memory_space<vmem>>, %arg7: memref<32x32xf32, #tpu.memory_space<vmem>>, %arg8: memref<1x32xf32, #tpu.memory_space<vmem>>, %arg9: memref<1024x48xf32, #tpu.memory_space<vmem>>) attributes {dimension_semantics = [#tpu.dimension_semantics<arbitrary>], iteration_bounds = array<i64: 50>, scalar_prefetch = 0 : i64, scratch_operands = 0 : i64, tpu.core_type = #tpu.core_type<tc>, window_params = [{transform_indices = @transform_0, window_bounds = array<i64: 1024, 40>}, {transform_indices = @transform_1, window_bounds = array<i64: 1024, 16>}, {pipeline_mode = #tpu.pipeline_mode<synchronous>, transform_indices = @transform_2, window_bounds = array<i64: 40, 40>}, {pipeline_mode = #tpu.pipeline_mode<synchronous>, transform_indices = @transform_3, window_bounds = array<i64: 1, 40>}, {pipeline_mode = #tpu.pipeline_mode<synchronous>, transform_indices = @transform_4, window_bounds = array<i64: 40, 32>}, {pipeline_mode = #tpu.pipeline_mode<synchronous>, transform_indices = @transform_5, window_bounds = array<i64: 1, 32>}, {pipeline_mode = #tpu.pipeline_mode<synchronous>, transform_indices = @transform_6, window_bounds = array<i64: 32, 32>}, {pipeline_mode = #tpu.pipeline_mode<synchronous>, transform_indices = @transform_7, window_bounds = array<i64: 1, 32>}, {transform_indices = @transform_8, window_bounds = array<i64: 1024, 48>}]} {
    %get3A = arith.constant 0 : index
    %get3A_0 = arith.constant 0 : index
    %get3A_1 = vector.load %arg1[%get3A, %get3A_0] : memref<1024x40xf32, #tpu.memory_space<vmem>>, vector<1024x40xf32>
    %get3A_2 = arith.constant 0 : index
    %get3A_3 = arith.constant 0 : index
    %get3A_4 = vector.load %arg3[%get3A_2, %get3A_3] : memref<40x40xf32, #tpu.memory_space<vmem>>, vector<40x40xf32>
    %convert_element_type3A = arith.truncf %get3A_1 : vector<1024x40xf32> to vector<1024x40xbf16>
    %convert_element_type3A_5 = arith.truncf %get3A_4 : vector<40x40xf32> to vector<40x40xbf16>
    %dot_general3A = arith.constant dense<0.000000e+00> : vector<1024x40xf32>
    %dot_general3A_6 = tpu.matmul %convert_element_type3A, %convert_element_type3A_5, %dot_general3A {dimension_numbers = #tpu.dot_dimension_numbers<[1], [0], [0], [1], [0, 0, 1, 1], [], []>, transpose_lhs_hint = false} : vector<1024x40xbf16>, vector<40x40xbf16>, vector<1024x40xf32> -> vector<1024x40xf32>
    %get3A_7 = arith.constant 0 : index
    %get3A_8 = arith.constant 0 : index
    %get3A_9 = vector.load %arg4[%get3A_7, %get3A_8] : memref<1x40xf32, #tpu.memory_space<vmem>>, vector<1x40xf32>
    %add3A = vector.broadcast %get3A_9 : vector<1x40xf32> to vector<1024x40xf32>
    %add3A_10 = arith.addf %dot_general3A_6, %add3A : vector<1024x40xf32>
    %gt3A = arith.constant 0.000000e+00 : f32
    %gt3A_11 = vector.broadcast %gt3A : f32 to vector<1024x40xf32>
    %gt3A_12 = arith.cmpf ogt, %add3A_10, %gt3A_11 : vector<1024x40xf32>
    %min3A = arith.constant 0.000000e+00 : f32
    %min3A_13 = vector.broadcast %min3A : f32 to vector<1024x40xf32>
    %min3A_14 = arith.minimumf %add3A_10, %min3A_13 : vector<1024x40xf32>
    %exp3A = math.exp %min3A_14 : vector<1024x40xf32>
    %sub3A = arith.constant 1.000000e+00 : f32
    %sub3A_15 = vector.broadcast %sub3A : f32 to vector<1024x40xf32>
    %sub3A_16 = arith.subf %exp3A, %sub3A_15 : vector<1024x40xf32>
    %select_n3A = arith.select %gt3A_12, %add3A_10, %sub3A_16 : vector<1024x40xi1>, vector<1024x40xf32>
    %get3A_17 = arith.constant 0 : index
    %get3A_18 = arith.constant 0 : index
    %get3A_19 = vector.load %arg5[%get3A_17, %get3A_18] : memref<40x32xf32, #tpu.memory_space<vmem>>, vector<40x32xf32>
    %convert_element_type3A_20 = arith.truncf %select_n3A : vector<1024x40xf32> to vector<1024x40xbf16>
    %convert_element_type3A_21 = arith.truncf %get3A_19 : vector<40x32xf32> to vector<40x32xbf16>
    %dot_general3A_22 = arith.constant dense<0.000000e+00> : vector<1024x32xf32>
    %dot_general3A_23 = tpu.matmul %convert_element_type3A_20, %convert_element_type3A_21, %dot_general3A_22 {dimension_numbers = #tpu.dot_dimension_numbers<[1], [0], [0], [1], [0, 0, 1, 1], [], []>, transpose_lhs_hint = false} : vector<1024x40xbf16>, vector<40x32xbf16>, vector<1024x32xf32> -> vector<1024x32xf32>
    %get3A_24 = arith.constant 0 : index
    %get3A_25 = arith.constant 0 : index
    %get3A_26 = vector.load %arg6[%get3A_24, %get3A_25] : memref<1x32xf32, #tpu.memory_space<vmem>>, vector<1x32xf32>
    %add3A_27 = vector.broadcast %get3A_26 : vector<1x32xf32> to vector<1024x32xf32>
    %add3A_28 = arith.addf %dot_general3A_23, %add3A_27 : vector<1024x32xf32>
    %get3A_29 = arith.constant 0 : index
    %get3A_30 = arith.constant 0 : index
    %get3A_31 = vector.load %arg7[%get3A_29, %get3A_30] : memref<32x32xf32, #tpu.memory_space<vmem>>, vector<32x32xf32>
    %convert_element_type3A_32 = arith.truncf %add3A_28 : vector<1024x32xf32> to vector<1024x32xbf16>
    %convert_element_type3A_33 = arith.truncf %get3A_31 : vector<32x32xf32> to vector<32x32xbf16>
    %dot_general3A_34 = arith.constant dense<0.000000e+00> : vector<1024x32xf32>
    %dot_general3A_35 = tpu.matmul %convert_element_type3A_32, %convert_element_type3A_33, %dot_general3A_34 {dimension_numbers = #tpu.dot_dimension_numbers<[1], [0], [0], [1], [0, 0, 1, 1], [], []>, transpose_lhs_hint = false} : vector<1024x32xbf16>, vector<32x32xbf16>, vector<1024x32xf32> -> vector<1024x32xf32>
    %get3A_36 = arith.constant 0 : index
    %get3A_37 = arith.constant 0 : index
    %get3A_38 = vector.load %arg8[%get3A_36, %get3A_37] : memref<1x32xf32, #tpu.memory_space<vmem>>, vector<1x32xf32>
    %add3A_39 = vector.broadcast %get3A_38 : vector<1x32xf32> to vector<1024x32xf32>
    %add3A_40 = arith.addf %dot_general3A_35, %add3A_39 : vector<1024x32xf32>
    %swap3A = arith.constant 0 : index
    %swap3A_41 = arith.constant 0 : index
    %swap3A_42 = vector.load %arg9[%swap3A, %swap3A_41] : memref<1024x48xf32, #tpu.memory_space<vmem>>, vector<1024x32xf32>
    tpu.vector_store %arg9[%swap3A, %swap3A_41], %add3A_40 {strides = array<i32>} : memref<1024x48xf32, #tpu.memory_space<vmem>>, vector<1024x32xf32>,
    %get3A_43 = arith.constant 0 : index
    %get3A_44 = arith.constant 0 : index
    %get3A_45 = vector.load %arg2[%get3A_43, %get3A_44] : memref<1024x16xf32, #tpu.memory_space<vmem>>, vector<1024x16xf32>
    %swap3A_46 = arith.constant 0 : index
    %swap3A_47 = arith.constant 32 : index
    %swap3A_48 = vector.load %arg9[%swap3A_46, %swap3A_47] : memref<1024x48xf32, #tpu.memory_space<vmem>>, vector<1024x16xf32>
    tpu.vector_store %arg9[%swap3A_46, %swap3A_47], %get3A_45 {strides = array<i32>} : memref<1024x48xf32, #tpu.memory_space<vmem>>, vector<1024x16xf32>,
    return
  }
  func.func @transform_0(%arg0: i32) -> (i32, i32) {
    %c0_i32 = arith.constant 0 : i32
    %c0_i32_0 = arith.constant 0 : i32
    return %arg0, %c0_i32 : i32, i32
  }
  func.func @transform_1(%arg0: i32) -> (i32, i32) {
    %c0_i32 = arith.constant 0 : i32
    %c0_i32_0 = arith.constant 0 : i32
    return %arg0, %c0_i32 : i32, i32
  }
  func.func @transform_2(%arg0: i32) -> (i32, i32) {
    %c0_i32 = arith.constant 0 : i32
    %c0_i32_0 = arith.constant 0 : i32
    %c0_i32_1 = arith.constant 0 : i32
    return %c0_i32, %c0_i32_0 : i32, i32
  }
  func.func @transform_3(%arg0: i32) -> (i32, i32) {
    %c0_i32 = arith.constant 0 : i32
    %c0_i32_0 = arith.constant 0 : i32
    %c0_i32_1 = arith.constant 0 : i32
    return %c0_i32, %c0_i32_0 : i32, i32
  }
  func.func @transform_4(%arg0: i32) -> (i32, i32) {
    %c0_i32 = arith.constant 0 : i32
    %c0_i32_0 = arith.constant 0 : i32
    %c0_i32_1 = arith.constant 0 : i32
    return %c0_i32, %c0_i32_0 : i32, i32
  }
  func.func @transform_5(%arg0: i32) -> (i32, i32) {
    %c0_i32 = arith.constant 0 : i32
    %c0_i32_0 = arith.constant 0 : i32
    %c0_i32_1 = arith.constant 0 : i32
    return %c0_i32, %c0_i32_0 : i32, i32
  }
  func.func @transform_6(%arg0: i32) -> (i32, i32) {
    %c0_i32 = arith.constant 0 : i32
    %c0_i32_0 = arith.constant 0 : i32
    %c0_i32_1 = arith.constant 0 : i32
    return %c0_i32, %c0_i32_0 : i32, i32
  }
  func.func @transform_7(%arg0: i32) -> (i32, i32) {
    %c0_i32 = arith.constant 0 : i32
    %c0_i32_0 = arith.constant 0 : i32
    %c0_i32_1 = arith.constant 0 : i32
    return %c0_i32, %c0_i32_0 : i32, i32
  }
  func.func @transform_8(%arg0: i32) -> (i32, i32) {
    %c0_i32 = arith.constant 0 : i32
    %c0_i32_0 = arith.constant 0 : i32
    return %arg0, %c0_i32 : i32, i32
  }
}

module attributes {stable_mosaic.version = 14 : i64} {
  func.func @_edge_body(%arg0: i32, %arg1: memref<2048x128xf32, #tpu.memory_space<vmem>>, %arg2: memref<2048x128xf32, #tpu.memory_space<vmem>>, %arg3: memref<2048x8xf32, #tpu.memory_space<vmem>>, %arg4: memref<32x32xf32, #tpu.memory_space<vmem>>, %arg5: memref<32x32xf32, #tpu.memory_space<vmem>>, %arg6: memref<1x32xf32, #tpu.memory_space<vmem>>, %arg7: memref<8x32xf32, #tpu.memory_space<vmem>>, %arg8: memref<1x32xf32, #tpu.memory_space<vmem>>, %arg9: memref<32x32xf32, #tpu.memory_space<vmem>>, %arg10: memref<1x32xf32, #tpu.memory_space<vmem>>, %arg11: memref<32x32xf32, #tpu.memory_space<vmem>>, %arg12: memref<1x32xf32, #tpu.memory_space<vmem>>, %arg13: memref<1x32xf32, #tpu.memory_space<vmem>>, %arg14: memref<2048x128xf32, #tpu.memory_space<vmem>>) attributes {dimension_semantics = [#tpu.dimension_semantics<arbitrary>], iteration_bounds = array<i64: 392>, scalar_prefetch = 0 : i64, scratch_operands = 0 : i64, tpu.core_type = #tpu.core_type<tc>, window_params = [{transform_indices = @transform_0, window_bounds = array<i64: 2048, 128>}, {transform_indices = @transform_1, window_bounds = array<i64: 2048, 128>}, {transform_indices = @transform_2, window_bounds = array<i64: 2048, 8>}, {pipeline_mode = #tpu.pipeline_mode<synchronous>, transform_indices = @transform_3, window_bounds = array<i64: 32, 32>}, {pipeline_mode = #tpu.pipeline_mode<synchronous>, transform_indices = @transform_4, window_bounds = array<i64: 32, 32>}, {pipeline_mode = #tpu.pipeline_mode<synchronous>, transform_indices = @transform_5, window_bounds = array<i64: 1, 32>}, {pipeline_mode = #tpu.pipeline_mode<synchronous>, transform_indices = @transform_6, window_bounds = array<i64: 8, 32>}, {pipeline_mode = #tpu.pipeline_mode<synchronous>, transform_indices = @transform_7, window_bounds = array<i64: 1, 32>}, {pipeline_mode = #tpu.pipeline_mode<synchronous>, transform_indices = @transform_8, window_bounds = array<i64: 32, 32>}, {pipeline_mode = #tpu.pipeline_mode<synchronous>, transform_indices = @transform_9, window_bounds = array<i64: 1, 32>}, {pipeline_mode = #tpu.pipeline_mode<synchronous>, transform_indices = @transform_10, window_bounds = array<i64: 32, 32>}, {pipeline_mode = #tpu.pipeline_mode<synchronous>, transform_indices = @transform_11, window_bounds = array<i64: 1, 32>}, {pipeline_mode = #tpu.pipeline_mode<synchronous>, transform_indices = @transform_12, window_bounds = array<i64: 1, 32>}, {transform_indices = @transform_13, window_bounds = array<i64: 2048, 128>}]} {
    %get3A = arith.constant 0 : index
    %get3A_0 = arith.constant 0 : index
    %get3A_1 = vector.load %arg1[%get3A, %get3A_0] : memref<2048x128xf32, #tpu.memory_space<vmem>>, vector<2048x32xf32>
    %get3A_2 = arith.constant 0 : index
    %get3A_3 = arith.constant 0 : index
    %get3A_4 = vector.load %arg2[%get3A_2, %get3A_3] : memref<2048x128xf32, #tpu.memory_space<vmem>>, vector<2048x32xf32>
    %get3A_5 = arith.constant 0 : index
    %get3A_6 = arith.constant 32 : index
    %get3A_7 = vector.load %arg1[%get3A_5, %get3A_6] : memref<2048x128xf32, #tpu.memory_space<vmem>>, vector<2048x16xf32>
    %get3A_8 = arith.constant 0 : index
    %get3A_9 = arith.constant 32 : index
    %get3A_10 = vector.load %arg2[%get3A_8, %get3A_9] : memref<2048x128xf32, #tpu.memory_space<vmem>>, vector<2048x16xf32>
    %sub3A = arith.subf %get3A_7, %get3A_10 : vector<2048x16xf32>
    %mul3A = arith.mulf %sub3A, %sub3A : vector<2048x16xf32>
    %reduce_sum3A = arith.constant dense<0.000000e+00> : vector<2048xf32>
    %reduce_sum3A_11 = vector.multi_reduction <add>, %mul3A, %reduce_sum3A [1] : vector<2048x16xf32> to vector<2048xf32>
    %broadcast_in_dim3A = vector.shape_cast %reduce_sum3A_11 : vector<2048xf32> to vector<2048x1xf32>
    %get3A_12 = arith.constant 0 : index
    %get3A_13 = arith.constant 0 : index
    %get3A_14 = vector.load %arg4[%get3A_12, %get3A_13] : memref<32x32xf32, #tpu.memory_space<vmem>>, vector<32x32xf32>
    %convert_element_type3A = arith.truncf %get3A_1 : vector<2048x32xf32> to vector<2048x32xbf16>
    %convert_element_type3A_15 = arith.truncf %get3A_14 : vector<32x32xf32> to vector<32x32xbf16>
    %dot_general3A = arith.constant dense<0.000000e+00> : vector<2048x32xf32>
    %dot_general3A_16 = tpu.matmul %convert_element_type3A, %convert_element_type3A_15, %dot_general3A {dimension_numbers = #tpu.dot_dimension_numbers<[1], [0], [0], [1], [0, 0, 1, 1], [], []>, transpose_lhs_hint = false} : vector<2048x32xbf16>, vector<32x32xbf16>, vector<2048x32xf32> -> vector<2048x32xf32>
    %get3A_17 = arith.constant 0 : index
    %get3A_18 = arith.constant 0 : index
    %get3A_19 = vector.load %arg5[%get3A_17, %get3A_18] : memref<32x32xf32, #tpu.memory_space<vmem>>, vector<32x32xf32>
    %convert_element_type3A_20 = arith.truncf %get3A_4 : vector<2048x32xf32> to vector<2048x32xbf16>
    %convert_element_type3A_21 = arith.truncf %get3A_19 : vector<32x32xf32> to vector<32x32xbf16>
    %dot_general3A_22 = arith.constant dense<0.000000e+00> : vector<2048x32xf32>
    %dot_general3A_23 = tpu.matmul %convert_element_type3A_20, %convert_element_type3A_21, %dot_general3A_22 {dimension_numbers = #tpu.dot_dimension_numbers<[1], [0], [0], [1], [0, 0, 1, 1], [], []>, transpose_lhs_hint = false} : vector<2048x32xbf16>, vector<32x32xbf16>, vector<2048x32xf32> -> vector<2048x32xf32>
    %add3A = arith.addf %dot_general3A_16, %dot_general3A_23 : vector<2048x32xf32>
    %convert_element_type3A_24 = arith.truncf %broadcast_in_dim3A : vector<2048x1xf32> to vector<2048x1xbf16>
    %convert_element_type3A_25 = arith.extf %convert_element_type3A_24 : vector<2048x1xbf16> to vector<2048x1xf32>
    %get3A_26 = arith.constant 0 : index
    %get3A_27 = arith.constant 0 : index
    %get3A_28 = vector.load %arg6[%get3A_26, %get3A_27] : memref<1x32xf32, #tpu.memory_space<vmem>>, vector<1x32xf32>
    %convert_element_type3A_29 = arith.truncf %get3A_28 : vector<1x32xf32> to vector<1x32xbf16>
    %convert_element_type3A_30 = arith.extf %convert_element_type3A_29 : vector<1x32xbf16> to vector<1x32xf32>
    %mul3A_31 = vector.broadcast %convert_element_type3A_25 : vector<2048x1xf32> to vector<2048x32xf32>
    %mul3A_32 = vector.broadcast %convert_element_type3A_30 : vector<1x32xf32> to vector<2048x32xf32>
    %mul3A_33 = arith.mulf %mul3A_31, %mul3A_32 : vector<2048x32xf32>
    %add3A_34 = arith.addf %add3A, %mul3A_33 : vector<2048x32xf32>
    %get3A_35 = arith.constant 0 : index
    %get3A_36 = arith.constant 0 : index
    %get3A_37 = vector.load %arg3[%get3A_35, %get3A_36] : memref<2048x8xf32, #tpu.memory_space<vmem>>, vector<2048x8xf32>
    %get3A_38 = arith.constant 0 : index
    %get3A_39 = arith.constant 0 : index
    %get3A_40 = vector.load %arg7[%get3A_38, %get3A_39] : memref<8x32xf32, #tpu.memory_space<vmem>>, vector<8x32xf32>
    %convert_element_type3A_41 = arith.truncf %get3A_37 : vector<2048x8xf32> to vector<2048x8xbf16>
    %convert_element_type3A_42 = arith.truncf %get3A_40 : vector<8x32xf32> to vector<8x32xbf16>
    %dot_general3A_43 = arith.constant dense<0.000000e+00> : vector<2048x32xf32>
    %dot_general3A_44 = tpu.matmul %convert_element_type3A_41, %convert_element_type3A_42, %dot_general3A_43 {dimension_numbers = #tpu.dot_dimension_numbers<[1], [0], [0], [1], [0, 0, 1, 1], [], []>, transpose_lhs_hint = false} : vector<2048x8xbf16>, vector<8x32xbf16>, vector<2048x32xf32> -> vector<2048x32xf32>
    %add3A_45 = arith.addf %add3A_34, %dot_general3A_44 : vector<2048x32xf32>
    %get3A_46 = arith.constant 0 : index
    %get3A_47 = arith.constant 0 : index
    %get3A_48 = vector.load %arg8[%get3A_46, %get3A_47] : memref<1x32xf32, #tpu.memory_space<vmem>>, vector<1x32xf32>
    %add3A_49 = vector.broadcast %get3A_48 : vector<1x32xf32> to vector<2048x32xf32>
    %add3A_50 = arith.addf %add3A_45, %add3A_49 : vector<2048x32xf32>
    %logistic3A = arith.negf %add3A_50 : vector<2048x32xf32>
    %logistic3A_51 = math.exp %logistic3A : vector<2048x32xf32>
    %logistic3A_52 = arith.constant 1.000000e+00 : f32
    %logistic3A_53 = vector.broadcast %logistic3A_52 : f32 to vector<2048x32xf32>
    %logistic3A_54 = arith.addf %logistic3A_53, %logistic3A_51 : vector<2048x32xf32>
    %logistic3A_55 = arith.divf %logistic3A_53, %logistic3A_54 : vector<2048x32xf32>
    %mul3A_56 = arith.mulf %add3A_50, %logistic3A_55 : vector<2048x32xf32>
    %get3A_57 = arith.constant 0 : index
    %get3A_58 = arith.constant 0 : index
    %get3A_59 = vector.load %arg9[%get3A_57, %get3A_58] : memref<32x32xf32, #tpu.memory_space<vmem>>, vector<32x32xf32>
    %convert_element_type3A_60 = arith.truncf %mul3A_56 : vector<2048x32xf32> to vector<2048x32xbf16>
    %convert_element_type3A_61 = arith.truncf %get3A_59 : vector<32x32xf32> to vector<32x32xbf16>
    %dot_general3A_62 = arith.constant dense<0.000000e+00> : vector<2048x32xf32>
    %dot_general3A_63 = tpu.matmul %convert_element_type3A_60, %convert_element_type3A_61, %dot_general3A_62 {dimension_numbers = #tpu.dot_dimension_numbers<[1], [0], [0], [1], [0, 0, 1, 1], [], []>, transpose_lhs_hint = false} : vector<2048x32xbf16>, vector<32x32xbf16>, vector<2048x32xf32> -> vector<2048x32xf32>
    %get3A_64 = arith.constant 0 : index
    %get3A_65 = arith.constant 0 : index
    %get3A_66 = vector.load %arg10[%get3A_64, %get3A_65] : memref<1x32xf32, #tpu.memory_space<vmem>>, vector<1x32xf32>
    %add3A_67 = vector.broadcast %get3A_66 : vector<1x32xf32> to vector<2048x32xf32>
    %add3A_68 = arith.addf %dot_general3A_63, %add3A_67 : vector<2048x32xf32>
    %logistic3A_69 = arith.negf %add3A_68 : vector<2048x32xf32>
    %logistic3A_70 = math.exp %logistic3A_69 : vector<2048x32xf32>
    %logistic3A_71 = arith.constant 1.000000e+00 : f32
    %logistic3A_72 = vector.broadcast %logistic3A_71 : f32 to vector<2048x32xf32>
    %logistic3A_73 = arith.addf %logistic3A_72, %logistic3A_70 : vector<2048x32xf32>
    %logistic3A_74 = arith.divf %logistic3A_72, %logistic3A_73 : vector<2048x32xf32>
    %mul3A_75 = arith.mulf %add3A_68, %logistic3A_74 : vector<2048x32xf32>
    %get3A_76 = arith.constant 0 : index
    %get3A_77 = arith.constant 0 : index
    %get3A_78 = vector.load %arg11[%get3A_76, %get3A_77] : memref<32x32xf32, #tpu.memory_space<vmem>>, vector<32x32xf32>
    %convert_element_type3A_79 = arith.truncf %mul3A_75 : vector<2048x32xf32> to vector<2048x32xbf16>
    %convert_element_type3A_80 = arith.truncf %get3A_78 : vector<32x32xf32> to vector<32x32xbf16>
    %dot_general3A_81 = arith.constant dense<0.000000e+00> : vector<2048x32xf32>
    %dot_general3A_82 = tpu.matmul %convert_element_type3A_79, %convert_element_type3A_80, %dot_general3A_81 {dimension_numbers = #tpu.dot_dimension_numbers<[1], [0], [0], [1], [0, 0, 1, 1], [], []>, transpose_lhs_hint = false} : vector<2048x32xbf16>, vector<32x32xbf16>, vector<2048x32xf32> -> vector<2048x32xf32>
    %get3A_83 = arith.constant 0 : index
    %get3A_84 = arith.constant 0 : index
    %get3A_85 = vector.load %arg12[%get3A_83, %get3A_84] : memref<1x32xf32, #tpu.memory_space<vmem>>, vector<1x32xf32>
    %add3A_86 = vector.broadcast %get3A_85 : vector<1x32xf32> to vector<2048x32xf32>
    %add3A_87 = arith.addf %dot_general3A_82, %add3A_86 : vector<2048x32xf32>
    %logistic3A_88 = arith.negf %add3A_87 : vector<2048x32xf32>
    %logistic3A_89 = math.exp %logistic3A_88 : vector<2048x32xf32>
    %logistic3A_90 = arith.constant 1.000000e+00 : f32
    %logistic3A_91 = vector.broadcast %logistic3A_90 : f32 to vector<2048x32xf32>
    %logistic3A_92 = arith.addf %logistic3A_91, %logistic3A_89 : vector<2048x32xf32>
    %logistic3A_93 = arith.divf %logistic3A_91, %logistic3A_92 : vector<2048x32xf32>
    %mul3A_94 = arith.mulf %add3A_87, %logistic3A_93 : vector<2048x32xf32>
    %convert_element_type3A_95 = arith.truncf %mul3A_94 : vector<2048x32xf32> to vector<2048x32xbf16>
    %convert_element_type3A_96 = arith.extf %convert_element_type3A_95 : vector<2048x32xbf16> to vector<2048x32xf32>
    %get3A_97 = arith.constant 0 : index
    %get3A_98 = arith.constant 0 : index
    %get3A_99 = vector.load %arg13[%get3A_97, %get3A_98] : memref<1x32xf32, #tpu.memory_space<vmem>>, vector<1x32xf32>
    %convert_element_type3A_100 = arith.truncf %get3A_99 : vector<1x32xf32> to vector<1x32xbf16>
    %convert_element_type3A_101 = arith.extf %convert_element_type3A_100 : vector<1x32xbf16> to vector<1x32xf32>
    %mul3A_102 = vector.broadcast %convert_element_type3A_101 : vector<1x32xf32> to vector<2048x32xf32>
    %mul3A_103 = arith.mulf %convert_element_type3A_96, %mul3A_102 : vector<2048x32xf32>
    %reduce_sum3A_104 = arith.constant dense<0.000000e+00> : vector<2048xf32>
    %reduce_sum3A_105 = vector.multi_reduction <add>, %mul3A_103, %reduce_sum3A_104 [1] : vector<2048x32xf32> to vector<2048xf32>
    %broadcast_in_dim3A_106 = vector.shape_cast %reduce_sum3A_105 : vector<2048xf32> to vector<2048x1xf32>
    %swap3A = arith.constant 0 : index
    %swap3A_107 = arith.constant 0 : index
    %swap3A_108 = vector.load %arg14[%swap3A, %swap3A_107] : memref<2048x128xf32, #tpu.memory_space<vmem>>, vector<2048x32xf32>
    tpu.vector_store %arg14[%swap3A, %swap3A_107], %mul3A_75 {strides = array<i32>} : memref<2048x128xf32, #tpu.memory_space<vmem>>, vector<2048x32xf32>,
    %iota3A = tpu.iota {dimensions = array<i32: 1>} : vector<1x8xi32>
    %slice3A = vector.extract_strided_slice %sub3A {offsets = [0, 0], sizes = [2048, 8], strides = [1, 1]} : vector<2048x16xf32> to vector<2048x8xf32>
    %mul3A_109 = vector.broadcast %broadcast_in_dim3A_106 : vector<2048x1xf32> to vector<2048x8xf32>
    %mul3A_110 = arith.mulf %slice3A, %mul3A_109 : vector<2048x8xf32>
    %eq3A = arith.constant 3 : i32
    %eq3A_111 = vector.broadcast %eq3A : i32 to vector<1x8xi32>
    %eq3A_112 = arith.cmpi eq, %iota3A, %eq3A_111 : vector<1x8xi32>
    %convert_element_type3A_113 = arith.extui %eq3A_112 : vector<1x8xi1> to vector<1x8xi32>
    %convert_element_type3A_114 = arith.sitofp %convert_element_type3A_113 : vector<1x8xi32> to vector<1x8xf32>
    %add3A_115 = vector.broadcast %convert_element_type3A_114 : vector<1x8xf32> to vector<2048x8xf32>
    %add3A_116 = arith.addf %mul3A_110, %add3A_115 : vector<2048x8xf32>
    %swap3A_117 = arith.constant 0 : index
    %swap3A_118 = arith.constant 32 : index
    %swap3A_119 = vector.load %arg14[%swap3A_117, %swap3A_118] : memref<2048x128xf32, #tpu.memory_space<vmem>>, vector<2048x8xf32>
    tpu.vector_store %arg14[%swap3A_117, %swap3A_118], %add3A_116 {strides = array<i32>} : memref<2048x128xf32, #tpu.memory_space<vmem>>, vector<2048x8xf32>,
    return
  }
  func.func @transform_0(%arg0: i32) -> (i32, i32) {
    %c0_i32 = arith.constant 0 : i32
    %c0_i32_0 = arith.constant 0 : i32
    return %arg0, %c0_i32 : i32, i32
  }
  func.func @transform_1(%arg0: i32) -> (i32, i32) {
    %c0_i32 = arith.constant 0 : i32
    %c0_i32_0 = arith.constant 0 : i32
    return %arg0, %c0_i32 : i32, i32
  }
  func.func @transform_2(%arg0: i32) -> (i32, i32) {
    %c0_i32 = arith.constant 0 : i32
    %c0_i32_0 = arith.constant 0 : i32
    return %arg0, %c0_i32 : i32, i32
  }
  func.func @transform_3(%arg0: i32) -> (i32, i32) {
    %c0_i32 = arith.constant 0 : i32
    %c0_i32_0 = arith.constant 0 : i32
    %c0_i32_1 = arith.constant 0 : i32
    return %c0_i32, %c0_i32_0 : i32, i32
  }
  func.func @transform_4(%arg0: i32) -> (i32, i32) {
    %c0_i32 = arith.constant 0 : i32
    %c0_i32_0 = arith.constant 0 : i32
    %c0_i32_1 = arith.constant 0 : i32
    return %c0_i32, %c0_i32_0 : i32, i32
  }
  func.func @transform_5(%arg0: i32) -> (i32, i32) {
    %c0_i32 = arith.constant 0 : i32
    %c0_i32_0 = arith.constant 0 : i32
    %c0_i32_1 = arith.constant 0 : i32
    return %c0_i32, %c0_i32_0 : i32, i32
  }
  func.func @transform_6(%arg0: i32) -> (i32, i32) {
    %c0_i32 = arith.constant 0 : i32
    %c0_i32_0 = arith.constant 0 : i32
    %c0_i32_1 = arith.constant 0 : i32
    return %c0_i32, %c0_i32_0 : i32, i32
  }
  func.func @transform_7(%arg0: i32) -> (i32, i32) {
    %c0_i32 = arith.constant 0 : i32
    %c0_i32_0 = arith.constant 0 : i32
    %c0_i32_1 = arith.constant 0 : i32
    return %c0_i32, %c0_i32_0 : i32, i32
  }
  func.func @transform_8(%arg0: i32) -> (i32, i32) {
    %c0_i32 = arith.constant 0 : i32
    %c0_i32_0 = arith.constant 0 : i32
    %c0_i32_1 = arith.constant 0 : i32
    return %c0_i32, %c0_i32_0 : i32, i32
  }
  func.func @transform_9(%arg0: i32) -> (i32, i32) {
    %c0_i32 = arith.constant 0 : i32
    %c0_i32_0 = arith.constant 0 : i32
    %c0_i32_1 = arith.constant 0 : i32
    return %c0_i32, %c0_i32_0 : i32, i32
  }
  func.func @transform_10(%arg0: i32) -> (i32, i32) {
    %c0_i32 = arith.constant 0 : i32
    %c0_i32_0 = arith.constant 0 : i32
    %c0_i32_1 = arith.constant 0 : i32
    return %c0_i32, %c0_i32_0 : i32, i32
  }
  func.func @transform_11(%arg0: i32) -> (i32, i32) {
    %c0_i32 = arith.constant 0 : i32
    %c0_i32_0 = arith.constant 0 : i32
    %c0_i32_1 = arith.constant 0 : i32
    return %c0_i32, %c0_i32_0 : i32, i32
  }
  func.func @transform_12(%arg0: i32) -> (i32, i32) {
    %c0_i32 = arith.constant 0 : i32
    %c0_i32_0 = arith.constant 0 : i32
    %c0_i32_1 = arith.constant 0 : i32
    return %c0_i32, %c0_i32_0 : i32, i32
  }
  func.func @transform_13(%arg0: i32) -> (i32, i32) {
    %c0_i32 = arith.constant 0 : i32
    %c0_i32_0 = arith.constant 0 : i32
    return %arg0, %c0_i32 : i32, i32
  }
}

module attributes {stable_mosaic.version = 14 : i64} {
  func.func @_node_mid_body(%arg0: i32, %arg1: memref<1024x48xf32, #tpu.memory_space<vmem>>, %arg2: memref<2x1024x128xf32, #tpu.memory_space<vmem>>, %arg3: memref<2x1024x128xf32, #tpu.memory_space<vmem>>, %arg4: memref<32x32xf32, #tpu.memory_space<vmem>>, %arg5: memref<32x32xf32, #tpu.memory_space<vmem>>, %arg6: memref<1x32xf32, #tpu.memory_space<vmem>>, %arg7: memref<32x32xf32, #tpu.memory_space<vmem>>, %arg8: memref<1x32xf32, #tpu.memory_space<vmem>>, %arg9: memref<1024x48xf32, #tpu.memory_space<vmem>>) attributes {dimension_semantics = [#tpu.dimension_semantics<arbitrary>], iteration_bounds = array<i64: 50>, scalar_prefetch = 0 : i64, scratch_operands = 0 : i64, tpu.core_type = #tpu.core_type<tc>, window_params = [{transform_indices = @transform_0, window_bounds = array<i64: 1024, 48>}, {transform_indices = @transform_1, window_bounds = array<i64: 2, 1024, 128>}, {transform_indices = @transform_2, window_bounds = array<i64: 2, 1024, 128>}, {pipeline_mode = #tpu.pipeline_mode<synchronous>, transform_indices = @transform_3, window_bounds = array<i64: 32, 32>}, {pipeline_mode = #tpu.pipeline_mode<synchronous>, transform_indices = @transform_4, window_bounds = array<i64: 32, 32>}, {pipeline_mode = #tpu.pipeline_mode<synchronous>, transform_indices = @transform_5, window_bounds = array<i64: 1, 32>}, {pipeline_mode = #tpu.pipeline_mode<synchronous>, transform_indices = @transform_6, window_bounds = array<i64: 32, 32>}, {pipeline_mode = #tpu.pipeline_mode<synchronous>, transform_indices = @transform_7, window_bounds = array<i64: 1, 32>}, {transform_indices = @transform_8, window_bounds = array<i64: 1024, 48>}]} {
    %get3A = arith.constant 0 : index
    %get3A_0 = arith.constant 0 : index
    %get3A_1 = vector.load %arg1[%get3A, %get3A_0] : memref<1024x48xf32, #tpu.memory_space<vmem>>, vector<1024x32xf32>
    %get3A_2 = arith.constant 0 : index
    %get3A_3 = arith.constant 32 : index
    %get3A_4 = vector.load %arg1[%get3A_2, %get3A_3] : memref<1024x48xf32, #tpu.memory_space<vmem>>, vector<1024x16xf32>
    %get3A_5 = arith.constant 0 : index
    %get3A_6 = arith.constant 0 : index
    %get3A_7 = arith.constant 0 : index
    %get3A_8 = vector.load %arg2[%get3A_5, %get3A_6, %get3A_7] : memref<2x1024x128xf32, #tpu.memory_space<vmem>>, vector<1x1024x32xf32>
    %get3A_9 = vector.shape_cast %get3A_8 : vector<1x1024x32xf32> to vector<1024x32xf32>
    %get3A_10 = arith.constant 1 : index
    %get3A_11 = arith.constant 0 : index
    %get3A_12 = arith.constant 0 : index
    %get3A_13 = vector.load %arg2[%get3A_10, %get3A_11, %get3A_12] : memref<2x1024x128xf32, #tpu.memory_space<vmem>>, vector<1x1024x32xf32>
    %get3A_14 = vector.shape_cast %get3A_13 : vector<1x1024x32xf32> to vector<1024x32xf32>
    %add3A = arith.addf %get3A_9, %get3A_14 : vector<1024x32xf32>
    %get3A_15 = arith.constant 0 : index
    %get3A_16 = arith.constant 0 : index
    %get3A_17 = arith.constant 0 : index
    %get3A_18 = vector.load %arg3[%get3A_15, %get3A_16, %get3A_17] : memref<2x1024x128xf32, #tpu.memory_space<vmem>>, vector<1x1024x8xf32>
    %get3A_19 = vector.shape_cast %get3A_18 : vector<1x1024x8xf32> to vector<1024x8xf32>
    %get3A_20 = arith.constant 1 : index
    %get3A_21 = arith.constant 0 : index
    %get3A_22 = arith.constant 0 : index
    %get3A_23 = vector.load %arg3[%get3A_20, %get3A_21, %get3A_22] : memref<2x1024x128xf32, #tpu.memory_space<vmem>>, vector<1x1024x8xf32>
    %get3A_24 = vector.shape_cast %get3A_23 : vector<1x1024x8xf32> to vector<1024x8xf32>
    %add3A_25 = arith.addf %get3A_19, %get3A_24 : vector<1024x8xf32>
    %slice3A = vector.extract_strided_slice %add3A_25 {offsets = [0, 3], sizes = [1024, 1], strides = [1, 1]} : vector<1024x8xf32> to vector<1024x1xf32>
    %max3A = arith.constant 1.000000e+00 : f32
    %max3A_26 = vector.broadcast %max3A : f32 to vector<1024x1xf32>
    %max3A_27 = arith.maximumf %slice3A, %max3A_26 : vector<1024x1xf32>
    %iota3A = tpu.iota {dimensions = array<i32: 1>} : vector<1x16xi32>
    %div3A = vector.broadcast %max3A_27 : vector<1024x1xf32> to vector<1024x8xf32>
    %div3A_28 = arith.divf %add3A_25, %div3A : vector<1024x8xf32>
    %jit3A = arith.constant 0 : i32
    %convert_element_type3A = arith.sitofp %jit3A : i32 to f32
    %pad3A = vector.broadcast %convert_element_type3A : f32 to vector<1024x8xf32>
    %pad3A_29 = tpu.concatenate %div3A_28, %pad3A in 1 : vector<1024x8xf32>, vector<1024x8xf32> -> vector<1024x16xf32>
    %lt3A = arith.constant 3 : i32
    %lt3A_30 = vector.broadcast %lt3A : i32 to vector<1x16xi32>
    %lt3A_31 = arith.cmpi slt, %iota3A, %lt3A_30 : vector<1x16xi32>
    %convert_element_type3A_32 = arith.extui %lt3A_31 : vector<1x16xi1> to vector<1x16xi32>
    %convert_element_type3A_33 = arith.sitofp %convert_element_type3A_32 : vector<1x16xi32> to vector<1x16xf32>
    %mul3A = vector.broadcast %convert_element_type3A_33 : vector<1x16xf32> to vector<1024x16xf32>
    %mul3A_34 = arith.mulf %pad3A_29, %mul3A : vector<1024x16xf32>
    %get3A_35 = arith.constant 0 : index
    %get3A_36 = arith.constant 0 : index
    %get3A_37 = vector.load %arg4[%get3A_35, %get3A_36] : memref<32x32xf32, #tpu.memory_space<vmem>>, vector<32x32xf32>
    %convert_element_type3A_38 = arith.truncf %get3A_1 : vector<1024x32xf32> to vector<1024x32xbf16>
    %convert_element_type3A_39 = arith.truncf %get3A_37 : vector<32x32xf32> to vector<32x32xbf16>
    %dot_general3A = arith.constant dense<0.000000e+00> : vector<1024x32xf32>
    %dot_general3A_40 = tpu.matmul %convert_element_type3A_38, %convert_element_type3A_39, %dot_general3A {dimension_numbers = #tpu.dot_dimension_numbers<[1], [0], [0], [1], [0, 0, 1, 1], [], []>, transpose_lhs_hint = false} : vector<1024x32xbf16>, vector<32x32xbf16>, vector<1024x32xf32> -> vector<1024x32xf32>
    %get3A_41 = arith.constant 0 : index
    %get3A_42 = arith.constant 0 : index
    %get3A_43 = vector.load %arg5[%get3A_41, %get3A_42] : memref<32x32xf32, #tpu.memory_space<vmem>>, vector<32x32xf32>
    %convert_element_type3A_44 = arith.truncf %add3A : vector<1024x32xf32> to vector<1024x32xbf16>
    %convert_element_type3A_45 = arith.truncf %get3A_43 : vector<32x32xf32> to vector<32x32xbf16>
    %dot_general3A_46 = arith.constant dense<0.000000e+00> : vector<1024x32xf32>
    %dot_general3A_47 = tpu.matmul %convert_element_type3A_44, %convert_element_type3A_45, %dot_general3A_46 {dimension_numbers = #tpu.dot_dimension_numbers<[1], [0], [0], [1], [0, 0, 1, 1], [], []>, transpose_lhs_hint = false} : vector<1024x32xbf16>, vector<32x32xbf16>, vector<1024x32xf32> -> vector<1024x32xf32>
    %add3A_48 = arith.addf %dot_general3A_40, %dot_general3A_47 : vector<1024x32xf32>
    %get3A_49 = arith.constant 0 : index
    %get3A_50 = arith.constant 0 : index
    %get3A_51 = vector.load %arg6[%get3A_49, %get3A_50] : memref<1x32xf32, #tpu.memory_space<vmem>>, vector<1x32xf32>
    %add3A_52 = vector.broadcast %get3A_51 : vector<1x32xf32> to vector<1024x32xf32>
    %add3A_53 = arith.addf %add3A_48, %add3A_52 : vector<1024x32xf32>
    %logistic3A = arith.negf %add3A_53 : vector<1024x32xf32>
    %logistic3A_54 = math.exp %logistic3A : vector<1024x32xf32>
    %logistic3A_55 = arith.constant 1.000000e+00 : f32
    %logistic3A_56 = vector.broadcast %logistic3A_55 : f32 to vector<1024x32xf32>
    %logistic3A_57 = arith.addf %logistic3A_56, %logistic3A_54 : vector<1024x32xf32>
    %logistic3A_58 = arith.divf %logistic3A_56, %logistic3A_57 : vector<1024x32xf32>
    %mul3A_59 = arith.mulf %add3A_53, %logistic3A_58 : vector<1024x32xf32>
    %get3A_60 = arith.constant 0 : index
    %get3A_61 = arith.constant 0 : index
    %get3A_62 = vector.load %arg7[%get3A_60, %get3A_61] : memref<32x32xf32, #tpu.memory_space<vmem>>, vector<32x32xf32>
    %convert_element_type3A_63 = arith.truncf %mul3A_59 : vector<1024x32xf32> to vector<1024x32xbf16>
    %convert_element_type3A_64 = arith.truncf %get3A_62 : vector<32x32xf32> to vector<32x32xbf16>
    %dot_general3A_65 = arith.constant dense<0.000000e+00> : vector<1024x32xf32>
    %dot_general3A_66 = tpu.matmul %convert_element_type3A_63, %convert_element_type3A_64, %dot_general3A_65 {dimension_numbers = #tpu.dot_dimension_numbers<[1], [0], [0], [1], [0, 0, 1, 1], [], []>, transpose_lhs_hint = false} : vector<1024x32xbf16>, vector<32x32xbf16>, vector<1024x32xf32> -> vector<1024x32xf32>
    %get3A_67 = arith.constant 0 : index
    %get3A_68 = arith.constant 0 : index
    %get3A_69 = vector.load %arg8[%get3A_67, %get3A_68] : memref<1x32xf32, #tpu.memory_space<vmem>>, vector<1x32xf32>
    %add3A_70 = vector.broadcast %get3A_69 : vector<1x32xf32> to vector<1024x32xf32>
    %add3A_71 = arith.addf %dot_general3A_66, %add3A_70 : vector<1024x32xf32>
    %add3A_72 = arith.addf %get3A_1, %add3A_71 : vector<1024x32xf32>
    %swap3A = arith.constant 0 : index
    %swap3A_73 = arith.constant 0 : index
    %swap3A_74 = vector.load %arg9[%swap3A, %swap3A_73] : memref<1024x48xf32, #tpu.memory_space<vmem>>, vector<1024x32xf32>
    tpu.vector_store %arg9[%swap3A, %swap3A_73], %add3A_72 {strides = array<i32>} : memref<1024x48xf32, #tpu.memory_space<vmem>>, vector<1024x32xf32>,
    %add3A_75 = arith.addf %get3A_4, %mul3A_34 : vector<1024x16xf32>
    %swap3A_76 = arith.constant 0 : index
    %swap3A_77 = arith.constant 32 : index
    %swap3A_78 = vector.load %arg9[%swap3A_76, %swap3A_77] : memref<1024x48xf32, #tpu.memory_space<vmem>>, vector<1024x16xf32>
    tpu.vector_store %arg9[%swap3A_76, %swap3A_77], %add3A_75 {strides = array<i32>} : memref<1024x48xf32, #tpu.memory_space<vmem>>, vector<1024x16xf32>,
    return
  }
  func.func @transform_0(%arg0: i32) -> (i32, i32) {
    %c0_i32 = arith.constant 0 : i32
    %c0_i32_0 = arith.constant 0 : i32
    return %arg0, %c0_i32 : i32, i32
  }
  func.func @transform_1(%arg0: i32) -> (i32, i32, i32) {
    %c0_i32 = arith.constant 0 : i32
    %c0_i32_0 = arith.constant 0 : i32
    %c0_i32_1 = arith.constant 0 : i32
    return %c0_i32, %arg0, %c0_i32_0 : i32, i32, i32
  }
  func.func @transform_2(%arg0: i32) -> (i32, i32, i32) {
    %c0_i32 = arith.constant 0 : i32
    %c0_i32_0 = arith.constant 0 : i32
    %c0_i32_1 = arith.constant 0 : i32
    return %c0_i32, %arg0, %c0_i32_0 : i32, i32, i32
  }
  func.func @transform_3(%arg0: i32) -> (i32, i32) {
    %c0_i32 = arith.constant 0 : i32
    %c0_i32_0 = arith.constant 0 : i32
    %c0_i32_1 = arith.constant 0 : i32
    return %c0_i32, %c0_i32_0 : i32, i32
  }
  func.func @transform_4(%arg0: i32) -> (i32, i32) {
    %c0_i32 = arith.constant 0 : i32
    %c0_i32_0 = arith.constant 0 : i32
    %c0_i32_1 = arith.constant 0 : i32
    return %c0_i32, %c0_i32_0 : i32, i32
  }
  func.func @transform_5(%arg0: i32) -> (i32, i32) {
    %c0_i32 = arith.constant 0 : i32
    %c0_i32_0 = arith.constant 0 : i32
    %c0_i32_1 = arith.constant 0 : i32
    return %c0_i32, %c0_i32_0 : i32, i32
  }
  func.func @transform_6(%arg0: i32) -> (i32, i32) {
    %c0_i32 = arith.constant 0 : i32
    %c0_i32_0 = arith.constant 0 : i32
    %c0_i32_1 = arith.constant 0 : i32
    return %c0_i32, %c0_i32_0 : i32, i32
  }
  func.func @transform_7(%arg0: i32) -> (i32, i32) {
    %c0_i32 = arith.constant 0 : i32
    %c0_i32_0 = arith.constant 0 : i32
    %c0_i32_1 = arith.constant 0 : i32
    return %c0_i32, %c0_i32_0 : i32, i32
  }
  func.func @transform_8(%arg0: i32) -> (i32, i32) {
    %c0_i32 = arith.constant 0 : i32
    %c0_i32_0 = arith.constant 0 : i32
    return %arg0, %c0_i32 : i32, i32
  }
}

module attributes {stable_mosaic.version = 14 : i64} {
  func.func @_node_last_body(%arg0: i32, %arg1: memref<1024x48xf32, #tpu.memory_space<vmem>>, %arg2: memref<2x1024x128xf32, #tpu.memory_space<vmem>>, %arg3: memref<32x32xf32, #tpu.memory_space<vmem>>, %arg4: memref<32x32xf32, #tpu.memory_space<vmem>>, %arg5: memref<1x32xf32, #tpu.memory_space<vmem>>, %arg6: memref<32x32xf32, #tpu.memory_space<vmem>>, %arg7: memref<1x32xf32, #tpu.memory_space<vmem>>, %arg8: memref<32x32xf32, #tpu.memory_space<vmem>>, %arg9: memref<1x32xf32, #tpu.memory_space<vmem>>, %arg10: memref<1024x32xf32, #tpu.memory_space<vmem>>) attributes {dimension_semantics = [#tpu.dimension_semantics<arbitrary>], iteration_bounds = array<i64: 50>, scalar_prefetch = 0 : i64, scratch_operands = 0 : i64, tpu.core_type = #tpu.core_type<tc>, window_params = [{transform_indices = @transform_0, window_bounds = array<i64: 1024, 48>}, {transform_indices = @transform_1, window_bounds = array<i64: 2, 1024, 128>}, {pipeline_mode = #tpu.pipeline_mode<synchronous>, transform_indices = @transform_2, window_bounds = array<i64: 32, 32>}, {pipeline_mode = #tpu.pipeline_mode<synchronous>, transform_indices = @transform_3, window_bounds = array<i64: 32, 32>}, {pipeline_mode = #tpu.pipeline_mode<synchronous>, transform_indices = @transform_4, window_bounds = array<i64: 1, 32>}, {pipeline_mode = #tpu.pipeline_mode<synchronous>, transform_indices = @transform_5, window_bounds = array<i64: 32, 32>}, {pipeline_mode = #tpu.pipeline_mode<synchronous>, transform_indices = @transform_6, window_bounds = array<i64: 1, 32>}, {pipeline_mode = #tpu.pipeline_mode<synchronous>, transform_indices = @transform_7, window_bounds = array<i64: 32, 32>}, {pipeline_mode = #tpu.pipeline_mode<synchronous>, transform_indices = @transform_8, window_bounds = array<i64: 1, 32>}, {transform_indices = @transform_9, window_bounds = array<i64: 1024, 32>}]} {
    %get3A = arith.constant 0 : index
    %get3A_0 = arith.constant 0 : index
    %get3A_1 = vector.load %arg1[%get3A, %get3A_0] : memref<1024x48xf32, #tpu.memory_space<vmem>>, vector<1024x32xf32>
    %get3A_2 = arith.constant 0 : index
    %get3A_3 = arith.constant 0 : index
    %get3A_4 = arith.constant 0 : index
    %get3A_5 = vector.load %arg2[%get3A_2, %get3A_3, %get3A_4] : memref<2x1024x128xf32, #tpu.memory_space<vmem>>, vector<1x1024x32xf32>
    %get3A_6 = vector.shape_cast %get3A_5 : vector<1x1024x32xf32> to vector<1024x32xf32>
    %get3A_7 = arith.constant 1 : index
    %get3A_8 = arith.constant 0 : index
    %get3A_9 = arith.constant 0 : index
    %get3A_10 = vector.load %arg2[%get3A_7, %get3A_8, %get3A_9] : memref<2x1024x128xf32, #tpu.memory_space<vmem>>, vector<1x1024x32xf32>
    %get3A_11 = vector.shape_cast %get3A_10 : vector<1x1024x32xf32> to vector<1024x32xf32>
    %add3A = arith.addf %get3A_6, %get3A_11 : vector<1024x32xf32>
    %get3A_12 = arith.constant 0 : index
    %get3A_13 = arith.constant 0 : index
    %get3A_14 = vector.load %arg3[%get3A_12, %get3A_13] : memref<32x32xf32, #tpu.memory_space<vmem>>, vector<32x32xf32>
    %convert_element_type3A = arith.truncf %get3A_1 : vector<1024x32xf32> to vector<1024x32xbf16>
    %convert_element_type3A_15 = arith.truncf %get3A_14 : vector<32x32xf32> to vector<32x32xbf16>
    %dot_general3A = arith.constant dense<0.000000e+00> : vector<1024x32xf32>
    %dot_general3A_16 = tpu.matmul %convert_element_type3A, %convert_element_type3A_15, %dot_general3A {dimension_numbers = #tpu.dot_dimension_numbers<[1], [0], [0], [1], [0, 0, 1, 1], [], []>, transpose_lhs_hint = false} : vector<1024x32xbf16>, vector<32x32xbf16>, vector<1024x32xf32> -> vector<1024x32xf32>
    %get3A_17 = arith.constant 0 : index
    %get3A_18 = arith.constant 0 : index
    %get3A_19 = vector.load %arg4[%get3A_17, %get3A_18] : memref<32x32xf32, #tpu.memory_space<vmem>>, vector<32x32xf32>
    %convert_element_type3A_20 = arith.truncf %add3A : vector<1024x32xf32> to vector<1024x32xbf16>
    %convert_element_type3A_21 = arith.truncf %get3A_19 : vector<32x32xf32> to vector<32x32xbf16>
    %dot_general3A_22 = arith.constant dense<0.000000e+00> : vector<1024x32xf32>
    %dot_general3A_23 = tpu.matmul %convert_element_type3A_20, %convert_element_type3A_21, %dot_general3A_22 {dimension_numbers = #tpu.dot_dimension_numbers<[1], [0], [0], [1], [0, 0, 1, 1], [], []>, transpose_lhs_hint = false} : vector<1024x32xbf16>, vector<32x32xbf16>, vector<1024x32xf32> -> vector<1024x32xf32>
    %add3A_24 = arith.addf %dot_general3A_16, %dot_general3A_23 : vector<1024x32xf32>
    %get3A_25 = arith.constant 0 : index
    %get3A_26 = arith.constant 0 : index
    %get3A_27 = vector.load %arg5[%get3A_25, %get3A_26] : memref<1x32xf32, #tpu.memory_space<vmem>>, vector<1x32xf32>
    %add3A_28 = vector.broadcast %get3A_27 : vector<1x32xf32> to vector<1024x32xf32>
    %add3A_29 = arith.addf %add3A_24, %add3A_28 : vector<1024x32xf32>
    %logistic3A = arith.negf %add3A_29 : vector<1024x32xf32>
    %logistic3A_30 = math.exp %logistic3A : vector<1024x32xf32>
    %logistic3A_31 = arith.constant 1.000000e+00 : f32
    %logistic3A_32 = vector.broadcast %logistic3A_31 : f32 to vector<1024x32xf32>
    %logistic3A_33 = arith.addf %logistic3A_32, %logistic3A_30 : vector<1024x32xf32>
    %logistic3A_34 = arith.divf %logistic3A_32, %logistic3A_33 : vector<1024x32xf32>
    %mul3A = arith.mulf %add3A_29, %logistic3A_34 : vector<1024x32xf32>
    %get3A_35 = arith.constant 0 : index
    %get3A_36 = arith.constant 0 : index
    %get3A_37 = vector.load %arg6[%get3A_35, %get3A_36] : memref<32x32xf32, #tpu.memory_space<vmem>>, vector<32x32xf32>
    %convert_element_type3A_38 = arith.truncf %mul3A : vector<1024x32xf32> to vector<1024x32xbf16>
    %convert_element_type3A_39 = arith.truncf %get3A_37 : vector<32x32xf32> to vector<32x32xbf16>
    %dot_general3A_40 = arith.constant dense<0.000000e+00> : vector<1024x32xf32>
    %dot_general3A_41 = tpu.matmul %convert_element_type3A_38, %convert_element_type3A_39, %dot_general3A_40 {dimension_numbers = #tpu.dot_dimension_numbers<[1], [0], [0], [1], [0, 0, 1, 1], [], []>, transpose_lhs_hint = false} : vector<1024x32xbf16>, vector<32x32xbf16>, vector<1024x32xf32> -> vector<1024x32xf32>
    %get3A_42 = arith.constant 0 : index
    %get3A_43 = arith.constant 0 : index
    %get3A_44 = vector.load %arg7[%get3A_42, %get3A_43] : memref<1x32xf32, #tpu.memory_space<vmem>>, vector<1x32xf32>
    %add3A_45 = vector.broadcast %get3A_44 : vector<1x32xf32> to vector<1024x32xf32>
    %add3A_46 = arith.addf %dot_general3A_41, %add3A_45 : vector<1024x32xf32>
    %add3A_47 = arith.addf %get3A_1, %add3A_46 : vector<1024x32xf32>
    %get3A_48 = arith.constant 0 : index
    %get3A_49 = arith.constant 0 : index
    %get3A_50 = vector.load %arg8[%get3A_48, %get3A_49] : memref<32x32xf32, #tpu.memory_space<vmem>>, vector<32x32xf32>
    %convert_element_type3A_51 = arith.truncf %add3A_47 : vector<1024x32xf32> to vector<1024x32xbf16>
    %convert_element_type3A_52 = arith.truncf %get3A_50 : vector<32x32xf32> to vector<32x32xbf16>
    %dot_general3A_53 = arith.constant dense<0.000000e+00> : vector<1024x32xf32>
    %dot_general3A_54 = tpu.matmul %convert_element_type3A_51, %convert_element_type3A_52, %dot_general3A_53 {dimension_numbers = #tpu.dot_dimension_numbers<[1], [0], [0], [1], [0, 0, 1, 1], [], []>, transpose_lhs_hint = false} : vector<1024x32xbf16>, vector<32x32xbf16>, vector<1024x32xf32> -> vector<1024x32xf32>
    %get3A_55 = arith.constant 0 : index
    %get3A_56 = arith.constant 0 : index
    %get3A_57 = vector.load %arg9[%get3A_55, %get3A_56] : memref<1x32xf32, #tpu.memory_space<vmem>>, vector<1x32xf32>
    %add3A_58 = vector.broadcast %get3A_57 : vector<1x32xf32> to vector<1024x32xf32>
    %add3A_59 = arith.addf %dot_general3A_54, %add3A_58 : vector<1024x32xf32>
    %swap3A = arith.constant 0 : index
    %swap3A_60 = arith.constant 0 : index
    %swap3A_61 = vector.load %arg10[%swap3A, %swap3A_60] : memref<1024x32xf32, #tpu.memory_space<vmem>>, vector<1024x32xf32>
    tpu.vector_store %arg10[%swap3A, %swap3A_60], %add3A_59 {strides = array<i32>} : memref<1024x32xf32, #tpu.memory_space<vmem>>, vector<1024x32xf32>,
    return
  }
  func.func @transform_0(%arg0: i32) -> (i32, i32) {
    %c0_i32 = arith.constant 0 : i32
    %c0_i32_0 = arith.constant 0 : i32
    return %arg0, %c0_i32 : i32, i32
  }
  func.func @transform_1(%arg0: i32) -> (i32, i32, i32) {
    %c0_i32 = arith.constant 0 : i32
    %c0_i32_0 = arith.constant 0 : i32
    %c0_i32_1 = arith.constant 0 : i32
    return %c0_i32, %arg0, %c0_i32_0 : i32, i32, i32
  }
  func.func @transform_2(%arg0: i32) -> (i32, i32) {
    %c0_i32 = arith.constant 0 : i32
    %c0_i32_0 = arith.constant 0 : i32
    %c0_i32_1 = arith.constant 0 : i32
    return %c0_i32, %c0_i32_0 : i32, i32
  }
  func.func @transform_3(%arg0: i32) -> (i32, i32) {
    %c0_i32 = arith.constant 0 : i32
    %c0_i32_0 = arith.constant 0 : i32
    %c0_i32_1 = arith.constant 0 : i32
    return %c0_i32, %c0_i32_0 : i32, i32
  }
  func.func @transform_4(%arg0: i32) -> (i32, i32) {
    %c0_i32 = arith.constant 0 : i32
    %c0_i32_0 = arith.constant 0 : i32
    %c0_i32_1 = arith.constant 0 : i32
    return %c0_i32, %c0_i32_0 : i32, i32
  }
  func.func @transform_5(%arg0: i32) -> (i32, i32) {
    %c0_i32 = arith.constant 0 : i32
    %c0_i32_0 = arith.constant 0 : i32
    %c0_i32_1 = arith.constant 0 : i32
    return %c0_i32, %c0_i32_0 : i32, i32
  }
  func.func @transform_6(%arg0: i32) -> (i32, i32) {
    %c0_i32 = arith.constant 0 : i32
    %c0_i32_0 = arith.constant 0 : i32
    %c0_i32_1 = arith.constant 0 : i32
    return %c0_i32, %c0_i32_0 : i32, i32
  }
  func.func @transform_7(%arg0: i32) -> (i32, i32) {
    %c0_i32 = arith.constant 0 : i32
    %c0_i32_0 = arith.constant 0 : i32
    %c0_i32_1 = arith.constant 0 : i32
    return %c0_i32, %c0_i32_0 : i32, i32
  }
  func.func @transform_8(%arg0: i32) -> (i32, i32) {
    %c0_i32 = arith.constant 0 : i32
    %c0_i32_0 = arith.constant 0 : i32
    %c0_i32_1 = arith.constant 0 : i32
    return %c0_i32, %c0_i32_0 : i32, i32
  }
  func.func @transform_9(%arg0: i32) -> (i32, i32) {
    %c0_i32 = arith.constant 0 : i32
    %c0_i32_0 = arith.constant 0 : i32
    return %arg0, %c0_i32 : i32, i32
  }
}

</mosaic_0001>

<sc_bundles>
// kernel: kernel.12.cloned.1.call-start
scs
__scs_entry_jumppad:
0x0: {  	(pc) =	sbr.rel $0x88, $3  }
0x1: {  	(tag) =	ssettag $0x0;
	lr =	simm.s32 $0x1  }
0x2: {  	[smem:$0x3F7F] =	sst lr;
	_ =	strace $0xD0000000  }
0x3: {  	_ = 	snop  }
0x4: {  	_ = 	snop  }
0x5: {  	_ = 	snop  }
0x6: {  	_ = 	snop  }
0x7: {  	_ = 	snop  }
__scs_overlays_trampoline_lowered:
0x8: {  	[smem:$0x3F8E] =	sst s0  }
0x9: {  	[smem:$0x3F8F] =	sst s1  }
0xa: {  	[smem:$0x3F90] =	sst s2  }
0xb: {  	[smem:$0x3F91] =	sst s3  }
0xc: {  	[smem:$0x3F92] =	sst s4  }
0xd: {  	[smem:$0x3F93] =	sst s5  }
0xe: {  	[smem:$0x3F94] =	sst s6  }
0xf: {  	[smem:$0x3F95] =	sst s7  }
0x10: {  	[smem:$0x3F96] =	sst s8  }
0x11: {  	[smem:$0x3F97] =	sst s9;
	s0 =	simm.s32 @!p0 $0x0  }
0x12: {  	s1 =	sld [smem:$0x3F7D];
	s0 =	simm.s32 @p0 $0x1  }
0x13: {  	[smem:$0x3F98] =	sst s0;
	s0 =	simm.s32 @!p1 $0x0  }
0x14: {  	s2 =	sld [smem:$0x3F7C];
	s0 =	simm.s32 @p1 $0x1  }
0x15: {  	[smem:$0x3F99] =	sst s0;
	s0 =	simm.s32 @!p2 $0x0  }
0x16: {  	s3 =	sld [smem:$0x3FDB];
	s0 =	simm.s32 @p2 $0x1  }
0x17: {  	s4 =	simm.s32 $0x1BF5;
	[smem:$0x3F9B] =	sst s0  }
0x18: {  	s0 =	sld [smem:$0x3F7E];
	_ =	swait.ge [sflag:s4], $0x0  }
0x19: {  	s7 =	sld [smem:$0x3F7F]  }
0x1a: {  	s8 =	sadd.s32 $0xFFFFE003, lr  }
0x1b: {  	s9 =	sadd.s32 $0xFFFFFEF7, lr;
	s5 =	simm.s32 $0xFFFFFFFF;
	p2 =	slt.u32 s8, $0xFFFFF086  }
0x1c: {  	p1 =	slt.u32 s9, $0xF7A;
	s5 =	simm.s32 @!p2 $0x0  }
0x1d: {  	s5 =	simm.s32 @p1 $0x1;
	p0 =	seq.s32 s7, s2  }
0x1e: {  	s7 =	smul.u32 @!p0 $0xF7A, s2;
	p2 =	seq.s32 @!p0 s5, $0x0  }
0x1f: {  	s9 =	smul.u32 $0xF7A, s1;
	s8 =	simm.s32 @!p0 $0x1BF5;
	p2 =	por !p2, p0  }
0x20: {  	[sflag:s8] =	ssyncset.s32 @!p0 $0xFFFFF086;
	s6 =	sadd.s32 @!p0 s3, s7;
	s7 =	simm.s32 @!p0 $0x108  }
0x21: {  	s3 =	sadd.s32 s3, s9;
	s6 =	sadd.s32 @!p0 $0x88, s6;
	s7 =	simm.s32 @p2 $0x1082  }
0x22: {  	[simem:s7], [sflag:s8] =	dma.local @!p0 [hbm:s6], $0xF7A  }
0x23: {  	s9 =	sor.u32 $0xD0000000, s2;
	s6 =	simm.s32 $0x108;
	_ =	swait.ge @!p0 [sflag:s8], $0x0  }
0x24: {  	s3 =	sadd.s32 $0x88, s3;
	s6 =	simm.s32 @!p1 $0x1082;
	[sflag:s4] =	ssyncset.s32 $0xFFFFF086  }
0x25: {  	[simem:s6], [sflag:s4] =	dma.local [hbm:s3], $0xF7A  }
0x26: {  	[smem:$0x3F7F] =	sst s1;
	(tag) =	ssettag s2;
	_ =	strace s9  }
0x27: {  	s1 =	sld [smem:$0x3F8F]  }
0x28: {  	s2 =	sld [smem:$0x3F90]  }
0x29: {  	s4 =	sld [smem:$0x3F92]  }
0x2a: {  	p0 =	seq.s32 s5, $0x0;
	s5 =	sld [smem:$0x3F93]  }
0x2b: {  	s6 =	sld [smem:$0x3F94]  }
0x2c: {  	s7 =	sld [smem:$0x3F95]  }
0x2d: {  	s3 =	simm.s32 $0x108;
	s8 =	sld [smem:$0x3F96]  }
0x2e: {  	s3 =	simm.s32 @!p0 $0x1082;
	s9 =	sld [smem:$0x3F97]  }
0x2f: {  	lr =	sadd.s32 s0, s3;
	s0 =	sld [smem:$0x3F8E]  }
0x30: {  	s3 =	sld [smem:$0x3F91]  }
0x31: {  	[smem:$0x3F9A] =	sst s10  }
0x32: {  	s10 =	sld [smem:$0x3F98];
	_ =	sdelay $0x3  }
0x33: {  	p0 =	seq.s32 s10, $0x1;
	s10 =	sld [smem:$0x3F9A];
	_ =	sdelay $0x3  }
0x34: {  	[smem:$0x3F9A] =	sst s10  }
0x35: {  	s10 =	sld [smem:$0x3F99];
	_ =	sdelay $0x3  }
0x36: {  	p1 =	seq.s32 s10, $0x1;
	s10 =	sld [smem:$0x3F9A];
	_ =	sdelay $0x3  }
0x37: {  	[smem:$0x3F9A] =	sst s10  }
0x38: {  	s10 =	sld [smem:$0x3F9B]  }
0x39: {  	_ = 	snop;
	(pc) =	sbr.ind lr, $3  }
0x3a: {  	_ = 	snop  }
0x3b: {  	_ = 	snop  }
0x3c: {  	p2 =	seq.s32 s10, $0x1;
	s10 =	sld [smem:$0x3F9A]  }
0x3d: {  	_ =	shalt  }
0x3e: {  	_ =	shalt  }
0x3f: {  	_ =	shalt  }
0x40: {  	_ =	shalt  }
0x41: {  	_ =	shalt  }
0x42: {  	_ =	shalt  }
0x43: {  	_ =	shalt  }
0x44: {  	_ =	shalt  }
0x45: {  	_ =	shalt  }
0x46: {  	_ =	shalt  }
0x47: {  	_ =	shalt  }
0x48: {  	_ =	shalt  }
0x49: {  	_ =	shalt  }
0x4a: {  	_ =	shalt  }
0x4b: {  	_ =	shalt  }
0x4c: {  	_ =	shalt  }
0x4d: {  	_ =	shalt  }
0x4e: {  	_ =	shalt  }
0x4f: {  	_ =	shalt  }
0x50: {  	_ =	shalt  }
0x51: {  	_ =	shalt  }
0x52: {  	_ =	shalt  }
0x53: {  	_ =	shalt  }
0x54: {  	_ =	shalt  }
0x55: {  	_ =	shalt  }
0x56: {  	_ =	shalt  }
0x57: {  	_ =	shalt  }
0x58: {  	_ =	shalt  }
0x59: {  	_ =	shalt  }
0x5a: {  	_ =	shalt  }
0x5b: {  	_ =	shalt  }
0x5c: {  	_ =	shalt  }
0x5d: {  	_ =	shalt  }
0x5e: {  	_ =	shalt  }
0x5f: {  	_ =	shalt  }
0x60: {  	_ =	shalt  }
0x61: {  	_ =	shalt  }
0x62: {  	_ =	shalt  }
0x63: {  	_ =	shalt  }
0x64: {  	_ =	shalt  }
0x65: {  	_ =	shalt  }
0x66: {  	_ =	shalt  }
0x67: {  	_ =	shalt  }
0x68: {  	_ =	shalt  }
0x69: {  	_ =	shalt  }
0x6a: {  	_ =	shalt  }
0x6b: {  	_ =	shalt  }
0x6c: {  	_ =	shalt  }
0x6d: {  	_ =	shalt  }
0x6e: {  	_ =	shalt  }
0x6f: {  	_ =	shalt  }
0x70: {  	_ =	shalt  }
0x71: {  	_ =	shalt  }
0x72: {  	_ =	shalt  }
0x73: {  	_ =	shalt  }
0x74: {  	_ =	shalt  }
0x75: {  	_ =	shalt  }
0x76: {  	_ =	shalt  }
0x77: {  	_ =	shalt  }
0x78: {  	_ =	shalt  }
0x79: {  	_ =	shalt  }
0x7a: {  	_ =	shalt  }
0x7b: {  	_ =	shalt  }
0x7c: {  	_ =	shalt  }
0x7d: {  	_ =	shalt  }
0x7e: {  	_ =	shalt  }
0x7f: {  	_ =	shalt  }
0x80: {  	_ =	shalt  }
0x81: {  	_ =	shalt  }
0x82: {  	_ =	shalt  }
0x83: {  	_ =	shalt  }
0x84: {  	_ =	shalt  }
0x85: {  	_ =	shalt  }
0x86: {  	_ =	shalt  }
0x87: {  	_ =	shalt  }
.Lfunc_end0:
.L_simem_size_0:
called_computation_lowered:
.L_overlay_start_0:
0x88: {  	s2 =	sld [smem:$0x3FD9]  }
0x89: {  	s3 =	sld [smem:$0x3FFE];
	_ =	sdelay $0x1  }
0x8a: {  	s1 =	srdreg.scid  }
0x8b: {  	s0 =	sand.u32 $0x1, s1  }
0x8c: {  	s17 =	sshll.u32 s0, $0xA;
	s2 =	sadd.s32 s3, s2  }
0x8d: {  	s2 =	sadd.s32 s2, s17  }
0x8e: {  	[smem:$0x3FA6] =	sst s2  }
0x8f: {  	_ = 	snop  }
0x90: {  	s2 =	sld [smem:$0x3FD0];
	(tm) =	ssettm $0x1  }
0x91: {  	s18 =	sld [smem:$0x3FFB];
	_ =	sdelay $0x3  }
0x92: {  	_ =	strace s18  }
0x93: {  	s3 =	sld [smem:$0x3FFC];
	_ =	sdelay $0x3  }
0x94: {  	_ =	strace s3  }
0x95: {  	s3 =	sld [smem:$0x3FFD];
	_ =	sdelay $0x3  }
0x96: {  	_ =	strace s3  }
0x97: {  	_ =	strace $0x8FFFFFFF  }
0x98: {  	s19 =	sld [smem:$0x3FDB];
	_ =	sdelay $0x1  }
0x99: {  	s4 =	simm.s32 $_scs_section_size  }
0x9a: {  	s5 =	simm.s32 $_size__tile_overlayer_lowered;
	s6 =	simm.s32 $_tile_overlayer_lowered  }
0x9b: {  	s22 =	simm.s32 $0x1BFF;
	s21 =	sshll.u32 s6, $0x1;
	s3 =	sadd.s32 s4, s19  }
0x9c: {  	s7 =	simm.s32 $0x0;
	s20 =	sshll.u32 s5, $0x1;
	s5 =	sadd.s32 s21, s3  }
0x9d: {  	[timem:s7], [sflag:s22] =	dma.local [hbm:s5], s20  }
0x9e: {  	_ =	swait.ge [sflag:s22], s20  }
0x9f: {  	s4 =	ssub.s32 $0x0, s20;
	[sflag:s22] =	ssyncset.done $0x0  }
0xa0: {  	[sflag:s22] =	ssyncadd.s32 s4;
	_ =	sdelay $0x1  }
0xa1: {  	s23 =	simm.s32 $0x1B8B  }
0xa2: {  	_ =	swait.ge [sflag:s23], $0x1  }
0xa3: {  	[sflag:s23] =	ssyncset.done $0x0  }
0xa4: {  	s25 =	simm.s32 $0x1B8E;
	s24 =	sld [smem:$0x3FFE];
	[sflag:s23] =	ssyncadd.s32 $0xFFFFFFFF  }
0xa5: {  	s26 =	simm.s32 $execute0_lowered;
	[smem:$0x3FD2] =	sst s25  }
0xa6: {  	s5 =	sshll.u32 s26, $0x1;
	_ =	strace $0x80000046;
	[dreg:$0x1] =	wrdreg $0xFFFFFFFF  }
0xa7: {  	s28 =	simm.s32 $_size_execute0_lowered;
	s3 =	sadd.s32 s3, s5;
	[dreg:$0x0] =	wrdreg $0x0  }
0xa8: {  	s5 =	sshll.u32 s28, $0x1;
	[dreg:$0x2] =	wrdreg s3  }
0xa9: {  	[dreg:$0x3] =	wrdreg s5  }
0xaa: {  	[dreg:$0x4] =	wrdreg $0xC0  }
0xab: {  	_ =	task [dreg:s7], $0x5FFFF  }
0xac: {  	[dreg:$0x1] =	wrdreg $0xFFFFFFFF  }
0xad: {  	[dreg:$0x0] =	wrdreg $0x60  }
0xae: {  	[dreg:$0x2] =	wrdreg s24  }
0xaf: {  	[dreg:$0x3] =	wrdreg s2  }
0xb0: {  	[dreg:$0x4] =	wrdreg $0x9  }
0xb1: {  	_ =	task.clear_ibuf [dreg:s7], $0x5FFFF;
	_ =	strace $0x90000046  }
0xb2: {  	s29 =	simm.s32 $0x9;
	_ =	strace $0x80000048  }
0xb3: {  	_ =	swait.ge [sflag:s29], $0x1  }
0xb4: {  	[sflag:s29] =	ssyncadd.s32 $0xFFFFFFFF  }
0xb5: {  	_ =	strace $0x90000048  }
0xb6: {  	_ =	sfence  }
0xb7: {  	s30 =	sld [smem:$0x0];
	_ =	sdelay $0x2  }
0xb8: {  	s31 =	sshll.u32 s1, $0xD;
	s1 =	sshrl.u32 s1, $0x2  }
0xb9: {  	s3 =	sand.u32 $0x4000, s31;
	s1 =	sadd.s32 s1, s30  }
0xba: {  	s0 =	sor.u32 s3, s0;
	s1 =	sshll.u32 s1, $0x11  }
0xbb: {  	s0 =	sor.u32 s1, s0  }
0xbc: {  	s0 =	sadd.s32 $0x8F2B, s0  }
0xbd: {  	[sflag:s0] =	ssyncadd.remote.s32 $0x1  }
0xbe: {  	_ =	sfence.sel $0xFFFF  }
0xbf: {  	[dreg:$0x0] =	wrdreg $0xFFFFFFFF;
	(pc) =	sbr.abs _section_cstart, $3  }
0xc0: {  	[dreg:$0x1] =	wrdreg $0xFFFFFFFF  }
0xc1: {  	_ =	task.clear_ibuf [dreg:s7], $0x2FFFF;
	_ =	strace $0x9FFFFFFF  }
0xc2: {  	(tm) =	ssettm $0x7FFFFFFF  }
0xc3: {  	_ =	shalt  }
tec
execute0_lowered:
.L_overlay_start_1:
0x0: {  	(tag) =	ssettag $0x1  }
0x1: {  	s6 =	rddreg [dreg:$0x0]  }
0x2: {  	s2 =	rddreg [dreg:$0x1]  }
0x3: {  	s4 =	srdreg.scid;
	s0 =	stileid.u32  }
0x4: {  	s3 =	simm.s32 $0x0;
	s12 =	simm.s32 $0x80;
	s13 =	simm.s32 $0x1  }
0x5: {  	s14 =	simm.s32 $0x30;
	s15 =	simm.s32 $0x2;
	s7 =	sand.u32 $0x1, s4  }
0x6: {  	s8 =	smul.u32 $0x620000, s0;
	[smem:$0x7FF] =	sst s3;
	s4 =	sadd.s32 $0x1F800, s6  }
0x7: {  	s5 =	sadd.s32 $0x7000, s6;
	s10 =	sshll.u32 s0, $0x1;
	s9 =	smul.u32 $0x310000, s7  }
0x8: {  	_ =	strace $0x80000047;
	s28 =	ssub.s32 $0x2, s7;
	s7 =	sor.u32 s7, s10  }
0x9: {  	s10 =	simm.s32 $0x3;
	s11 =	sshrl.u32 s28, $0x1;
	s8 =	sadd.s32 s9, s8  }
0xa: {  	s30 =	ssub.s32 s28, s11;
	s11 =	simm.s32 $0xE00;
	s8 =	sshrl.u32 s8, $0x3  }
0xb: {  	s31 =	smax.u32 s30, $0x1;
	s29 =	sadd.s32 s8, s6;
	s6 =	smul.u32 $0xC4, s7  }
0xc: {  	[dreg:$0x3] =	wrdreg s31;
	s8 =	sadd.s32 $0xF7AE00, s29;
	s9 =	sadd.s32 $0x33AE00, s29  }
.LBB2_1:
0xd: {  	s16 =	simm.s32 $0x0;
	s17 =	simm.s32 $0x0  }
0xe: {  	s18 =	smov.u32 s9;
	s19 =	smov.u32 s8;
	s20 =	simm.s32 $0x0  }
.LBB2_2:
0xf: {  	s21 =	smul.u32 $0x1C, s20;
	_ =	sdelay $0x1  }
0x10: {  	s21 =	sadd.s32 s6, s21  }
0x11: {  	s21 =	sshll.u32 s21, $0x4  }
0x12: {  	s23 =	simm.s32 $0x0;
	s22 =	sadd.s32 s2, s21  }
0x13: {  	[tilespmem:s23], [sflag:$0x3] =	stream.linear.gather [hbm4b:s22+s23], $0xE00, $0x38;
	[tilespmem:$0x19C00] =	vst v63  }
0x14: {  	_ =	swait.ge [sflag:s10], $0xE00  }
0x15: {  	[sflag:s10] =	ssyncset.done $0x0  }
0x16: {  	s21 =	sadd.s32 s5, s21;
	[sflag:s10] =	ssyncadd.s32 $0xFFFFF200  }
0x17: {  	[tilespmem:s11], [sflag:$0x3] =	stream.linear.gather [hbm4b:s21+s23], $0xE00, $0x38;
	[tilespmem:$0x19C00] =	vst v63  }
0x18: {  	_ =	swait.ge [sflag:s10], $0xE00  }
0x19: {  	p0 =	seq.s32 s16, $0x0;
	[sflag:s10] =	ssyncset.done $0x0  }
0x1a: {  	s21 =	simm.s32 @!p0 $0x2;
	[sflag:s10] =	ssyncadd.s32 $0xFFFFF200  }
0x1b: {  	_ =	swait.ge @!p0 [sflag:s21], $0x6000  }
0x1c: {  	[sflag:s21] =	ssyncset.done @!p0 $0x0  }
0x1d: {  	s26 =	sand.u32 $0x1, s17;
	[sflag:s21] =	ssyncadd.s32 @!p0 $0xFFFFA000  }
0x1e: {  	p1 =	seq.s32 s26, $0x1;
	s22 =	simm.s32 $0x6000;
	_ =	swait.ge @!p0 [sflag:s21], $0x6000  }
0x1f: {  	s22 =	simm.s32 @!p1 $0x0;
	[sflag:s21] =	ssyncset.done @!p0 $0x0  }
0x20: {  	s29 =	simm.s32 $0x0;
	[sflag:s21] =	ssyncadd.s32 @!p0 $0xFFFFA000;
	s21 =	sor.u32 $0x1C00, s22  }
0x21: {  	[tilespmem:s21], [sflag:$0x1] =	stream.indirect.gather [hbm4b:s4+s12], $0x30, s29, s12, $0xb8;
	[tilespmem:$0x19C00] =	vst v63  }
0x22: {  	s24 =	simm.s32 $0xE00;
	s23 =	sadd.s32 $0xDC00, s22  }
0x23: {  	[tilespmem:s23], [sflag:$0x1] =	stream.indirect.gather [hbm4b:s4+s12], $0x30, s24, s12, $0xb8;
	[tilespmem:$0x19C00] =	vst v63  }
0x24: {  	s25 =	simm.s32 $0x80;
	s30 =	sadd.s32 $0x3400, s22  }
0x25: {  	[tilespmem:s30], [sflag:$0x1] =	stream.indirect.gather [hbm4b:s4+s12], $0x30, s25, s12, $0xb8;
	[tilespmem:$0x19C00] =	vst v63  }
0x26: {  	s0 =	simm.s32 $0xE80;
	s31 =	sadd.s32 $0xF400, s22  }
0x27: {  	[tilespmem:s31], [sflag:$0x1] =	stream.indirect.gather [hbm4b:s4+s12], $0x30, s0, s12, $0xb8;
	[tilespmem:$0x19C00] =	vst v63  }
0x28: {  	s7 =	simm.s32 $0x100;
	s1 =	sadd.s32 $0x4C00, s22  }
0x29: {  	[tilespmem:s1], [sflag:$0x1] =	stream.indirect.gather [hbm4b:s4+s12], $0x30, s7, s12, $0xb8;
	[tilespmem:$0x19C00] =	vst v63  }
0x2a: {  	s26 =	simm.s32 $0xF00;
	s25 =	sor.u32 $0x10C00, s22  }
0x2b: {  	[tilespmem:s25], [sflag:$0x1] =	stream.indirect.gather [hbm4b:s4+s12], $0x30, s26, s12, $0xb8;
	[tilespmem:$0x19C00] =	vst v63  }
0x2c: {  	s29 =	sadd.s32 $0x6400, s22;
	s30 =	simm.s32 $0x180  }
0x2d: {  	[tilespmem:s29], [sflag:$0x1] =	stream.indirect.gather [hbm4b:s4+s12], $0x30, s30, s12, $0xb8;
	[tilespmem:$0x19C00] =	vst v63  }
0x2e: {  	s22 =	sadd.s32 $0x12400, s22;
	s31 =	simm.s32 $0xF80  }
0x2f: {  	[tilespmem:s22], [sflag:$0x1] =	stream.indirect.gather [hbm4b:s4+s12], $0x30, s31, s12, $0xb8;
	[tilespmem:$0x19C00] =	vst v63  }
0x30: {  	_ =	swait.ge [sflag:s13], $0x1800  }
0x31: {  	[sflag:s13] =	ssyncset.done $0x0  }
0x32: {  	[sflag:s13] =	ssyncadd.s32 $0xFFFFE800  }
0x33: {  	_ =	swait.ge [sflag:s13], $0x1800  }
0x34: {  	[sflag:s13] =	ssyncset.done $0x0  }
0x35: {  	[sflag:s13] =	ssyncadd.s32 $0xFFFFE800  }
0x36: {  	_ =	swait.ge [sflag:s13], $0x1800  }
0x37: {  	[sflag:s13] =	ssyncset.done $0x0  }
0x38: {  	[sflag:s13] =	ssyncadd.s32 $0xFFFFE800  }
0x39: {  	_ =	swait.ge [sflag:s13], $0x1800  }
0x3a: {  	[sflag:s13] =	ssyncset.done $0x0  }
0x3b: {  	[sflag:s13] =	ssyncadd.s32 $0xFFFFE800  }
0x3c: {  	_ =	swait.ge [sflag:s13], $0x1800  }
0x3d: {  	[sflag:s13] =	ssyncset.done $0x0  }
0x3e: {  	[sflag:s13] =	ssyncadd.s32 $0xFFFFE800  }
0x3f: {  	_ =	swait.ge [sflag:s13], $0x1800  }
0x40: {  	[sflag:s13] =	ssyncset.done $0x0  }
0x41: {  	[sflag:s13] =	ssyncadd.s32 $0xFFFFE800  }
0x42: {  	_ =	swait.ge [sflag:s13], $0x1800  }
0x43: {  	[sflag:s13] =	ssyncset.done $0x0  }
0x44: {  	[sflag:s13] =	ssyncadd.s32 $0xFFFFE800  }
0x45: {  	_ =	swait.ge [sflag:s13], $0x1800  }
0x46: {  	s28 =	smov.u32 s19;
	p1 =	seq.s32 s16, $0x800;
	[sflag:s13] =	ssyncset.done $0x0  }
0x47: {  	s24 =	simm.s32 $0x800;
	s26 =	simm.s32 $0x1000;
	[sflag:s13] =	ssyncadd.s32 $0xFFFFE800  }
0x48: {  	[hbm4b:s18+s14] =	stream.strided.scatter [tilespmem:s21], [sflag:$0x2], $0x6000, s12, s14, $0x38;
	[tilespmem:$0x19C00] =	vst v63  }
0x49: {  	s25 =	sadd.s32 $0x1, s17;
	s22 =	sadd.s32 $0x2000, s18;
	s21 =	smov.u32 s19  }
.LBB2_3:
0x4a: {  	s30 =	simm.s32 @!p1 $0x2;
	s21 =	sadd.s32 $0x2000, s21  }
0x4b: {  	s31 =	smov.u32 s26;
	s26 =	sadd.s32 $0x800, s26;
	s29 =	smov.u32 s22  }
0x4c: {  	[hbm4b:s28+s14] =	stream.strided.scatter [tilespmem:s23], [sflag:$0x2], $0x6000, s12, s14, $0x38;
	[tilespmem:$0x19C00] =	vst v63  }
0x4d: {  	p0 =	sne.s32 s26, $0x3800;
	s28 =	smov.u32 s21;
	_ =	swait.ge @!p1 [sflag:s30], $0x6000  }
0x4e: {  	[sflag:s30] =	ssyncset.done @!p1 $0x0  }
0x4f: {  	s23 =	sand.u32 $0x1, s25;
	[sflag:s30] =	ssyncadd.s32 @!p1 $0xFFFFA000  }
0x50: {  	s0 =	simm.s32 $0x6000;
	p2 =	seq.s32 s23, $0x1;
	_ =	swait.ge @!p1 [sflag:s30], $0x6000  }
0x51: {  	s0 =	simm.s32 @!p2 $0x0;
	[sflag:s30] =	ssyncset.done @!p1 $0x0  }
0x52: {  	s1 =	sshra.s32 s24, $0x2;
	[sflag:s30] =	ssyncadd.s32 @!p1 $0xFFFFA000;
	s30 =	sor.u32 $0x1C00, s0  }
0x53: {  	[tilespmem:s30], [sflag:$0x1] =	stream.indirect.gather [hbm4b:s4+s12], $0x30, s1, s12, $0xb8;
	[tilespmem:$0x19C00] =	vst v63  }
0x54: {  	s7 =	sadd.s32 $0xE00, s1;
	s24 =	smov.u32 s31;
	s23 =	sadd.s32 $0xDC00, s0  }
0x55: {  	[tilespmem:s23], [sflag:$0x1] =	stream.indirect.gather [hbm4b:s4+s12], $0x30, s7, s12, $0xb8;
	[tilespmem:$0x19C00] =	vst v63  }
0x56: {  	s31 =	sadd.s32 $0x80, s1;
	s7 =	sadd.s32 $0x3400, s0  }
0x57: {  	[tilespmem:s7], [sflag:$0x1] =	stream.indirect.gather [hbm4b:s4+s12], $0x30, s31, s12, $0xb8;
	[tilespmem:$0x19C00] =	vst v63  }
0x58: {  	s7 =	sadd.s32 $0xF400, s0;
	s31 =	sadd.s32 $0xE80, s1  }
0x59: {  	[tilespmem:s7], [sflag:$0x1] =	stream.indirect.gather [hbm4b:s4+s12], $0x30, s31, s12, $0xb8;
	[tilespmem:$0x19C00] =	vst v63  }
0x5a: {  	s7 =	sadd.s32 $0x4C00, s0;
	s31 =	sadd.s32 $0x100, s1  }
0x5b: {  	[tilespmem:s7], [sflag:$0x1] =	stream.indirect.gather [hbm4b:s4+s12], $0x30, s31, s12, $0xb8;
	[tilespmem:$0x19C00] =	vst v63  }
0x5c: {  	s7 =	sor.u32 $0x10C00, s0;
	s31 =	sadd.s32 $0xF00, s1  }
0x5d: {  	[tilespmem:s7], [sflag:$0x1] =	stream.indirect.gather [hbm4b:s4+s12], $0x30, s31, s12, $0xb8;
	[tilespmem:$0x19C00] =	vst v63  }
0x5e: {  	s7 =	sadd.s32 $0x6400, s0;
	s31 =	sadd.s32 $0x180, s1  }
0x5f: {  	[tilespmem:s7], [sflag:$0x1] =	stream.indirect.gather [hbm4b:s4+s12], $0x30, s31, s12, $0xb8;
	[tilespmem:$0x19C00] =	vst v63  }
0x60: {  	s0 =	sadd.s32 $0x12400, s0;
	s1 =	sadd.s32 $0xF80, s1  }
0x61: {  	[tilespmem:s0], [sflag:$0x1] =	stream.indirect.gather [hbm4b:s4+s12], $0x30, s1, s12, $0xb8;
	[tilespmem:$0x19C00] =	vst v63  }
0x62: {  	_ =	swait.ge [sflag:s13], $0x1800  }
0x63: {  	[sflag:s13] =	ssyncset.done $0x0  }
0x64: {  	[sflag:s13] =	ssyncadd.s32 $0xFFFFE800  }
0x65: {  	_ =	swait.ge [sflag:s13], $0x1800  }
0x66: {  	[sflag:s13] =	ssyncset.done $0x0  }
0x67: {  	[sflag:s13] =	ssyncadd.s32 $0xFFFFE800  }
0x68: {  	_ =	swait.ge [sflag:s13], $0x1800  }
0x69: {  	[sflag:s13] =	ssyncset.done $0x0  }
0x6a: {  	[sflag:s13] =	ssyncadd.s32 $0xFFFFE800  }
0x6b: {  	_ =	swait.ge [sflag:s13], $0x1800  }
0x6c: {  	[sflag:s13] =	ssyncset.done $0x0  }
0x6d: {  	[sflag:s13] =	ssyncadd.s32 $0xFFFFE800  }
0x6e: {  	_ =	swait.ge [sflag:s13], $0x1800  }
0x6f: {  	[sflag:s13] =	ssyncset.done $0x0  }
0x70: {  	[sflag:s13] =	ssyncadd.s32 $0xFFFFE800  }
0x71: {  	_ =	swait.ge [sflag:s13], $0x1800  }
0x72: {  	[sflag:s13] =	ssyncset.done $0x0  }
0x73: {  	[sflag:s13] =	ssyncadd.s32 $0xFFFFE800  }
0x74: {  	_ =	swait.ge [sflag:s13], $0x1800  }
0x75: {  	[sflag:s13] =	ssyncset.done $0x0  }
.Ltmp0:
0x76: {  	[sflag:s13] =	ssyncadd.s32 $0xFFFFE800;
	(pc) =	sbr.rel @p0 .LBB2_3-.Ltmp0, $4  }
0x77: {  	_ =	swait.ge [sflag:s13], $0x1800  }
0x78: {  	s25 =	sadd.s32 $0x1, s25;
	[sflag:s13] =	ssyncset.done $0x0  }
0x79: {  	s22 =	sadd.s32 $0x2000, s22;
	p1 =	seq.s32 s16, s24;
	[sflag:s13] =	ssyncadd.s32 $0xFFFFE800  }
0x7a: {  	[hbm4b:s29+s14] =	stream.strided.scatter [tilespmem:s30], [sflag:$0x2], $0x6000, s12, s14, $0x38;
	[tilespmem:$0x19C00] =	vst v63  }
0x7b: {  	s0 =	simm.s32 @!p1 $0x2  }
0x7c: {  	[hbm4b:s28+s14] =	stream.strided.scatter [tilespmem:s23], [sflag:$0x2], $0x6000, s12, s14, $0x38;
	[tilespmem:$0x19C00] =	vst v63  }
0x7d: {  	_ =	swait.ge @!p1 [sflag:s0], $0x6000  }
0x7e: {  	[sflag:s0] =	ssyncset.done @!p1 $0x0  }
0x7f: {  	s1 =	sand.u32 $0x1, s25;
	[sflag:s0] =	ssyncadd.s32 @!p1 $0xFFFFA000  }
0x80: {  	p0 =	seq.s32 s1, $0x1;
	s1 =	simm.s32 $0x6000;
	_ =	swait.ge @!p1 [sflag:s0], $0x6000  }
0x81: {  	s1 =	simm.s32 @!p0 $0x0;
	[sflag:s0] =	ssyncset.done @!p1 $0x0  }
0x82: {  	s7 =	sshra.s32 s24, $0x2;
	[sflag:s0] =	ssyncadd.s32 @!p1 $0xFFFFA000;
	s0 =	sor.u32 $0x1C00, s1  }
0x83: {  	[tilespmem:s0], [sflag:$0x1] =	stream.indirect.gather [hbm4b:s4+s12], $0x30, s7, s12, $0xb8;
	[tilespmem:$0x19C00] =	vst v63  }
0x84: {  	s24 =	sadd.s32 $0xE00, s7;
	s23 =	sadd.s32 $0xDC00, s1  }
0x85: {  	[tilespmem:s23], [sflag:$0x1] =	stream.indirect.gather [hbm4b:s4+s12], $0x30, s24, s12, $0xb8;
	[tilespmem:$0x19C00] =	vst v63  }
0x86: {  	s26 =	sadd.s32 $0x80, s7;
	s25 =	sadd.s32 $0x3400, s1  }
0x87: {  	[tilespmem:s25], [sflag:$0x1] =	stream.indirect.gather [hbm4b:s4+s12], $0x30, s26, s12, $0xb8;
	[tilespmem:$0x19C00] =	vst v63  }
0x88: {  	s29 =	sadd.s32 $0xE80, s7;
	s28 =	sadd.s32 $0xF400, s1  }
0x89: {  	[tilespmem:s28], [sflag:$0x1] =	stream.indirect.gather [hbm4b:s4+s12], $0x30, s29, s12, $0xb8;
	[tilespmem:$0x19C00] =	vst v63  }
0x8a: {  	s31 =	sadd.s32 $0x100, s7;
	s30 =	sadd.s32 $0x4C00, s1  }
0x8b: {  	[tilespmem:s30], [sflag:$0x1] =	stream.indirect.gather [hbm4b:s4+s12], $0x30, s31, s12, $0xb8;
	[tilespmem:$0x19C00] =	vst v63  }
0x8c: {  	s26 =	sor.u32 $0x10C00, s1;
	s28 =	sadd.s32 $0xF00, s7  }
0x8d: {  	[tilespmem:s26], [sflag:$0x1] =	stream.indirect.gather [hbm4b:s4+s12], $0x30, s28, s12, $0xb8;
	[tilespmem:$0x19C00] =	vst v63  }
0x8e: {  	s29 =	sadd.s32 $0x6400, s1;
	s30 =	sadd.s32 $0x180, s7  }
0x8f: {  	[tilespmem:s29], [sflag:$0x1] =	stream.indirect.gather [hbm4b:s4+s12], $0x30, s30, s12, $0xb8;
	[tilespmem:$0x19C00] =	vst v63  }
0x90: {  	s1 =	sadd.s32 $0x12400, s1;
	s7 =	sadd.s32 $0xF80, s7  }
0x91: {  	[tilespmem:s1], [sflag:$0x1] =	stream.indirect.gather [hbm4b:s4+s12], $0x30, s7, s12, $0xb8;
	[tilespmem:$0x19C00] =	vst v63  }
0x92: {  	_ =	swait.ge [sflag:s13], $0x1800  }
0x93: {  	[sflag:s13] =	ssyncset.done $0x0  }
0x94: {  	[sflag:s13] =	ssyncadd.s32 $0xFFFFE800  }
0x95: {  	_ =	swait.ge [sflag:s13], $0x1800  }
0x96: {  	[sflag:s13] =	ssyncset.done $0x0  }
0x97: {  	[sflag:s13] =	ssyncadd.s32 $0xFFFFE800  }
0x98: {  	_ =	swait.ge [sflag:s13], $0x1800  }
0x99: {  	[sflag:s13] =	ssyncset.done $0x0  }
0x9a: {  	[sflag:s13] =	ssyncadd.s32 $0xFFFFE800  }
0x9b: {  	_ =	swait.ge [sflag:s13], $0x1800  }
0x9c: {  	[sflag:s13] =	ssyncset.done $0x0  }
0x9d: {  	[sflag:s13] =	ssyncadd.s32 $0xFFFFE800  }
0x9e: {  	_ =	swait.ge [sflag:s13], $0x1800  }
0x9f: {  	[sflag:s13] =	ssyncset.done $0x0  }
0xa0: {  	[sflag:s13] =	ssyncadd.s32 $0xFFFFE800  }
0xa1: {  	_ =	swait.ge [sflag:s13], $0x1800  }
0xa2: {  	[sflag:s13] =	ssyncset.done $0x0  }
0xa3: {  	[sflag:s13] =	ssyncadd.s32 $0xFFFFE800  }
0xa4: {  	_ =	swait.ge [sflag:s13], $0x1800  }
0xa5: {  	[sflag:s13] =	ssyncset.done $0x0  }
0xa6: {  	s20 =	sadd.s32 $0x1, s20;
	[sflag:s13] =	ssyncadd.s32 $0xFFFFE800  }
0xa7: {  	p0 =	sne.s32 s20, $0x7;
	_ =	swait.ge [sflag:s13], $0x1800  }
.Ltmp1:
0xa8: {  	[sflag:s13] =	ssyncset.done $0x0;
	(pc) =	sbr.rel @p0 .LBB2_2-.Ltmp1, $4  }
0xa9: {  	s19 =	sadd.s32 $0xE000, s19;
	s18 =	sadd.s32 $0xE000, s18;
	[sflag:s13] =	ssyncadd.s32 $0xFFFFE800  }
0xaa: {  	[hbm4b:s22+s14] =	stream.strided.scatter [tilespmem:s0], [sflag:$0x2], $0x6000, s12, s14, $0x38;
	[tilespmem:$0x19C00] =	vst v63  }
0xab: {  	s17 =	sadd.s32 $0x7, s17;
	s16 =	sadd.s32 $0xFFFFC800, s16;
	s31 =	sadd.s32 $0x2000, s21  }
0xac: {  	[hbm4b:s31+s14] =	stream.strided.scatter [tilespmem:s23], [sflag:$0x2], $0x6000, s12, s14, $0x38;
	[tilespmem:$0x19C00] =	vst v63  }
0xad: {  	_ =	swait.ge [sflag:s15], $0x6000  }
0xae: {  	[sflag:s15] =	ssyncset.done $0x0  }
0xaf: {  	[sflag:s15] =	ssyncadd.s32 $0xFFFFA000  }
0xb0: {  	_ =	swait.ge [sflag:s15], $0x6000  }
0xb1: {  	s3 =	sadd.s32 $0x1, s3;
	s0 =	rddreg [dreg:$0x3]  }
0xb2: {  	p0 =	sne.s32 s3, s0  }
.Ltmp2:
0xb3: {  	_ = 	snop;
	(pc) =	sbr.rel @p0 .LBB2_1-.Ltmp2, $3  }
0xb4: {  	_ =	sdelay $0x1  }
0xb5: {  	[sflag:s15] =	ssyncset.done $0x0  }
0xb6: {  	[sflag:s15] =	ssyncadd.s32 $0xFFFFA000  }
0xb7: {  	_ =	sfence.sel $0x180000  }
0xb8: {  	[bflag:$0x0] =	sbarrier.arrive $0xFFFF  }
0xb9: {  	_ =	strace $0x90000047  }
0xba: {  	s0 =	stileid.u32;
	[bflag:$0x2] =	sbarrier.arrive $0xFFFF  }
0xbb: {  	p0 =	sne.s32 s0, $0x0;
	s0 =	rddreg [dreg:$0x2]  }
0xbc: {  	s0 =	sadd.s32 @!p0 $0x100000, s0  }
0xbd: {  	[sflag:s0] =	ssyncadd.tile.s32 @!p0 $0x1;
	_ =	shalt  }
.Lfunc_end2:
_tile_overlayer_lowered:
.L_overlay_start_2:
0xbe: {  	(tag) =	ssettag $0x2  }
0xbf: {  	s0 =	rddreg [dreg:$0x0];
	s2 =	stileid.u32  }
0xc0: {  	s1 =	rddreg [dreg:$0x1];
	p0 =	sne.s32 s2, $0x0  }
0xc1: {  	s3 =	rddreg [dreg:$0x2];
	[bflag:$0x3] =	sbarrier.arrive $0xFFFF;
	s2 =	simm.s32 @!p0 $0x1C03  }
0xc2: {  	[timem:s3], [sflag:s2] =	dma.local @!p0 [hbm:s0], s1  }
0xc3: {  	s0 =	simm.s32 @!p0 $0x3  }
0xc4: {  	_ =	swait.ge @!p0 [sflag:s0], s1  }
0xc5: {  	s1 =	ssub.s32 @!p0 $0x0, s1;
	[sflag:s0] =	ssyncset.done @!p0 $0x0  }
0xc6: {  	[sflag:s0] =	ssyncadd.s32 @!p0 s1  }
0xc7: {  	[bflag:$0x3] =	sbarrier.arrive $0xFFFF  }
0xc8: {  	_ =	shalt  }

// kernel: kernel.15.cloned.1.call-start
scs
__scs_entry_jumppad:
0x0: {  	(pc) =	sbr.rel $0x88, $3  }
0x1: {  	(tag) =	ssettag $0x0;
	lr =	simm.s32 $0x1  }
0x2: {  	[smem:$0x3F7F] =	sst lr;
	_ =	strace $0xD0000000  }
0x3: {  	_ = 	snop  }
0x4: {  	_ = 	snop  }
0x5: {  	_ = 	snop  }
0x6: {  	_ = 	snop  }
0x7: {  	_ = 	snop  }
__scs_overlays_trampoline_lowered:
0x8: {  	[smem:$0x3F8E] =	sst s0  }
0x9: {  	[smem:$0x3F8F] =	sst s1  }
0xa: {  	[smem:$0x3F90] =	sst s2  }
0xb: {  	[smem:$0x3F91] =	sst s3  }
0xc: {  	[smem:$0x3F92] =	sst s4  }
0xd: {  	[smem:$0x3F93] =	sst s5  }
0xe: {  	[smem:$0x3F94] =	sst s6  }
0xf: {  	[smem:$0x3F95] =	sst s7  }
0x10: {  	[smem:$0x3F96] =	sst s8  }
0x11: {  	[smem:$0x3F97] =	sst s9;
	s0 =	simm.s32 @!p0 $0x0  }
0x12: {  	s1 =	sld [smem:$0x3F7D];
	s0 =	simm.s32 @p0 $0x1  }
0x13: {  	[smem:$0x3F98] =	sst s0;
	s0 =	simm.s32 @!p1 $0x0  }
0x14: {  	s2 =	sld [smem:$0x3F7C];
	s0 =	simm.s32 @p1 $0x1  }
0x15: {  	[smem:$0x3F99] =	sst s0;
	s0 =	simm.s32 @!p2 $0x0  }
0x16: {  	s3 =	sld [smem:$0x3FDB];
	s0 =	simm.s32 @p2 $0x1  }
0x17: {  	s4 =	simm.s32 $0x1BF5;
	[smem:$0x3F9B] =	sst s0  }
0x18: {  	s0 =	sld [smem:$0x3F7E];
	_ =	swait.ge [sflag:s4], $0x0  }
0x19: {  	s7 =	sld [smem:$0x3F7F]  }
0x1a: {  	s8 =	sadd.s32 $0xFFFFE003, lr  }
0x1b: {  	s9 =	sadd.s32 $0xFFFFFEF7, lr;
	s5 =	simm.s32 $0xFFFFFFFF;
	p2 =	slt.u32 s8, $0xFFFFF086  }
0x1c: {  	p1 =	slt.u32 s9, $0xF7A;
	s5 =	simm.s32 @!p2 $0x0  }
0x1d: {  	s5 =	simm.s32 @p1 $0x1;
	p0 =	seq.s32 s7, s2  }
0x1e: {  	s7 =	smul.u32 @!p0 $0xF7A, s2;
	p2 =	seq.s32 @!p0 s5, $0x0  }
0x1f: {  	s9 =	smul.u32 $0xF7A, s1;
	s8 =	simm.s32 @!p0 $0x1BF5;
	p2 =	por !p2, p0  }
0x20: {  	[sflag:s8] =	ssyncset.s32 @!p0 $0xFFFFF086;
	s6 =	sadd.s32 @!p0 s3, s7;
	s7 =	simm.s32 @!p0 $0x108  }
0x21: {  	s3 =	sadd.s32 s3, s9;
	s6 =	sadd.s32 @!p0 $0x88, s6;
	s7 =	simm.s32 @p2 $0x1082  }
0x22: {  	[simem:s7], [sflag:s8] =	dma.local @!p0 [hbm:s6], $0xF7A  }
0x23: {  	s9 =	sor.u32 $0xD0000000, s2;
	s6 =	simm.s32 $0x108;
	_ =	swait.ge @!p0 [sflag:s8], $0x0  }
0x24: {  	s3 =	sadd.s32 $0x88, s3;
	s6 =	simm.s32 @!p1 $0x1082;
	[sflag:s4] =	ssyncset.s32 $0xFFFFF086  }
0x25: {  	[simem:s6], [sflag:s4] =	dma.local [hbm:s3], $0xF7A  }
0x26: {  	[smem:$0x3F7F] =	sst s1;
	(tag) =	ssettag s2;
	_ =	strace s9  }
0x27: {  	s1 =	sld [smem:$0x3F8F]  }
0x28: {  	s2 =	sld [smem:$0x3F90]  }
0x29: {  	s4 =	sld [smem:$0x3F92]  }
0x2a: {  	p0 =	seq.s32 s5, $0x0;
	s5 =	sld [smem:$0x3F93]  }
0x2b: {  	s6 =	sld [smem:$0x3F94]  }
0x2c: {  	s7 =	sld [smem:$0x3F95]  }
0x2d: {  	s3 =	simm.s32 $0x108;
	s8 =	sld [smem:$0x3F96]  }
0x2e: {  	s3 =	simm.s32 @!p0 $0x1082;
	s9 =	sld [smem:$0x3F97]  }
0x2f: {  	lr =	sadd.s32 s0, s3;
	s0 =	sld [smem:$0x3F8E]  }
0x30: {  	s3 =	sld [smem:$0x3F91]  }
0x31: {  	[smem:$0x3F9A] =	sst s10  }
0x32: {  	s10 =	sld [smem:$0x3F98];
	_ =	sdelay $0x3  }
0x33: {  	p0 =	seq.s32 s10, $0x1;
	s10 =	sld [smem:$0x3F9A];
	_ =	sdelay $0x3  }
0x34: {  	[smem:$0x3F9A] =	sst s10  }
0x35: {  	s10 =	sld [smem:$0x3F99];
	_ =	sdelay $0x3  }
0x36: {  	p1 =	seq.s32 s10, $0x1;
	s10 =	sld [smem:$0x3F9A];
	_ =	sdelay $0x3  }
0x37: {  	[smem:$0x3F9A] =	sst s10  }
0x38: {  	s10 =	sld [smem:$0x3F9B]  }
0x39: {  	_ = 	snop;
	(pc) =	sbr.ind lr, $3  }
0x3a: {  	_ = 	snop  }
0x3b: {  	_ = 	snop  }
0x3c: {  	p2 =	seq.s32 s10, $0x1;
	s10 =	sld [smem:$0x3F9A]  }
0x3d: {  	_ =	shalt  }
0x3e: {  	_ =	shalt  }
0x3f: {  	_ =	shalt  }
0x40: {  	_ =	shalt  }
0x41: {  	_ =	shalt  }
0x42: {  	_ =	shalt  }
0x43: {  	_ =	shalt  }
0x44: {  	_ =	shalt  }
0x45: {  	_ =	shalt  }
0x46: {  	_ =	shalt  }
0x47: {  	_ =	shalt  }
0x48: {  	_ =	shalt  }
0x49: {  	_ =	shalt  }
0x4a: {  	_ =	shalt  }
0x4b: {  	_ =	shalt  }
0x4c: {  	_ =	shalt  }
0x4d: {  	_ =	shalt  }
0x4e: {  	_ =	shalt  }
0x4f: {  	_ =	shalt  }
0x50: {  	_ =	shalt  }
0x51: {  	_ =	shalt  }
0x52: {  	_ =	shalt  }
0x53: {  	_ =	shalt  }
0x54: {  	_ =	shalt  }
0x55: {  	_ =	shalt  }
0x56: {  	_ =	shalt  }
0x57: {  	_ =	shalt  }
0x58: {  	_ =	shalt  }
0x59: {  	_ =	shalt  }
0x5a: {  	_ =	shalt  }
0x5b: {  	_ =	shalt  }
0x5c: {  	_ =	shalt  }
0x5d: {  	_ =	shalt  }
0x5e: {  	_ =	shalt  }
0x5f: {  	_ =	shalt  }
0x60: {  	_ =	shalt  }
0x61: {  	_ =	shalt  }
0x62: {  	_ =	shalt  }
0x63: {  	_ =	shalt  }
0x64: {  	_ =	shalt  }
0x65: {  	_ =	shalt  }
0x66: {  	_ =	shalt  }
0x67: {  	_ =	shalt  }
0x68: {  	_ =	shalt  }
0x69: {  	_ =	shalt  }
0x6a: {  	_ =	shalt  }
0x6b: {  	_ =	shalt  }
0x6c: {  	_ =	shalt  }
0x6d: {  	_ =	shalt  }
0x6e: {  	_ =	shalt  }
0x6f: {  	_ =	shalt  }
0x70: {  	_ =	shalt  }
0x71: {  	_ =	shalt  }
0x72: {  	_ =	shalt  }
0x73: {  	_ =	shalt  }
0x74: {  	_ =	shalt  }
0x75: {  	_ =	shalt  }
0x76: {  	_ =	shalt  }
0x77: {  	_ =	shalt  }
0x78: {  	_ =	shalt  }
0x79: {  	_ =	shalt  }
0x7a: {  	_ =	shalt  }
0x7b: {  	_ =	shalt  }
0x7c: {  	_ =	shalt  }
0x7d: {  	_ =	shalt  }
0x7e: {  	_ =	shalt  }
0x7f: {  	_ =	shalt  }
0x80: {  	_ =	shalt  }
0x81: {  	_ =	shalt  }
0x82: {  	_ =	shalt  }
0x83: {  	_ =	shalt  }
0x84: {  	_ =	shalt  }
0x85: {  	_ =	shalt  }
0x86: {  	_ =	shalt  }
0x87: {  	_ =	shalt  }
.Lfunc_end0:
.L_simem_size_0:
called_computation.1_lowered:
.L_overlay_start_0:
0x88: {  	s2 =	sld [smem:$0x3FD9]  }
0x89: {  	s3 =	sld [smem:$0x3FFE];
	_ =	sdelay $0x1  }
0x8a: {  	s1 =	srdreg.scid  }
0x8b: {  	s0 =	sand.u32 $0x1, s1  }
0x8c: {  	s17 =	sshll.u32 s0, $0xA;
	s2 =	sadd.s32 s3, s2  }
0x8d: {  	s2 =	sadd.s32 s2, s17  }
0x8e: {  	[smem:$0x3FA6] =	sst s2  }
0x8f: {  	_ = 	snop  }
0x90: {  	s18 =	sld [smem:$0x3FD0];
	(tm) =	ssettm $0x1  }
0x91: {  	s19 =	sld [smem:$0x3FFB];
	_ =	sdelay $0x3  }
0x92: {  	_ =	strace s19  }
0x93: {  	s2 =	sld [smem:$0x3FFC];
	_ =	sdelay $0x3  }
0x94: {  	_ =	strace s2  }
0x95: {  	s2 =	sld [smem:$0x3FFD];
	_ =	sdelay $0x3  }
0x96: {  	_ =	strace s2  }
0x97: {  	_ =	strace $0x8FFFFFFF  }
0x98: {  	s20 =	sld [smem:$0x3FDB];
	_ =	sdelay $0x1  }
0x99: {  	s4 =	simm.s32 $_scs_section_size  }
0x9a: {  	s5 =	simm.s32 $_size__tile_overlayer_lowered;
	s6 =	simm.s32 $_tile_overlayer_lowered  }
0x9b: {  	s7 =	simm.s32 $0x1BFF;
	s21 =	sshll.u32 s6, $0x1;
	s4 =	sadd.s32 s4, s20  }
0x9c: {  	s22 =	simm.s32 $0x0;
	s5 =	sshll.u32 s5, $0x1;
	s6 =	sadd.s32 s21, s4  }
0x9d: {  	[timem:s22], [sflag:s7] =	dma.local [hbm:s6], s5  }
0x9e: {  	_ =	swait.ge [sflag:s7], s5  }
0x9f: {  	s5 =	ssub.s32 $0x0, s5;
	[sflag:s7] =	ssyncset.done $0x0  }
0xa0: {  	[sflag:s7] =	ssyncadd.s32 s5;
	_ =	sdelay $0x1  }
0xa1: {  	s23 =	simm.s32 $0x1B8B  }
0xa2: {  	_ =	swait.ge [sflag:s23], $0x1  }
0xa3: {  	[sflag:s23] =	ssyncset.done $0x0  }
0xa4: {  	[sflag:s23] =	ssyncadd.s32 $0xFFFFFFFF  }
0xa5: {  	s5 =	sld [smem:$0x0]  }
0xa6: {  	s6 =	sand.u32 $0xFFFFFFFE, s1  }
0xa7: {  	p0 =	sne.s32 s1, s6  }
0xa8: {  	s6 =	sshll.u32 @p0 s6, $0xE  }
0xa9: {  	s6 =	sadd.s32 @p0 $0x11B8D, s6;
	s7 =	sshll.u32 @p0 s5, $0x11  }
0xaa: {  	s6 =	sor.u32 @p0 s7, s6  }
0xab: {  	[sflag:s6] =	ssyncadd.remote.s32 @p0 $0x1;
	_ =	sdelay $0x1  }
0xac: {  	s6 =	simm.s32 @p0 $0x1B8D  }
0xad: {  	_ =	swait.eq @p0 [sflag:s6], $0x1  }
0xae: {  	[sflag:s6] =	ssyncadd.s32 @p0 $0xFFFFFFFF  }
0xaf: {  	s7 =	sshll.u32 @!p0 s1, $0xE  }
0xb0: {  	s7 =	sor.u32 @!p0 $0x4000, s7;
	s6 =	simm.s32 @!p0 $0x1B8D  }
0xb1: {  	s5 =	sshll.u32 @!p0 s5, $0x11;
	s7 =	sadd.s32 @!p0 $0x11B8D, s7;
	_ =	swait.eq @!p0 [sflag:s6], $0x1  }
0xb2: {  	s5 =	sor.u32 @!p0 s5, s7;
	[sflag:s6] =	ssyncadd.s32 @!p0 $0xFFFFFFFF  }
0xb3: {  	s25 =	simm.s32 $0x1B8E;
	s24 =	sld [smem:$0x3FFE];
	[sflag:s5] =	ssyncadd.remote.s32 @!p0 $0x1  }
0xb4: {  	s26 =	simm.s32 $execute0_lowered;
	[smem:$0x3FD2] =	sst s25  }
0xb5: {  	s6 =	sshll.u32 s26, $0x1;
	_ =	strace $0x8000004C;
	[dreg:$0x1] =	wrdreg $0xFFFFFFFF  }
0xb6: {  	s28 =	simm.s32 $_size_execute0_lowered;
	s4 =	sadd.s32 s4, s6;
	[dreg:$0x0] =	wrdreg $0x0  }
0xb7: {  	s6 =	sshll.u32 s28, $0x1;
	[dreg:$0x2] =	wrdreg s4  }
0xb8: {  	[dreg:$0x3] =	wrdreg s6  }
0xb9: {  	[dreg:$0x4] =	wrdreg $0xC0  }
0xba: {  	_ =	task [dreg:s22], $0x5FFFF  }
0xbb: {  	[dreg:$0x1] =	wrdreg $0xFFFFFFFF  }
0xbc: {  	[dreg:$0x0] =	wrdreg $0x60  }
0xbd: {  	[dreg:$0x2] =	wrdreg s24  }
0xbe: {  	[dreg:$0x3] =	wrdreg s18  }
0xbf: {  	[dreg:$0x4] =	wrdreg $0x0  }
0xc0: {  	[dreg:$0x5] =	wrdreg $0x9  }
0xc1: {  	_ =	task.clear_ibuf [dreg:s22], $0x6FFFF;
	_ =	strace $0x9000004C  }
0xc2: {  	s29 =	simm.s32 $0x9;
	_ =	strace $0x8000004E  }
0xc3: {  	_ =	swait.ge [sflag:s29], $0x1  }
0xc4: {  	[sflag:s29] =	ssyncadd.s32 $0xFFFFFFFF  }
0xc5: {  	_ =	strace $0x9000004E  }
0xc6: {  	_ =	sfence  }
0xc7: {  	s30 =	sld [smem:$0x0];
	_ =	sdelay $0x2  }
0xc8: {  	s31 =	sshll.u32 s1, $0xD;
	s1 =	sshrl.u32 s1, $0x2  }
0xc9: {  	s4 =	sand.u32 $0x4000, s31;
	s1 =	sadd.s32 s1, s30  }
0xca: {  	s0 =	sor.u32 s4, s0;
	s1 =	sshll.u32 s1, $0x11  }
0xcb: {  	s0 =	sor.u32 s1, s0  }
0xcc: {  	s0 =	sadd.s32 $0x8F2B, s0  }
0xcd: {  	[sflag:s0] =	ssyncadd.remote.s32 $0x1  }
0xce: {  	_ =	sfence.sel $0xFFFF  }
0xcf: {  	[dreg:$0x0] =	wrdreg $0xFFFFFFFF;
	(pc) =	sbr.abs _section_cstart, $3  }
0xd0: {  	[dreg:$0x1] =	wrdreg $0xFFFFFFFF  }
0xd1: {  	_ =	task.clear_ibuf [dreg:s22], $0x2FFFF;
	_ =	strace $0x9FFFFFFF  }
0xd2: {  	(tm) =	ssettm $0x7FFFFFFF  }
0xd3: {  	_ =	shalt  }
tec
execute0_lowered:
.L_overlay_start_1:
0x0: {  	(tag) =	ssettag $0x1  }
0x1: {  	s6 =	rddreg [dreg:$0x0]  }
0x2: {  	s2 =	rddreg [dreg:$0x1]  }
0x3: {  	s3 =	rddreg [dreg:$0x2]  }
0x4: {  	s0 =	rddreg [dreg:$0x3]  }
0x5: {  	s5 =	srdreg.scid;
	s1 =	stileid.u32  }
0x6: {  	s4 =	simm.s32 $0x0;
	s16 =	simm.s32 $0x2;
	s17 =	simm.s32 $0x19000  }
0x7: {  	s18 =	simm.s32 $0x80;
	s19 =	simm.s32 $0x0;
	s8 =	smul.u32 $0xC800, s1  }
0x8: {  	s7 =	sand.u32 $0x1, s5;
	[smem:$0x7FF] =	sst s4;
	s28 =	smul.u32 $0x64000, s1  }
0x9: {  	s11 =	sadd.s32 $0x342FE00, s6;
	s5 =	sadd.s32 $0x1F800, s6;
	s13 =	smul.u32 $0x620000, s1  }
0xa: {  	s12 =	sshll.u32 s1, $0x1;
	s30 =	sshll.u32 s1, $0x6;
	s9 =	smul.u32 $0xC8000, s7  }
0xb: {  	_ =	strace $0x8000004D;
	s26 =	ssub.s32 $0x2, s7;
	s12 =	sor.u32 s7, s12  }
0xc: {  	s7 =	smul.u32 $0x310000, s7;
	s10 =	sshrl.u32 s26, $0x1;
	s29 =	sshrl.u32 s28, $0x2  }
0xd: {  	s14 =	smul.u32 $0x62000, s12;
	s8 =	sadd.s32 s8, s9;
	s10 =	ssub.s32 s26, s10  }
0xe: {  	s15 =	sadd.s32 s29, s3;
	s13 =	sadd.s32 s7, s13;
	s7 =	smul.u32 $0xC4, s12  }
0xf: {  	s9 =	sadd.s32 s8, s6;
	s6 =	sor.u32 $0x1C02, s30;
	s8 =	sadd.s32 s11, s14  }
0x10: {  	s31 =	sor.u32 $0x4000, s13;
	s10 =	smax.u32 s10, $0x1;
	s13 =	simm.s32 $0x1  }
0x11: {  	s14 =	simm.s32 $0x4;
	s9 =	sadd.s32 $0x33AE00, s9;
	s12 =	sshrl.u32 s31, $0x3  }
0x12: {  	s11 =	sadd.s32 s12, s11;
	s12 =	sshrl.u32 s15, $0x3;
	s15 =	simm.s32 $0x10  }
.LBB2_1:
0x13: {  	[spmem:s12@s14], [sflag:s6] =	dma.strided [hbm:s5@s15], $0x3200, s13, $0x4   }
0x14: {  	_ =	swait.ge [sflag:s16], $0x3200  }
0x15: {  	[sflag:s16] =	ssyncset.done $0x0  }
0x16: {  	s20 =	simm.s32 $0x0;
	[sflag:s16] =	ssyncadd.s32 $0xFFFFCE00  }
0x17: {  	s21 =	smov.u32 s11;
	s22 =	simm.s32 $0x0;
	[bflag:$0x0] =	sbarrier.arrive $0xFFFF  }
.LBB2_2:
0x18: {  	s23 =	smul.u32 $0x31, s22;
	_ =	sdelay $0x1  }
0x19: {  	s23 =	sadd.s32 s7, s23  }
0x1a: {  	s23 =	sshll.u32 s23, $0x4  }
0x1b: {  	s23 =	sadd.s32 s2, s23  }
0x1c: {  	[tilespmem:s17], [sflag:$0x2] =	stream.linear.gather [hbm4b:s23+s4], $0x1880, $0x38;
	[tilespmem:$0x1C880] =	vst v63  }
0x1d: {  	p0 =	sne.s32 s22, $0x0;
	_ =	swait.ge [sflag:s16], $0x1880  }
0x1e: {  	s29 =	sadd.s32 $0x0, s20;
	s24 =	simm.s32 @!p0 $0x80;
	[sflag:s16] =	ssyncset.done $0x0  }
0x1f: {  	s25 =	simm.s32 @!p0 $0x1A880;
	s23 =	simm.s32 @!p0 $0x20;
	[sflag:s16] =	ssyncadd.s32 $0xFFFFE780  }
0x20: {  	[tilespmem:s25], [sflag:$0x1] =	stream.strided.gather @!p0 [hbm4b:s8+s23], $0x1000, s24, s23, $0x38;
	[tilespmem:$0x1C880] =	vst v63  }
0x21: {  	s24 =	sand.u32 $0x1, s29;
	p0 =	sgt.u32 s29, $0xC2  }
0x22: {  	s23 =	sshll.u32 @!p0 s24, $0xC  }
0x23: {  	s25 =	simm.s32 @!p0 $0x20;
	s26 =	simm.s32 @!p0 $0x80;
	s23 =	sxor.u32 @!p0 $0x1B880, s23  }
0x24: {  	[tilespmem:s23], [sflag:$0x1] =	stream.strided.gather @!p0 [hbm4b:s21+s25], $0x1000, s26, s25, $0x38;
	[tilespmem:$0x1C880] =	vst v63  }
0x25: {  	s30 =	simm.s32 $0x19000;
	_ =	swait.ge [sflag:s13], $0x1000  }
0x26: {  	s28 =	sadd.s32 $0x1, s20;
	s24 =	sshll.u32 s24, $0xC;
	[sflag:s13] =	ssyncset.done $0x0  }
0x27: {  	s31 =	sor.u32 $0x1A880, s24;
	s24 =	sadd.s32 $0x800, s21;
	[sflag:s13] =	ssyncadd.s32 $0xFFFFF000  }
0x28: {  	[spmem:s3] =	stream.indirect.scatter.add.f32 [tilespmem:s31], [sflag:$0x2], $0x20, s30, s18, $0xb8;
	[tilespmem:$0x1C880] =	vst v63  }
0x29: {  	s25 =	simm.s32 $0x2;
	s23 =	simm.s32 $0x19080;
	_ =	swait.ge [sflag:s16], $0x1000  }
0x2a: {  	s26 =	sand.u32 $0x1, s28;
	p0 =	sgt.u32 s28, $0xC2;
	[sflag:s16] =	ssyncset.done $0x0  }
.LBB2_3:
0x2b: {  	s28 =	sshll.u32 @!p0 s26, $0xC  }
0x2c: {  	[sflag:s16] =	ssyncadd.s32 $0xFFFFF000;
	s29 =	smov.u32 s25;
	s25 =	sadd.s32 $0x1, s25  }
0x2d: {  	s30 =	simm.s32 @!p0 $0x20;
	s31 =	simm.s32 @!p0 $0x80;
	s28 =	sxor.u32 @!p0 $0x1B880, s28  }
0x2e: {  	[tilespmem:s28], [sflag:$0x1] =	stream.strided.gather @!p0 [hbm4b:s24+s30], $0x1000, s31, s30, $0x38;
	[tilespmem:$0x1C880] =	vst v63  }
0x2f: {  	p1 =	sne.s32 s25, $0x31;
	_ =	swait.ge [sflag:s13], $0x1000  }
.Ltmp0:
0x30: {  	s26 =	sshll.u32 s26, $0xC;
	[sflag:s13] =	ssyncset.done $0x0;
	(pc) =	sbr.rel @p1 .LBB2_3-.Ltmp0, $4  }
0x31: {  	s26 =	sor.u32 $0x1A880, s26;
	s24 =	sadd.s32 $0x800, s24;
	[sflag:s13] =	ssyncadd.s32 $0xFFFFF000  }
0x32: {  	[spmem:s3] =	stream.indirect.scatter.add.f32 [tilespmem:s26], [sflag:$0x2], $0x20, s23, s18, $0xb8;
	[tilespmem:$0x1C880] =	vst v63  }
0x33: {  	s28 =	sadd.s32 s29, s20;
	s23 =	sadd.s32 $0x80, s23;
	_ =	swait.ge [sflag:s16], $0x1000  }
0x34: {  	p0 =	sgt.u32 s28, $0xC2;
	s26 =	sand.u32 $0x1, s28;
	[sflag:s16] =	ssyncset.done $0x0  }
0x35: {  	s25 =	sshll.u32 @!p0 s26, $0xC;
	[sflag:s16] =	ssyncadd.s32 $0xFFFFF000  }
0x36: {  	s28 =	simm.s32 @!p0 $0x20;
	s29 =	simm.s32 @!p0 $0x80;
	s25 =	sxor.u32 @!p0 $0x1B880, s25  }
0x37: {  	[tilespmem:s25], [sflag:$0x1] =	stream.strided.gather @!p0 [hbm4b:s24+s28], $0x1000, s29, s28, $0x38;
	[tilespmem:$0x1C880] =	vst v63  }
0x38: {  	s22 =	sadd.s32 $0x1, s22;
	_ =	swait.ge [sflag:s13], $0x1000  }
0x39: {  	s31 =	sshll.u32 s26, $0xC;
	p0 =	sne.s32 s22, $0x4;
	[sflag:s13] =	ssyncset.done $0x0  }
.Ltmp1:
0x3a: {  	s24 =	sor.u32 $0x1A880, s31;
	[sflag:s13] =	ssyncadd.s32 $0xFFFFF000;
	(pc) =	sbr.rel @p0 .LBB2_2-.Ltmp1, $4  }
0x3b: {  	[spmem:s3] =	stream.indirect.scatter.add.f32 [tilespmem:s24], [sflag:$0x2], $0x20, s23, s18, $0xb8;
	[tilespmem:$0x1C880] =	vst v63  }
0x3c: {  	_ =	swait.ge [sflag:s16], $0x1000  }
0x3d: {  	[sflag:s16] =	ssyncset.done $0x0  }
0x3e: {  	s21 =	sadd.s32 $0x18800, s21;
	s20 =	sadd.s32 $0x31, s20;
	[sflag:s16] =	ssyncadd.s32 $0xFFFFF000  }
0x3f: {  	s19 =	sadd.s32 $0x1, s19  }
0x40: {  	p0 =	sne.s32 s19, s10  }
.Ltmp2:
0x41: {  	[bflag:$0x0] =	sbarrier.arrive $0xFFFF;
	(pc) =	sbr.rel @p0 .LBB2_1-.Ltmp2, $4  }
0x42: {  	[hbm:s9@s15], [sflag:s6] =	dma.strided [spmem:s12@s14], $0x3200, s13, $0x4   }
0x43: {  	_ =	swait.ge [sflag:s16], $0x3200  }
0x44: {  	[sflag:s16] =	ssyncset.done $0x0  }
0x45: {  	[sflag:s16] =	ssyncadd.s32 $0xFFFFCE00  }
0x46: {  	_ =	sfence.sel $0x180000  }
0x47: {  	[bflag:$0x0] =	sbarrier.arrive $0xFFFF  }
0x48: {  	p0 =	sne.s32 s1, $0x0;
	_ =	strace $0x9000004D  }
0x49: {  	s0 =	sadd.s32 @!p0 $0x100000, s0;
	[bflag:$0x2] =	sbarrier.arrive $0xFFFF  }
0x4a: {  	[sflag:s0] =	ssyncadd.tile.s32 @!p0 $0x1;
	_ =	shalt  }
.Lfunc_end2:
_tile_overlayer_lowered:
.L_overlay_start_2:
0x4b: {  	(tag) =	ssettag $0x2  }
0x4c: {  	s0 =	rddreg [dreg:$0x0];
	s2 =	stileid.u32  }
0x4d: {  	s1 =	rddreg [dreg:$0x1];
	p0 =	sne.s32 s2, $0x0  }
0x4e: {  	s3 =	rddreg [dreg:$0x2];
	[bflag:$0x3] =	sbarrier.arrive $0xFFFF;
	s2 =	simm.s32 @!p0 $0x1C02  }
0x4f: {  	[timem:s3], [sflag:s2] =	dma.local @!p0 [hbm:s0], s1  }
0x50: {  	s0 =	simm.s32 @!p0 $0x2  }
0x51: {  	_ =	swait.ge @!p0 [sflag:s0], s1  }
0x52: {  	s1 =	ssub.s32 @!p0 $0x0, s1;
	[sflag:s0] =	ssyncset.done @!p0 $0x0  }
0x53: {  	[sflag:s0] =	ssyncadd.s32 @!p0 s1  }
0x54: {  	[bflag:$0x3] =	sbarrier.arrive $0xFFFF  }
0x55: {  	_ =	shalt  }

// kernel: kernel.18.cloned.1.call-start
scs
__scs_entry_jumppad:
0x0: {  	(pc) =	sbr.rel $0x88, $3  }
0x1: {  	(tag) =	ssettag $0x0;
	lr =	simm.s32 $0x1  }
0x2: {  	[smem:$0x3F7F] =	sst lr;
	_ =	strace $0xD0000000  }
0x3: {  	_ = 	snop  }
0x4: {  	_ = 	snop  }
0x5: {  	_ = 	snop  }
0x6: {  	_ = 	snop  }
0x7: {  	_ = 	snop  }
__scs_overlays_trampoline_lowered:
0x8: {  	[smem:$0x3F8E] =	sst s0  }
0x9: {  	[smem:$0x3F8F] =	sst s1  }
0xa: {  	[smem:$0x3F90] =	sst s2  }
0xb: {  	[smem:$0x3F91] =	sst s3  }
0xc: {  	[smem:$0x3F92] =	sst s4  }
0xd: {  	[smem:$0x3F93] =	sst s5  }
0xe: {  	[smem:$0x3F94] =	sst s6  }
0xf: {  	[smem:$0x3F95] =	sst s7  }
0x10: {  	[smem:$0x3F96] =	sst s8  }
0x11: {  	[smem:$0x3F97] =	sst s9;
	s0 =	simm.s32 @!p0 $0x0  }
0x12: {  	s1 =	sld [smem:$0x3F7D];
	s0 =	simm.s32 @p0 $0x1  }
0x13: {  	[smem:$0x3F98] =	sst s0;
	s0 =	simm.s32 @!p1 $0x0  }
0x14: {  	s2 =	sld [smem:$0x3F7C];
	s0 =	simm.s32 @p1 $0x1  }
0x15: {  	[smem:$0x3F99] =	sst s0;
	s0 =	simm.s32 @!p2 $0x0  }
0x16: {  	s3 =	sld [smem:$0x3FDB];
	s0 =	simm.s32 @p2 $0x1  }
0x17: {  	s4 =	simm.s32 $0x1BF5;
	[smem:$0x3F9B] =	sst s0  }
0x18: {  	s0 =	sld [smem:$0x3F7E];
	_ =	swait.ge [sflag:s4], $0x0  }
0x19: {  	s7 =	sld [smem:$0x3F7F]  }
0x1a: {  	s8 =	sadd.s32 $0xFFFFE003, lr  }
0x1b: {  	s9 =	sadd.s32 $0xFFFFFEF7, lr;
	s5 =	simm.s32 $0xFFFFFFFF;
	p2 =	slt.u32 s8, $0xFFFFF086  }
0x1c: {  	p1 =	slt.u32 s9, $0xF7A;
	s5 =	simm.s32 @!p2 $0x0  }
0x1d: {  	s5 =	simm.s32 @p1 $0x1;
	p0 =	seq.s32 s7, s2  }
0x1e: {  	s7 =	smul.u32 @!p0 $0xF7A, s2;
	p2 =	seq.s32 @!p0 s5, $0x0  }
0x1f: {  	s9 =	smul.u32 $0xF7A, s1;
	s8 =	simm.s32 @!p0 $0x1BF5;
	p2 =	por !p2, p0  }
0x20: {  	[sflag:s8] =	ssyncset.s32 @!p0 $0xFFFFF086;
	s6 =	sadd.s32 @!p0 s3, s7;
	s7 =	simm.s32 @!p0 $0x108  }
0x21: {  	s3 =	sadd.s32 s3, s9;
	s6 =	sadd.s32 @!p0 $0x88, s6;
	s7 =	simm.s32 @p2 $0x1082  }
0x22: {  	[simem:s7], [sflag:s8] =	dma.local @!p0 [hbm:s6], $0xF7A  }
0x23: {  	s9 =	sor.u32 $0xD0000000, s2;
	s6 =	simm.s32 $0x108;
	_ =	swait.ge @!p0 [sflag:s8], $0x0  }
0x24: {  	s3 =	sadd.s32 $0x88, s3;
	s6 =	simm.s32 @!p1 $0x1082;
	[sflag:s4] =	ssyncset.s32 $0xFFFFF086  }
0x25: {  	[simem:s6], [sflag:s4] =	dma.local [hbm:s3], $0xF7A  }
0x26: {  	[smem:$0x3F7F] =	sst s1;
	(tag) =	ssettag s2;
	_ =	strace s9  }
0x27: {  	s1 =	sld [smem:$0x3F8F]  }
0x28: {  	s2 =	sld [smem:$0x3F90]  }
0x29: {  	s4 =	sld [smem:$0x3F92]  }
0x2a: {  	p0 =	seq.s32 s5, $0x0;
	s5 =	sld [smem:$0x3F93]  }
0x2b: {  	s6 =	sld [smem:$0x3F94]  }
0x2c: {  	s7 =	sld [smem:$0x3F95]  }
0x2d: {  	s3 =	simm.s32 $0x108;
	s8 =	sld [smem:$0x3F96]  }
0x2e: {  	s3 =	simm.s32 @!p0 $0x1082;
	s9 =	sld [smem:$0x3F97]  }
0x2f: {  	lr =	sadd.s32 s0, s3;
	s0 =	sld [smem:$0x3F8E]  }
0x30: {  	s3 =	sld [smem:$0x3F91]  }
0x31: {  	[smem:$0x3F9A] =	sst s10  }
0x32: {  	s10 =	sld [smem:$0x3F98];
	_ =	sdelay $0x3  }
0x33: {  	p0 =	seq.s32 s10, $0x1;
	s10 =	sld [smem:$0x3F9A];
	_ =	sdelay $0x3  }
0x34: {  	[smem:$0x3F9A] =	sst s10  }
0x35: {  	s10 =	sld [smem:$0x3F99];
	_ =	sdelay $0x3  }
0x36: {  	p1 =	seq.s32 s10, $0x1;
	s10 =	sld [smem:$0x3F9A];
	_ =	sdelay $0x3  }
0x37: {  	[smem:$0x3F9A] =	sst s10  }
0x38: {  	s10 =	sld [smem:$0x3F9B]  }
0x39: {  	_ = 	snop;
	(pc) =	sbr.ind lr, $3  }
0x3a: {  	_ = 	snop  }
0x3b: {  	_ = 	snop  }
0x3c: {  	p2 =	seq.s32 s10, $0x1;
	s10 =	sld [smem:$0x3F9A]  }
0x3d: {  	_ =	shalt  }
0x3e: {  	_ =	shalt  }
0x3f: {  	_ =	shalt  }
0x40: {  	_ =	shalt  }
0x41: {  	_ =	shalt  }
0x42: {  	_ =	shalt  }
0x43: {  	_ =	shalt  }
0x44: {  	_ =	shalt  }
0x45: {  	_ =	shalt  }
0x46: {  	_ =	shalt  }
0x47: {  	_ =	shalt  }
0x48: {  	_ =	shalt  }
0x49: {  	_ =	shalt  }
0x4a: {  	_ =	shalt  }
0x4b: {  	_ =	shalt  }
0x4c: {  	_ =	shalt  }
0x4d: {  	_ =	shalt  }
0x4e: {  	_ =	shalt  }
0x4f: {  	_ =	shalt  }
0x50: {  	_ =	shalt  }
0x51: {  	_ =	shalt  }
0x52: {  	_ =	shalt  }
0x53: {  	_ =	shalt  }
0x54: {  	_ =	shalt  }
0x55: {  	_ =	shalt  }
0x56: {  	_ =	shalt  }
0x57: {  	_ =	shalt  }
0x58: {  	_ =	shalt  }
0x59: {  	_ =	shalt  }
0x5a: {  	_ =	shalt  }
0x5b: {  	_ =	shalt  }
0x5c: {  	_ =	shalt  }
0x5d: {  	_ =	shalt  }
0x5e: {  	_ =	shalt  }
0x5f: {  	_ =	shalt  }
0x60: {  	_ =	shalt  }
0x61: {  	_ =	shalt  }
0x62: {  	_ =	shalt  }
0x63: {  	_ =	shalt  }
0x64: {  	_ =	shalt  }
0x65: {  	_ =	shalt  }
0x66: {  	_ =	shalt  }
0x67: {  	_ =	shalt  }
0x68: {  	_ =	shalt  }
0x69: {  	_ =	shalt  }
0x6a: {  	_ =	shalt  }
0x6b: {  	_ =	shalt  }
0x6c: {  	_ =	shalt  }
0x6d: {  	_ =	shalt  }
0x6e: {  	_ =	shalt  }
0x6f: {  	_ =	shalt  }
0x70: {  	_ =	shalt  }
0x71: {  	_ =	shalt  }
0x72: {  	_ =	shalt  }
0x73: {  	_ =	shalt  }
0x74: {  	_ =	shalt  }
0x75: {  	_ =	shalt  }
0x76: {  	_ =	shalt  }
0x77: {  	_ =	shalt  }
0x78: {  	_ =	shalt  }
0x79: {  	_ =	shalt  }
0x7a: {  	_ =	shalt  }
0x7b: {  	_ =	shalt  }
0x7c: {  	_ =	shalt  }
0x7d: {  	_ =	shalt  }
0x7e: {  	_ =	shalt  }
0x7f: {  	_ =	shalt  }
0x80: {  	_ =	shalt  }
0x81: {  	_ =	shalt  }
0x82: {  	_ =	shalt  }
0x83: {  	_ =	shalt  }
0x84: {  	_ =	shalt  }
0x85: {  	_ =	shalt  }
0x86: {  	_ =	shalt  }
0x87: {  	_ =	shalt  }
.Lfunc_end0:
.L_simem_size_0:
called_computation.2_lowered:
.L_overlay_start_0:
0x88: {  	s2 =	sld [smem:$0x3FD9]  }
0x89: {  	s3 =	sld [smem:$0x3FFE];
	_ =	sdelay $0x1  }
0x8a: {  	s1 =	srdreg.scid  }
0x8b: {  	s0 =	sand.u32 $0x1, s1  }
0x8c: {  	s17 =	sshll.u32 s0, $0xA;
	s2 =	sadd.s32 s3, s2  }
0x8d: {  	s2 =	sadd.s32 s2, s17  }
0x8e: {  	[smem:$0x3FA6] =	sst s2  }
0x8f: {  	_ = 	snop  }
0x90: {  	s2 =	sld [smem:$0x3FD0];
	(tm) =	ssettm $0x1  }
0x91: {  	s18 =	sld [smem:$0x3FFB];
	_ =	sdelay $0x3  }
0x92: {  	_ =	strace s18  }
0x93: {  	s3 =	sld [smem:$0x3FFC];
	_ =	sdelay $0x3  }
0x94: {  	_ =	strace s3  }
0x95: {  	s3 =	sld [smem:$0x3FFD];
	_ =	sdelay $0x3  }
0x96: {  	_ =	strace s3  }
0x97: {  	_ =	strace $0x8FFFFFFF  }
0x98: {  	s19 =	sld [smem:$0x3FDB];
	_ =	sdelay $0x1  }
0x99: {  	s4 =	simm.s32 $_scs_section_size  }
0x9a: {  	s5 =	simm.s32 $_size__tile_overlayer_lowered;
	s6 =	simm.s32 $_tile_overlayer_lowered  }
0x9b: {  	s22 =	simm.s32 $0x1BFF;
	s21 =	sshll.u32 s6, $0x1;
	s3 =	sadd.s32 s4, s19  }
0x9c: {  	s7 =	simm.s32 $0x0;
	s20 =	sshll.u32 s5, $0x1;
	s5 =	sadd.s32 s21, s3  }
0x9d: {  	[timem:s7], [sflag:s22] =	dma.local [hbm:s5], s20  }
0x9e: {  	_ =	swait.ge [sflag:s22], s20  }
0x9f: {  	s4 =	ssub.s32 $0x0, s20;
	[sflag:s22] =	ssyncset.done $0x0  }
0xa0: {  	[sflag:s22] =	ssyncadd.s32 s4;
	_ =	sdelay $0x1  }
0xa1: {  	s23 =	simm.s32 $0x1B8B  }
0xa2: {  	_ =	swait.ge [sflag:s23], $0x1  }
0xa3: {  	[sflag:s23] =	ssyncset.done $0x0  }
0xa4: {  	s25 =	simm.s32 $0x1B8E;
	s24 =	sld [smem:$0x3FFE];
	[sflag:s23] =	ssyncadd.s32 $0xFFFFFFFF  }
0xa5: {  	s26 =	simm.s32 $execute0_lowered;
	[smem:$0x3FD2] =	sst s25  }
0xa6: {  	s5 =	sshll.u32 s26, $0x1;
	_ =	strace $0x80000049;
	[dreg:$0x1] =	wrdreg $0xFFFFFFFF  }
0xa7: {  	s28 =	simm.s32 $_size_execute0_lowered;
	s3 =	sadd.s32 s3, s5;
	[dreg:$0x0] =	wrdreg $0x0  }
0xa8: {  	s5 =	sshll.u32 s28, $0x1;
	[dreg:$0x2] =	wrdreg s3  }
0xa9: {  	[dreg:$0x3] =	wrdreg s5  }
0xaa: {  	[dreg:$0x4] =	wrdreg $0xC0  }
0xab: {  	_ =	task [dreg:s7], $0x5FFFF  }
0xac: {  	[dreg:$0x1] =	wrdreg $0xFFFFFFFF  }
0xad: {  	[dreg:$0x0] =	wrdreg $0x60  }
0xae: {  	[dreg:$0x2] =	wrdreg s24  }
0xaf: {  	[dreg:$0x3] =	wrdreg s2  }
0xb0: {  	[dreg:$0x4] =	wrdreg $0x0  }
0xb1: {  	[dreg:$0x5] =	wrdreg $0xA  }
0xb2: {  	_ =	task.clear_ibuf [dreg:s7], $0x6FFFF;
	_ =	strace $0x90000049  }
0xb3: {  	s29 =	simm.s32 $0xA;
	_ =	strace $0x8000004B  }
0xb4: {  	_ =	swait.ge [sflag:s29], $0x1  }
0xb5: {  	[sflag:s29] =	ssyncadd.s32 $0xFFFFFFFF  }
0xb6: {  	_ =	strace $0x9000004B  }
0xb7: {  	_ =	sfence  }
0xb8: {  	s30 =	sld [smem:$0x0];
	_ =	sdelay $0x2  }
0xb9: {  	s31 =	sshll.u32 s1, $0xD;
	s1 =	sshrl.u32 s1, $0x2  }
0xba: {  	s3 =	sand.u32 $0x4000, s31;
	s1 =	sadd.s32 s1, s30  }
0xbb: {  	s0 =	sor.u32 s3, s0;
	s1 =	sshll.u32 s1, $0x11  }
0xbc: {  	s0 =	sor.u32 s1, s0  }
0xbd: {  	s0 =	sadd.s32 $0x8F2B, s0  }
0xbe: {  	[sflag:s0] =	ssyncadd.remote.s32 $0x1  }
0xbf: {  	_ =	sfence.sel $0xFFFF  }
0xc0: {  	[dreg:$0x0] =	wrdreg $0xFFFFFFFF;
	(pc) =	sbr.abs _section_cstart, $3  }
0xc1: {  	[dreg:$0x1] =	wrdreg $0xFFFFFFFF  }
0xc2: {  	_ =	task.clear_ibuf [dreg:s7], $0x2FFFF;
	_ =	strace $0x9FFFFFFF  }
0xc3: {  	(tm) =	ssettm $0x7FFFFFFF  }
tec
execute0_lowered:
.L_overlay_start_1:
0x0: {  	(tag) =	ssettag $0x1  }
0x1: {  	s8 =	rddreg [dreg:$0x0]  }
0x2: {  	s2 =	rddreg [dreg:$0x1]  }
0x3: {  	s3 =	rddreg [dreg:$0x2]  }
0x4: {  	s0 =	rddreg [dreg:$0x3];
	s5 =	srdreg.scid  }
0x5: {  	s1 =	stileid.u32;
	s4 =	simm.s32 $0x0;
	s16 =	simm.s32 $0x6400  }
0x6: {  	s17 =	simm.s32 $0x80;
	s18 =	simm.s32 $0x0;
	s7 =	smul.u32 $0xC800, s1  }
0x7: {  	s6 =	sand.u32 $0x1, s5;
	[smem:$0x7FF] =	sst s4;
	s11 =	smul.u32 $0x19000, s1  }
0x8: {  	s5 =	sadd.s32 $0x1F800, s8;
	s26 =	smul.u32 $0x620000, s1;
	s28 =	sshll.u32 s1, $0x1  }
0x9: {  	s29 =	sshll.u32 s1, $0x6;
	s15 =	sadd.s32 $0x342FE04, s8;
	s9 =	smul.u32 $0xC8000, s6  }
0xa: {  	_ =	strace $0x8000004A;
	s10 =	ssub.s32 $0x2, s6;
	s13 =	smul.u32 $0x310000, s6  }
0xb: {  	s25 =	sshrl.u32 s10, $0x1;
	s11 =	sshrl.u32 s11, $0x2;
	s7 =	sadd.s32 s7, s9  }
0xc: {  	s10 =	ssub.s32 s10, s25;
	s9 =	sor.u32 s6, s28;
	s14 =	sadd.s32 s11, s3  }
0xd: {  	s6 =	sor.u32 $0x1C02, s29;
	s13 =	sadd.s32 s13, s26;
	s30 =	smul.u32 $0x62000, s9  }
0xe: {  	s12 =	sadd.s32 s7, s8;
	s7 =	smul.u32 $0xC4, s9;
	s13 =	sor.u32 $0x4000, s13  }
0xf: {  	s10 =	smax.u32 s10, $0x1;
	s9 =	sadd.s32 $0x2C000, s12;
	s31 =	sshrl.u32 s13, $0x3  }
0x10: {  	s12 =	sshrl.u32 s14, $0x3;
	s13 =	simm.s32 $0x1;
	s14 =	simm.s32 $0x10  }
0x11: {  	s8 =	sadd.s32 s30, s15;
	s11 =	sadd.s32 s31, s15;
	s15 =	simm.s32 $0x2  }
.LBB2_1:
0x12: {  	[spmem:s12@s13], [sflag:s6] =	dma.strided [hbm:s5@s14], $0xC80, s13, $0x1   }
0x13: {  	_ =	swait.ge [sflag:s15], $0xC80  }
0x14: {  	[sflag:s15] =	ssyncset.done $0x0  }
0x15: {  	s19 =	simm.s32 $0x0;
	[sflag:s15] =	ssyncadd.s32 $0xFFFFF380  }
0x16: {  	s20 =	smov.u32 s11;
	s21 =	simm.s32 $0x0;
	[bflag:$0x0] =	sbarrier.arrive $0xFFFF  }
.LBB2_2:
0x17: {  	s22 =	smul.u32 $0x31, s21;
	_ =	sdelay $0x1  }
0x18: {  	s22 =	sadd.s32 s7, s22  }
0x19: {  	s22 =	sshll.u32 s22, $0x4  }
0x1a: {  	s22 =	sadd.s32 s2, s22  }
0x1b: {  	[tilespmem:s16], [sflag:$0x2] =	stream.linear.gather [hbm4b:s22+s4], $0x1880, $0x38;
	[tilespmem:$0x8480] =	vst v63  }
0x1c: {  	p0 =	sne.s32 s21, $0x0;
	_ =	swait.ge [sflag:s15], $0x1880  }
0x1d: {  	s29 =	sadd.s32 $0x0, s19;
	s23 =	simm.s32 @!p0 $0x80;
	[sflag:s15] =	ssyncset.done $0x0  }
0x1e: {  	s24 =	simm.s32 @!p0 $0x7C80;
	s22 =	simm.s32 @!p0 $0x8;
	[sflag:s15] =	ssyncadd.s32 $0xFFFFE780  }
0x1f: {  	[tilespmem:s24], [sflag:$0x1] =	stream.strided.gather @!p0 [hbm4b:s8+s22], $0x400, s23, s22, $0x38;
	[tilespmem:$0x8480] =	vst v63  }
0x20: {  	s23 =	sand.u32 $0x1, s29;
	p0 =	sgt.u32 s29, $0xC2  }
0x21: {  	s22 =	sshll.u32 @!p0 s23, $0xA  }
0x22: {  	s24 =	simm.s32 @!p0 $0x8;
	s25 =	simm.s32 @!p0 $0x80;
	s22 =	ssub.s32 @!p0 $0x8080, s22  }
0x23: {  	[tilespmem:s22], [sflag:$0x1] =	stream.strided.gather @!p0 [hbm4b:s20+s24], $0x400, s25, s24, $0x38;
	[tilespmem:$0x8480] =	vst v63  }
0x24: {  	s30 =	simm.s32 $0x6400;
	_ =	swait.ge [sflag:s13], $0x400  }
0x25: {  	s26 =	sadd.s32 $0x1, s19;
	s23 =	sshll.u32 s23, $0xA;
	[sflag:s13] =	ssyncset.done $0x0  }
0x26: {  	s31 =	sadd.s32 $0x7C80, s23;
	s23 =	sadd.s32 $0x800, s20;
	[sflag:s13] =	ssyncadd.s32 $0xFFFFFC00  }
0x27: {  	[spmem:s3] =	stream.indirect.scatter.add.f32 [tilespmem:s31], [sflag:$0x2], $0x8, s30, s17, $0xb8;
	[tilespmem:$0x8480] =	vst v63  }
0x28: {  	s24 =	simm.s32 $0x2;
	s22 =	simm.s32 $0x6480;
	_ =	swait.ge [sflag:s15], $0x400  }
0x29: {  	s25 =	sand.u32 $0x1, s26;
	p0 =	sgt.u32 s26, $0xC2;
	[sflag:s15] =	ssyncset.done $0x0  }
.LBB2_3:
0x2a: {  	s26 =	sshll.u32 @!p0 s25, $0xA  }
0x2b: {  	[sflag:s15] =	ssyncadd.s32 $0xFFFFFC00;
	s28 =	smov.u32 s24;
	s24 =	sadd.s32 $0x1, s24  }
0x2c: {  	s29 =	simm.s32 @!p0 $0x8;
	s30 =	simm.s32 @!p0 $0x80;
	s26 =	ssub.s32 @!p0 $0x8080, s26  }
0x2d: {  	[tilespmem:s26], [sflag:$0x1] =	stream.strided.gather @!p0 [hbm4b:s23+s29], $0x400, s30, s29, $0x38;
	[tilespmem:$0x8480] =	vst v63  }
0x2e: {  	p1 =	sne.s32 s24, $0x31;
	_ =	swait.ge [sflag:s13], $0x400  }
.Ltmp0:
0x2f: {  	s25 =	sshll.u32 s25, $0xA;
	[sflag:s13] =	ssyncset.done $0x0;
	(pc) =	sbr.rel @p1 .LBB2_3-.Ltmp0, $4  }
0x30: {  	s25 =	sadd.s32 $0x7C80, s25;
	s23 =	sadd.s32 $0x800, s23;
	[sflag:s13] =	ssyncadd.s32 $0xFFFFFC00  }
0x31: {  	[spmem:s3] =	stream.indirect.scatter.add.f32 [tilespmem:s25], [sflag:$0x2], $0x8, s22, s17, $0xb8;
	[tilespmem:$0x8480] =	vst v63  }
0x32: {  	s26 =	sadd.s32 s28, s19;
	s22 =	sadd.s32 $0x80, s22;
	_ =	swait.ge [sflag:s15], $0x400  }
0x33: {  	p0 =	sgt.u32 s26, $0xC2;
	s25 =	sand.u32 $0x1, s26;
	[sflag:s15] =	ssyncset.done $0x0  }
0x34: {  	s24 =	sshll.u32 @!p0 s25, $0xA;
	[sflag:s15] =	ssyncadd.s32 $0xFFFFFC00  }
0x35: {  	s26 =	simm.s32 @!p0 $0x8;
	s28 =	simm.s32 @!p0 $0x80;
	s24 =	ssub.s32 @!p0 $0x8080, s24  }
0x36: {  	[tilespmem:s24], [sflag:$0x1] =	stream.strided.gather @!p0 [hbm4b:s23+s26], $0x400, s28, s26, $0x38;
	[tilespmem:$0x8480] =	vst v63  }
0x37: {  	s21 =	sadd.s32 $0x1, s21;
	_ =	swait.ge [sflag:s13], $0x400  }
0x38: {  	s31 =	sshll.u32 s25, $0xA;
	p0 =	sne.s32 s21, $0x4;
	[sflag:s13] =	ssyncset.done $0x0  }
.Ltmp1:
0x39: {  	s23 =	sadd.s32 $0x7C80, s31;
	[sflag:s13] =	ssyncadd.s32 $0xFFFFFC00;
	(pc) =	sbr.rel @p0 .LBB2_2-.Ltmp1, $4  }
0x3a: {  	[spmem:s3] =	stream.indirect.scatter.add.f32 [tilespmem:s23], [sflag:$0x2], $0x8, s22, s17, $0xb8;
	[tilespmem:$0x8480] =	vst v63  }
0x3b: {  	_ =	swait.ge [sflag:s15], $0x400  }
0x3c: {  	[sflag:s15] =	ssyncset.done $0x0  }
0x3d: {  	s20 =	sadd.s32 $0x18800, s20;
	s19 =	sadd.s32 $0x31, s19;
	[sflag:s15] =	ssyncadd.s32 $0xFFFFFC00  }
0x3e: {  	s18 =	sadd.s32 $0x1, s18  }
0x3f: {  	p0 =	sne.s32 s18, s10  }
.Ltmp2:
0x40: {  	[bflag:$0x0] =	sbarrier.arrive $0xFFFF;
	(pc) =	sbr.rel @p0 .LBB2_1-.Ltmp2, $4  }
0x41: {  	[hbm:s9@s14], [sflag:s6] =	dma.strided [spmem:s12@s13], $0xC80, s13, $0x1   }
0x42: {  	_ =	swait.ge [sflag:s15], $0xC80  }
0x43: {  	[sflag:s15] =	ssyncset.done $0x0  }
0x44: {  	[sflag:s15] =	ssyncadd.s32 $0xFFFFF380  }
0x45: {  	_ =	sfence.sel $0x180000  }
0x46: {  	[bflag:$0x0] =	sbarrier.arrive $0xFFFF  }
0x47: {  	p0 =	sne.s32 s1, $0x0;
	_ =	strace $0x9000004A  }
0x48: {  	s0 =	sadd.s32 @!p0 $0x100000, s0;
	[bflag:$0x2] =	sbarrier.arrive $0xFFFF  }
0x49: {  	[sflag:s0] =	ssyncadd.tile.s32 @!p0 $0x1;
	_ =	shalt  }
.Lfunc_end2:
_tile_overlayer_lowered:
.L_overlay_start_2:
0x4a: {  	(tag) =	ssettag $0x2  }
0x4b: {  	s0 =	rddreg [dreg:$0x0];
	s2 =	stileid.u32  }
0x4c: {  	s1 =	rddreg [dreg:$0x1];
	p0 =	sne.s32 s2, $0x0  }
0x4d: {  	s3 =	rddreg [dreg:$0x2];
	[bflag:$0x3] =	sbarrier.arrive $0xFFFF;
	s2 =	simm.s32 @!p0 $0x1C02  }
0x4e: {  	[timem:s3], [sflag:s2] =	dma.local @!p0 [hbm:s0], s1  }
0x4f: {  	s0 =	simm.s32 @!p0 $0x2  }
0x50: {  	_ =	swait.ge @!p0 [sflag:s0], s1  }
0x51: {  	s1 =	ssub.s32 @!p0 $0x0, s1;
	[sflag:s0] =	ssyncset.done @!p0 $0x0  }
0x52: {  	[sflag:s0] =	ssyncadd.s32 @!p0 s1  }
0x53: {  	[bflag:$0x3] =	sbarrier.arrive $0xFFFF  }
0x54: {  	_ =	shalt  }

// kernel: kernel.21.cloned.1.call-start
scs
__scs_entry_jumppad:
0x0: {  	(pc) =	sbr.rel $0x88, $3  }
0x1: {  	(tag) =	ssettag $0x0;
	lr =	simm.s32 $0x1  }
0x2: {  	[smem:$0x3F7F] =	sst lr;
	_ =	strace $0xD0000000  }
0x3: {  	_ = 	snop  }
0x4: {  	_ = 	snop  }
0x5: {  	_ = 	snop  }
0x6: {  	_ = 	snop  }
0x7: {  	_ = 	snop  }
__scs_overlays_trampoline_lowered:
0x8: {  	[smem:$0x3F8E] =	sst s0  }
0x9: {  	[smem:$0x3F8F] =	sst s1  }
0xa: {  	[smem:$0x3F90] =	sst s2  }
0xb: {  	[smem:$0x3F91] =	sst s3  }
0xc: {  	[smem:$0x3F92] =	sst s4  }
0xd: {  	[smem:$0x3F93] =	sst s5  }
0xe: {  	[smem:$0x3F94] =	sst s6  }
0xf: {  	[smem:$0x3F95] =	sst s7  }
0x10: {  	[smem:$0x3F96] =	sst s8  }
0x11: {  	[smem:$0x3F97] =	sst s9;
	s0 =	simm.s32 @!p0 $0x0  }
0x12: {  	s1 =	sld [smem:$0x3F7D];
	s0 =	simm.s32 @p0 $0x1  }
0x13: {  	[smem:$0x3F98] =	sst s0;
	s0 =	simm.s32 @!p1 $0x0  }
0x14: {  	s2 =	sld [smem:$0x3F7C];
	s0 =	simm.s32 @p1 $0x1  }
0x15: {  	[smem:$0x3F99] =	sst s0;
	s0 =	simm.s32 @!p2 $0x0  }
0x16: {  	s3 =	sld [smem:$0x3FDB];
	s0 =	simm.s32 @p2 $0x1  }
0x17: {  	s4 =	simm.s32 $0x1BF5;
	[smem:$0x3F9B] =	sst s0  }
0x18: {  	s0 =	sld [smem:$0x3F7E];
	_ =	swait.ge [sflag:s4], $0x0  }
0x19: {  	s7 =	sld [smem:$0x3F7F]  }
0x1a: {  	s8 =	sadd.s32 $0xFFFFE003, lr  }
0x1b: {  	s9 =	sadd.s32 $0xFFFFFEF7, lr;
	s5 =	simm.s32 $0xFFFFFFFF;
	p2 =	slt.u32 s8, $0xFFFFF086  }
0x1c: {  	p1 =	slt.u32 s9, $0xF7A;
	s5 =	simm.s32 @!p2 $0x0  }
0x1d: {  	s5 =	simm.s32 @p1 $0x1;
	p0 =	seq.s32 s7, s2  }
0x1e: {  	s7 =	smul.u32 @!p0 $0xF7A, s2;
	p2 =	seq.s32 @!p0 s5, $0x0  }
0x1f: {  	s9 =	smul.u32 $0xF7A, s1;
	s8 =	simm.s32 @!p0 $0x1BF5;
	p2 =	por !p2, p0  }
0x20: {  	[sflag:s8] =	ssyncset.s32 @!p0 $0xFFFFF086;
	s6 =	sadd.s32 @!p0 s3, s7;
	s7 =	simm.s32 @!p0 $0x108  }
0x21: {  	s3 =	sadd.s32 s3, s9;
	s6 =	sadd.s32 @!p0 $0x88, s6;
	s7 =	simm.s32 @p2 $0x1082  }
0x22: {  	[simem:s7], [sflag:s8] =	dma.local @!p0 [hbm:s6], $0xF7A  }
0x23: {  	s9 =	sor.u32 $0xD0000000, s2;
	s6 =	simm.s32 $0x108;
	_ =	swait.ge @!p0 [sflag:s8], $0x0  }
0x24: {  	s3 =	sadd.s32 $0x88, s3;
	s6 =	simm.s32 @!p1 $0x1082;
	[sflag:s4] =	ssyncset.s32 $0xFFFFF086  }
0x25: {  	[simem:s6], [sflag:s4] =	dma.local [hbm:s3], $0xF7A  }
0x26: {  	[smem:$0x3F7F] =	sst s1;
	(tag) =	ssettag s2;
	_ =	strace s9  }
0x27: {  	s1 =	sld [smem:$0x3F8F]  }
0x28: {  	s2 =	sld [smem:$0x3F90]  }
0x29: {  	s4 =	sld [smem:$0x3F92]  }
0x2a: {  	p0 =	seq.s32 s5, $0x0;
	s5 =	sld [smem:$0x3F93]  }
0x2b: {  	s6 =	sld [smem:$0x3F94]  }
0x2c: {  	s7 =	sld [smem:$0x3F95]  }
0x2d: {  	s3 =	simm.s32 $0x108;
	s8 =	sld [smem:$0x3F96]  }
0x2e: {  	s3 =	simm.s32 @!p0 $0x1082;
	s9 =	sld [smem:$0x3F97]  }
0x2f: {  	lr =	sadd.s32 s0, s3;
	s0 =	sld [smem:$0x3F8E]  }
0x30: {  	s3 =	sld [smem:$0x3F91]  }
0x31: {  	[smem:$0x3F9A] =	sst s10  }
0x32: {  	s10 =	sld [smem:$0x3F98];
	_ =	sdelay $0x3  }
0x33: {  	p0 =	seq.s32 s10, $0x1;
	s10 =	sld [smem:$0x3F9A];
	_ =	sdelay $0x3  }
0x34: {  	[smem:$0x3F9A] =	sst s10  }
0x35: {  	s10 =	sld [smem:$0x3F99];
	_ =	sdelay $0x3  }
0x36: {  	p1 =	seq.s32 s10, $0x1;
	s10 =	sld [smem:$0x3F9A];
	_ =	sdelay $0x3  }
0x37: {  	[smem:$0x3F9A] =	sst s10  }
0x38: {  	s10 =	sld [smem:$0x3F9B]  }
0x39: {  	_ = 	snop;
	(pc) =	sbr.ind lr, $3  }
0x3a: {  	_ = 	snop  }
0x3b: {  	_ = 	snop  }
0x3c: {  	p2 =	seq.s32 s10, $0x1;
	s10 =	sld [smem:$0x3F9A]  }
0x3d: {  	_ =	shalt  }
0x3e: {  	_ =	shalt  }
0x3f: {  	_ =	shalt  }
0x40: {  	_ =	shalt  }
0x41: {  	_ =	shalt  }
0x42: {  	_ =	shalt  }
0x43: {  	_ =	shalt  }
0x44: {  	_ =	shalt  }
0x45: {  	_ =	shalt  }
0x46: {  	_ =	shalt  }
0x47: {  	_ =	shalt  }
0x48: {  	_ =	shalt  }
0x49: {  	_ =	shalt  }
0x4a: {  	_ =	shalt  }
0x4b: {  	_ =	shalt  }
0x4c: {  	_ =	shalt  }
0x4d: {  	_ =	shalt  }
0x4e: {  	_ =	shalt  }
0x4f: {  	_ =	shalt  }
0x50: {  	_ =	shalt  }
0x51: {  	_ =	shalt  }
0x52: {  	_ =	shalt  }
0x53: {  	_ =	shalt  }
0x54: {  	_ =	shalt  }
0x55: {  	_ =	shalt  }
0x56: {  	_ =	shalt  }
0x57: {  	_ =	shalt  }
0x58: {  	_ =	shalt  }
0x59: {  	_ =	shalt  }
0x5a: {  	_ =	shalt  }
0x5b: {  	_ =	shalt  }
0x5c: {  	_ =	shalt  }
0x5d: {  	_ =	shalt  }
0x5e: {  	_ =	shalt  }
0x5f: {  	_ =	shalt  }
0x60: {  	_ =	shalt  }
0x61: {  	_ =	shalt  }
0x62: {  	_ =	shalt  }
0x63: {  	_ =	shalt  }
0x64: {  	_ =	shalt  }
0x65: {  	_ =	shalt  }
0x66: {  	_ =	shalt  }
0x67: {  	_ =	shalt  }
0x68: {  	_ =	shalt  }
0x69: {  	_ =	shalt  }
0x6a: {  	_ =	shalt  }
0x6b: {  	_ =	shalt  }
0x6c: {  	_ =	shalt  }
0x6d: {  	_ =	shalt  }
0x6e: {  	_ =	shalt  }
0x6f: {  	_ =	shalt  }
0x70: {  	_ =	shalt  }
0x71: {  	_ =	shalt  }
0x72: {  	_ =	shalt  }
0x73: {  	_ =	shalt  }
0x74: {  	_ =	shalt  }
0x75: {  	_ =	shalt  }
0x76: {  	_ =	shalt  }
0x77: {  	_ =	shalt  }
0x78: {  	_ =	shalt  }
0x79: {  	_ =	shalt  }
0x7a: {  	_ =	shalt  }
0x7b: {  	_ =	shalt  }
0x7c: {  	_ =	shalt  }
0x7d: {  	_ =	shalt  }
0x7e: {  	_ =	shalt  }
0x7f: {  	_ =	shalt  }
0x80: {  	_ =	shalt  }
0x81: {  	_ =	shalt  }
0x82: {  	_ =	shalt  }
0x83: {  	_ =	shalt  }
0x84: {  	_ =	shalt  }
0x85: {  	_ =	shalt  }
0x86: {  	_ =	shalt  }
0x87: {  	_ =	shalt  }
.Lfunc_end0:
.L_simem_size_0:
called_computation.3_lowered:
.L_overlay_start_0:
0x88: {  	s2 =	sld [smem:$0x3FD9]  }
0x89: {  	s3 =	sld [smem:$0x3FFE];
	_ =	sdelay $0x1  }
0x8a: {  	s1 =	srdreg.scid  }
0x8b: {  	s0 =	sand.u32 $0x1, s1  }
0x8c: {  	s17 =	sshll.u32 s0, $0xA;
	s2 =	sadd.s32 s3, s2  }
0x8d: {  	s2 =	sadd.s32 s2, s17  }
0x8e: {  	[smem:$0x3FA6] =	sst s2  }
0x8f: {  	_ = 	snop  }
0x90: {  	s2 =	sld [smem:$0x3FD0];
	(tm) =	ssettm $0x1  }
0x91: {  	s18 =	sld [smem:$0x3FFB];
	_ =	sdelay $0x3  }
0x92: {  	_ =	strace s18  }
0x93: {  	s3 =	sld [smem:$0x3FFC];
	_ =	sdelay $0x3  }
0x94: {  	_ =	strace s3  }
0x95: {  	s3 =	sld [smem:$0x3FFD];
	_ =	sdelay $0x3  }
0x96: {  	_ =	strace s3  }
0x97: {  	_ =	strace $0x8FFFFFFF  }
0x98: {  	s19 =	sld [smem:$0x3FDB];
	_ =	sdelay $0x1  }
0x99: {  	s4 =	simm.s32 $_scs_section_size  }
0x9a: {  	s5 =	simm.s32 $_size__tile_overlayer_lowered;
	s6 =	simm.s32 $_tile_overlayer_lowered  }
0x9b: {  	s22 =	simm.s32 $0x1BFF;
	s21 =	sshll.u32 s6, $0x1;
	s3 =	sadd.s32 s4, s19  }
0x9c: {  	s7 =	simm.s32 $0x0;
	s20 =	sshll.u32 s5, $0x1;
	s5 =	sadd.s32 s21, s3  }
0x9d: {  	[timem:s7], [sflag:s22] =	dma.local [hbm:s5], s20  }
0x9e: {  	_ =	swait.ge [sflag:s22], s20  }
0x9f: {  	s4 =	ssub.s32 $0x0, s20;
	[sflag:s22] =	ssyncset.done $0x0  }
0xa0: {  	[sflag:s22] =	ssyncadd.s32 s4;
	_ =	sdelay $0x1  }
0xa1: {  	s23 =	simm.s32 $0x1B8B  }
0xa2: {  	_ =	swait.ge [sflag:s23], $0x1  }
0xa3: {  	[sflag:s23] =	ssyncset.done $0x0  }
0xa4: {  	s25 =	simm.s32 $0x1B8E;
	s24 =	sld [smem:$0x3FFE];
	[sflag:s23] =	ssyncadd.s32 $0xFFFFFFFF  }
0xa5: {  	s26 =	simm.s32 $execute0_lowered;
	[smem:$0x3FD2] =	sst s25  }
0xa6: {  	s5 =	sshll.u32 s26, $0x1;
	_ =	strace $0x8000004F;
	[dreg:$0x1] =	wrdreg $0xFFFFFFFF  }
0xa7: {  	s28 =	simm.s32 $_size_execute0_lowered;
	s3 =	sadd.s32 s3, s5;
	[dreg:$0x0] =	wrdreg $0x0  }
0xa8: {  	s5 =	sshll.u32 s28, $0x1;
	[dreg:$0x2] =	wrdreg s3  }
0xa9: {  	[dreg:$0x3] =	wrdreg s5  }
0xaa: {  	[dreg:$0x4] =	wrdreg $0xC0  }
0xab: {  	_ =	task [dreg:s7], $0x5FFFF  }
0xac: {  	[dreg:$0x1] =	wrdreg $0xFFFFFFFF  }
0xad: {  	[dreg:$0x0] =	wrdreg $0x60  }
0xae: {  	[dreg:$0x2] =	wrdreg s24  }
0xaf: {  	[dreg:$0x3] =	wrdreg s2  }
0xb0: {  	[dreg:$0x4] =	wrdreg $0x9  }
0xb1: {  	_ =	task.clear_ibuf [dreg:s7], $0x5FFFF;
	_ =	strace $0x9000004F  }
0xb2: {  	s29 =	simm.s32 $0x9;
	_ =	strace $0x80000051  }
0xb3: {  	_ =	swait.ge [sflag:s29], $0x1  }
0xb4: {  	[sflag:s29] =	ssyncadd.s32 $0xFFFFFFFF  }
0xb5: {  	_ =	strace $0x90000051  }
0xb6: {  	_ =	sfence  }
0xb7: {  	s30 =	sld [smem:$0x0];
	_ =	sdelay $0x2  }
0xb8: {  	s31 =	sshll.u32 s1, $0xD;
	s1 =	sshrl.u32 s1, $0x2  }
0xb9: {  	s3 =	sand.u32 $0x4000, s31;
	s1 =	sadd.s32 s1, s30  }
0xba: {  	s0 =	sor.u32 s3, s0;
	s1 =	sshll.u32 s1, $0x11  }
0xbb: {  	s0 =	sor.u32 s1, s0  }
0xbc: {  	s0 =	sadd.s32 $0x8F2B, s0  }
0xbd: {  	[sflag:s0] =	ssyncadd.remote.s32 $0x1  }
0xbe: {  	_ =	sfence.sel $0xFFFF  }
0xbf: {  	[dreg:$0x0] =	wrdreg $0xFFFFFFFF;
	(pc) =	sbr.abs _section_cstart, $3  }
0xc0: {  	[dreg:$0x1] =	wrdreg $0xFFFFFFFF  }
0xc1: {  	_ =	task.clear_ibuf [dreg:s7], $0x2FFFF;
	_ =	strace $0x9FFFFFFF  }
0xc2: {  	(tm) =	ssettm $0x7FFFFFFF  }
0xc3: {  	_ =	shalt  }
tec
execute0_lowered:
.L_overlay_start_1:
0x0: {  	(tag) =	ssettag $0x1  }
0x1: {  	s6 =	rddreg [dreg:$0x0]  }
0x2: {  	s2 =	rddreg [dreg:$0x1]  }
0x3: {  	s4 =	srdreg.scid;
	s0 =	stileid.u32  }
0x4: {  	s3 =	simm.s32 $0x0;
	s12 =	simm.s32 $0x80;
	s13 =	simm.s32 $0x1  }
0x5: {  	s14 =	simm.s32 $0x30;
	s15 =	simm.s32 $0x2;
	s7 =	sand.u32 $0x1, s4  }
0x6: {  	s8 =	smul.u32 $0x620000, s0;
	[smem:$0x7FF] =	sst s3;
	s4 =	sadd.s32 $0x2C000, s6  }
0x7: {  	s5 =	sadd.s32 $0x7000, s6;
	s10 =	sshll.u32 s0, $0x1;
	s9 =	smul.u32 $0x310000, s7  }
0x8: {  	_ =	strace $0x80000050;
	s28 =	ssub.s32 $0x2, s7;
	s7 =	sor.u32 s7, s10  }
0x9: {  	s10 =	simm.s32 $0x3;
	s11 =	sshrl.u32 s28, $0x1;
	s8 =	sadd.s32 s9, s8  }
0xa: {  	s30 =	ssub.s32 s28, s11;
	s11 =	simm.s32 $0xE00;
	s8 =	sshrl.u32 s8, $0x3  }
0xb: {  	s31 =	smax.u32 s30, $0x1;
	s29 =	sadd.s32 s8, s6;
	s6 =	smul.u32 $0xC4, s7  }
0xc: {  	[dreg:$0x3] =	wrdreg s31;
	s8 =	sadd.s32 $0x11D2E00, s29;
	s9 =	sadd.s32 $0x592E00, s29  }
.LBB2_1:
0xd: {  	s16 =	simm.s32 $0x0;
	s17 =	simm.s32 $0x0  }
0xe: {  	s18 =	smov.u32 s9;
	s19 =	smov.u32 s8;
	s20 =	simm.s32 $0x0  }
.LBB2_2:
0xf: {  	s21 =	smul.u32 $0x1C, s20;
	_ =	sdelay $0x1  }
0x10: {  	s21 =	sadd.s32 s6, s21  }
0x11: {  	s21 =	sshll.u32 s21, $0x4  }
0x12: {  	s23 =	simm.s32 $0x0;
	s22 =	sadd.s32 s2, s21  }
0x13: {  	[tilespmem:s23], [sflag:$0x3] =	stream.linear.gather [hbm4b:s22+s23], $0xE00, $0x38;
	[tilespmem:$0x19C00] =	vst v63  }
0x14: {  	_ =	swait.ge [sflag:s10], $0xE00  }
0x15: {  	[sflag:s10] =	ssyncset.done $0x0  }
0x16: {  	s21 =	sadd.s32 s5, s21;
	[sflag:s10] =	ssyncadd.s32 $0xFFFFF200  }
0x17: {  	[tilespmem:s11], [sflag:$0x3] =	stream.linear.gather [hbm4b:s21+s23], $0xE00, $0x38;
	[tilespmem:$0x19C00] =	vst v63  }
0x18: {  	_ =	swait.ge [sflag:s10], $0xE00  }
0x19: {  	p0 =	seq.s32 s16, $0x0;
	[sflag:s10] =	ssyncset.done $0x0  }
0x1a: {  	s21 =	simm.s32 @!p0 $0x2;
	[sflag:s10] =	ssyncadd.s32 $0xFFFFF200  }
0x1b: {  	_ =	swait.ge @!p0 [sflag:s21], $0x6000  }
0x1c: {  	[sflag:s21] =	ssyncset.done @!p0 $0x0  }
0x1d: {  	s26 =	sand.u32 $0x1, s17;
	[sflag:s21] =	ssyncadd.s32 @!p0 $0xFFFFA000  }
0x1e: {  	p1 =	seq.s32 s26, $0x1;
	s22 =	simm.s32 $0x6000;
	_ =	swait.ge @!p0 [sflag:s21], $0x6000  }
0x1f: {  	s22 =	simm.s32 @!p1 $0x0;
	[sflag:s21] =	ssyncset.done @!p0 $0x0  }
0x20: {  	s29 =	simm.s32 $0x0;
	[sflag:s21] =	ssyncadd.s32 @!p0 $0xFFFFA000;
	s21 =	sor.u32 $0x1C00, s22  }
0x21: {  	[tilespmem:s21], [sflag:$0x1] =	stream.indirect.gather [hbm4b:s4+s12], $0x30, s29, s12, $0xb8;
	[tilespmem:$0x19C00] =	vst v63  }
0x22: {  	s24 =	simm.s32 $0xE00;
	s23 =	sadd.s32 $0xDC00, s22  }
0x23: {  	[tilespmem:s23], [sflag:$0x1] =	stream.indirect.gather [hbm4b:s4+s12], $0x30, s24, s12, $0xb8;
	[tilespmem:$0x19C00] =	vst v63  }
0x24: {  	s25 =	simm.s32 $0x80;
	s30 =	sadd.s32 $0x3400, s22  }
0x25: {  	[tilespmem:s30], [sflag:$0x1] =	stream.indirect.gather [hbm4b:s4+s12], $0x30, s25, s12, $0xb8;
	[tilespmem:$0x19C00] =	vst v63  }
0x26: {  	s0 =	simm.s32 $0xE80;
	s31 =	sadd.s32 $0xF400, s22  }
0x27: {  	[tilespmem:s31], [sflag:$0x1] =	stream.indirect.gather [hbm4b:s4+s12], $0x30, s0, s12, $0xb8;
	[tilespmem:$0x19C00] =	vst v63  }
0x28: {  	s7 =	simm.s32 $0x100;
	s1 =	sadd.s32 $0x4C00, s22  }
0x29: {  	[tilespmem:s1], [sflag:$0x1] =	stream.indirect.gather [hbm4b:s4+s12], $0x30, s7, s12, $0xb8;
	[tilespmem:$0x19C00] =	vst v63  }
0x2a: {  	s26 =	simm.s32 $0xF00;
	s25 =	sor.u32 $0x10C00, s22  }
0x2b: {  	[tilespmem:s25], [sflag:$0x1] =	stream.indirect.gather [hbm4b:s4+s12], $0x30, s26, s12, $0xb8;
	[tilespmem:$0x19C00] =	vst v63  }
0x2c: {  	s29 =	sadd.s32 $0x6400, s22;
	s30 =	simm.s32 $0x180  }
0x2d: {  	[tilespmem:s29], [sflag:$0x1] =	stream.indirect.gather [hbm4b:s4+s12], $0x30, s30, s12, $0xb8;
	[tilespmem:$0x19C00] =	vst v63  }
0x2e: {  	s22 =	sadd.s32 $0x12400, s22;
	s31 =	simm.s32 $0xF80  }
0x2f: {  	[tilespmem:s22], [sflag:$0x1] =	stream.indirect.gather [hbm4b:s4+s12], $0x30, s31, s12, $0xb8;
	[tilespmem:$0x19C00] =	vst v63  }
0x30: {  	_ =	swait.ge [sflag:s13], $0x1800  }
0x31: {  	[sflag:s13] =	ssyncset.done $0x0  }
0x32: {  	[sflag:s13] =	ssyncadd.s32 $0xFFFFE800  }
0x33: {  	_ =	swait.ge [sflag:s13], $0x1800  }
0x34: {  	[sflag:s13] =	ssyncset.done $0x0  }
0x35: {  	[sflag:s13] =	ssyncadd.s32 $0xFFFFE800  }
0x36: {  	_ =	swait.ge [sflag:s13], $0x1800  }
0x37: {  	[sflag:s13] =	ssyncset.done $0x0  }
0x38: {  	[sflag:s13] =	ssyncadd.s32 $0xFFFFE800  }
0x39: {  	_ =	swait.ge [sflag:s13], $0x1800  }
0x3a: {  	[sflag:s13] =	ssyncset.done $0x0  }
0x3b: {  	[sflag:s13] =	ssyncadd.s32 $0xFFFFE800  }
0x3c: {  	_ =	swait.ge [sflag:s13], $0x1800  }
0x3d: {  	[sflag:s13] =	ssyncset.done $0x0  }
0x3e: {  	[sflag:s13] =	ssyncadd.s32 $0xFFFFE800  }
0x3f: {  	_ =	swait.ge [sflag:s13], $0x1800  }
0x40: {  	[sflag:s13] =	ssyncset.done $0x0  }
0x41: {  	[sflag:s13] =	ssyncadd.s32 $0xFFFFE800  }
0x42: {  	_ =	swait.ge [sflag:s13], $0x1800  }
0x43: {  	[sflag:s13] =	ssyncset.done $0x0  }
0x44: {  	[sflag:s13] =	ssyncadd.s32 $0xFFFFE800  }
0x45: {  	_ =	swait.ge [sflag:s13], $0x1800  }
0x46: {  	s28 =	smov.u32 s19;
	p1 =	seq.s32 s16, $0x800;
	[sflag:s13] =	ssyncset.done $0x0  }
0x47: {  	s24 =	simm.s32 $0x800;
	s26 =	simm.s32 $0x1000;
	[sflag:s13] =	ssyncadd.s32 $0xFFFFE800  }
0x48: {  	[hbm4b:s18+s14] =	stream.strided.scatter [tilespmem:s21], [sflag:$0x2], $0x6000, s12, s14, $0x38;
	[tilespmem:$0x19C00] =	vst v63  }
0x49: {  	s25 =	sadd.s32 $0x1, s17;
	s22 =	sadd.s32 $0x2000, s18;
	s21 =	smov.u32 s19  }
.LBB2_3:
0x4a: {  	s30 =	simm.s32 @!p1 $0x2;
	s21 =	sadd.s32 $0x2000, s21  }
0x4b: {  	s31 =	smov.u32 s26;
	s26 =	sadd.s32 $0x800, s26;
	s29 =	smov.u32 s22  }
0x4c: {  	[hbm4b:s28+s14] =	stream.strided.scatter [tilespmem:s23], [sflag:$0x2], $0x6000, s12, s14, $0x38;
	[tilespmem:$0x19C00] =	vst v63  }
0x4d: {  	p0 =	sne.s32 s26, $0x3800;
	s28 =	smov.u32 s21;
	_ =	swait.ge @!p1 [sflag:s30], $0x6000  }
0x4e: {  	[sflag:s30] =	ssyncset.done @!p1 $0x0  }
0x4f: {  	s23 =	sand.u32 $0x1, s25;
	[sflag:s30] =	ssyncadd.s32 @!p1 $0xFFFFA000  }
0x50: {  	s0 =	simm.s32 $0x6000;
	p2 =	seq.s32 s23, $0x1;
	_ =	swait.ge @!p1 [sflag:s30], $0x6000  }
0x51: {  	s0 =	simm.s32 @!p2 $0x0;
	[sflag:s30] =	ssyncset.done @!p1 $0x0  }
0x52: {  	s1 =	sshra.s32 s24, $0x2;
	[sflag:s30] =	ssyncadd.s32 @!p1 $0xFFFFA000;
	s30 =	sor.u32 $0x1C00, s0  }
0x53: {  	[tilespmem:s30], [sflag:$0x1] =	stream.indirect.gather [hbm4b:s4+s12], $0x30, s1, s12, $0xb8;
	[tilespmem:$0x19C00] =	vst v63  }
0x54: {  	s7 =	sadd.s32 $0xE00, s1;
	s24 =	smov.u32 s31;
	s23 =	sadd.s32 $0xDC00, s0  }
0x55: {  	[tilespmem:s23], [sflag:$0x1] =	stream.indirect.gather [hbm4b:s4+s12], $0x30, s7, s12, $0xb8;
	[tilespmem:$0x19C00] =	vst v63  }
0x56: {  	s31 =	sadd.s32 $0x80, s1;
	s7 =	sadd.s32 $0x3400, s0  }
0x57: {  	[tilespmem:s7], [sflag:$0x1] =	stream.indirect.gather [hbm4b:s4+s12], $0x30, s31, s12, $0xb8;
	[tilespmem:$0x19C00] =	vst v63  }
0x58: {  	s7 =	sadd.s32 $0xF400, s0;
	s31 =	sadd.s32 $0xE80, s1  }
0x59: {  	[tilespmem:s7], [sflag:$0x1] =	stream.indirect.gather [hbm4b:s4+s12], $0x30, s31, s12, $0xb8;
	[tilespmem:$0x19C00] =	vst v63  }
0x5a: {  	s7 =	sadd.s32 $0x4C00, s0;
	s31 =	sadd.s32 $0x100, s1  }
0x5b: {  	[tilespmem:s7], [sflag:$0x1] =	stream.indirect.gather [hbm4b:s4+s12], $0x30, s31, s12, $0xb8;
	[tilespmem:$0x19C00] =	vst v63  }
0x5c: {  	s7 =	sor.u32 $0x10C00, s0;
	s31 =	sadd.s32 $0xF00, s1  }
0x5d: {  	[tilespmem:s7], [sflag:$0x1] =	stream.indirect.gather [hbm4b:s4+s12], $0x30, s31, s12, $0xb8;
	[tilespmem:$0x19C00] =	vst v63  }
0x5e: {  	s7 =	sadd.s32 $0x6400, s0;
	s31 =	sadd.s32 $0x180, s1  }
0x5f: {  	[tilespmem:s7], [sflag:$0x1] =	stream.indirect.gather [hbm4b:s4+s12], $0x30, s31, s12, $0xb8;
	[tilespmem:$0x19C00] =	vst v63  }
0x60: {  	s0 =	sadd.s32 $0x12400, s0;
	s1 =	sadd.s32 $0xF80, s1  }
0x61: {  	[tilespmem:s0], [sflag:$0x1] =	stream.indirect.gather [hbm4b:s4+s12], $0x30, s1, s12, $0xb8;
	[tilespmem:$0x19C00] =	vst v63  }
0x62: {  	_ =	swait.ge [sflag:s13], $0x1800  }
0x63: {  	[sflag:s13] =	ssyncset.done $0x0  }
0x64: {  	[sflag:s13] =	ssyncadd.s32 $0xFFFFE800  }
0x65: {  	_ =	swait.ge [sflag:s13], $0x1800  }
0x66: {  	[sflag:s13] =	ssyncset.done $0x0  }
0x67: {  	[sflag:s13] =	ssyncadd.s32 $0xFFFFE800  }
0x68: {  	_ =	swait.ge [sflag:s13], $0x1800  }
0x69: {  	[sflag:s13] =	ssyncset.done $0x0  }
0x6a: {  	[sflag:s13] =	ssyncadd.s32 $0xFFFFE800  }
0x6b: {  	_ =	swait.ge [sflag:s13], $0x1800  }
0x6c: {  	[sflag:s13] =	ssyncset.done $0x0  }
0x6d: {  	[sflag:s13] =	ssyncadd.s32 $0xFFFFE800  }
0x6e: {  	_ =	swait.ge [sflag:s13], $0x1800  }
0x6f: {  	[sflag:s13] =	ssyncset.done $0x0  }
0x70: {  	[sflag:s13] =	ssyncadd.s32 $0xFFFFE800  }
0x71: {  	_ =	swait.ge [sflag:s13], $0x1800  }
0x72: {  	[sflag:s13] =	ssyncset.done $0x0  }
0x73: {  	[sflag:s13] =	ssyncadd.s32 $0xFFFFE800  }
0x74: {  	_ =	swait.ge [sflag:s13], $0x1800  }
0x75: {  	[sflag:s13] =	ssyncset.done $0x0  }
.Ltmp0:
0x76: {  	[sflag:s13] =	ssyncadd.s32 $0xFFFFE800;
	(pc) =	sbr.rel @p0 .LBB2_3-.Ltmp0, $4  }
0x77: {  	_ =	swait.ge [sflag:s13], $0x1800  }
0x78: {  	s25 =	sadd.s32 $0x1, s25;
	[sflag:s13] =	ssyncset.done $0x0  }
0x79: {  	s22 =	sadd.s32 $0x2000, s22;
	p1 =	seq.s32 s16, s24;
	[sflag:s13] =	ssyncadd.s32 $0xFFFFE800  }
0x7a: {  	[hbm4b:s29+s14] =	stream.strided.scatter [tilespmem:s30], [sflag:$0x2], $0x6000, s12, s14, $0x38;
	[tilespmem:$0x19C00] =	vst v63  }
0x7b: {  	s0 =	simm.s32 @!p1 $0x2  }
0x7c: {  	[hbm4b:s28+s14] =	stream.strided.scatter [tilespmem:s23], [sflag:$0x2], $0x6000, s12, s14, $0x38;
	[tilespmem:$0x19C00] =	vst v63  }
0x7d: {  	_ =	swait.ge @!p1 [sflag:s0], $0x6000  }
0x7e: {  	[sflag:s0] =	ssyncset.done @!p1 $0x0  }
0x7f: {  	s1 =	sand.u32 $0x1, s25;
	[sflag:s0] =	ssyncadd.s32 @!p1 $0xFFFFA000  }
0x80: {  	p0 =	seq.s32 s1, $0x1;
	s1 =	simm.s32 $0x6000;
	_ =	swait.ge @!p1 [sflag:s0], $0x6000  }
0x81: {  	s1 =	simm.s32 @!p0 $0x0;
	[sflag:s0] =	ssyncset.done @!p1 $0x0  }
0x82: {  	s7 =	sshra.s32 s24, $0x2;
	[sflag:s0] =	ssyncadd.s32 @!p1 $0xFFFFA000;
	s0 =	sor.u32 $0x1C00, s1  }
0x83: {  	[tilespmem:s0], [sflag:$0x1] =	stream.indirect.gather [hbm4b:s4+s12], $0x30, s7, s12, $0xb8;
	[tilespmem:$0x19C00] =	vst v63  }
0x84: {  	s24 =	sadd.s32 $0xE00, s7;
	s23 =	sadd.s32 $0xDC00, s1  }
0x85: {  	[tilespmem:s23], [sflag:$0x1] =	stream.indirect.gather [hbm4b:s4+s12], $0x30, s24, s12, $0xb8;
	[tilespmem:$0x19C00] =	vst v63  }
0x86: {  	s26 =	sadd.s32 $0x80, s7;
	s25 =	sadd.s32 $0x3400, s1  }
0x87: {  	[tilespmem:s25], [sflag:$0x1] =	stream.indirect.gather [hbm4b:s4+s12], $0x30, s26, s12, $0xb8;
	[tilespmem:$0x19C00] =	vst v63  }
0x88: {  	s29 =	sadd.s32 $0xE80, s7;
	s28 =	sadd.s32 $0xF400, s1  }
0x89: {  	[tilespmem:s28], [sflag:$0x1] =	stream.indirect.gather [hbm4b:s4+s12], $0x30, s29, s12, $0xb8;
	[tilespmem:$0x19C00] =	vst v63  }
0x8a: {  	s31 =	sadd.s32 $0x100, s7;
	s30 =	sadd.s32 $0x4C00, s1  }
0x8b: {  	[tilespmem:s30], [sflag:$0x1] =	stream.indirect.gather [hbm4b:s4+s12], $0x30, s31, s12, $0xb8;
	[tilespmem:$0x19C00] =	vst v63  }
0x8c: {  	s26 =	sor.u32 $0x10C00, s1;
	s28 =	sadd.s32 $0xF00, s7  }
0x8d: {  	[tilespmem:s26], [sflag:$0x1] =	stream.indirect.gather [hbm4b:s4+s12], $0x30, s28, s12, $0xb8;
	[tilespmem:$0x19C00] =	vst v63  }
0x8e: {  	s29 =	sadd.s32 $0x6400, s1;
	s30 =	sadd.s32 $0x180, s7  }
0x8f: {  	[tilespmem:s29], [sflag:$0x1] =	stream.indirect.gather [hbm4b:s4+s12], $0x30, s30, s12, $0xb8;
	[tilespmem:$0x19C00] =	vst v63  }
0x90: {  	s1 =	sadd.s32 $0x12400, s1;
	s7 =	sadd.s32 $0xF80, s7  }
0x91: {  	[tilespmem:s1], [sflag:$0x1] =	stream.indirect.gather [hbm4b:s4+s12], $0x30, s7, s12, $0xb8;
	[tilespmem:$0x19C00] =	vst v63  }
0x92: {  	_ =	swait.ge [sflag:s13], $0x1800  }
0x93: {  	[sflag:s13] =	ssyncset.done $0x0  }
0x94: {  	[sflag:s13] =	ssyncadd.s32 $0xFFFFE800  }
0x95: {  	_ =	swait.ge [sflag:s13], $0x1800  }
0x96: {  	[sflag:s13] =	ssyncset.done $0x0  }
0x97: {  	[sflag:s13] =	ssyncadd.s32 $0xFFFFE800  }
0x98: {  	_ =	swait.ge [sflag:s13], $0x1800  }
0x99: {  	[sflag:s13] =	ssyncset.done $0x0  }
0x9a: {  	[sflag:s13] =	ssyncadd.s32 $0xFFFFE800  }
0x9b: {  	_ =	swait.ge [sflag:s13], $0x1800  }
0x9c: {  	[sflag:s13] =	ssyncset.done $0x0  }
0x9d: {  	[sflag:s13] =	ssyncadd.s32 $0xFFFFE800  }
0x9e: {  	_ =	swait.ge [sflag:s13], $0x1800  }
0x9f: {  	[sflag:s13] =	ssyncset.done $0x0  }
0xa0: {  	[sflag:s13] =	ssyncadd.s32 $0xFFFFE800  }
0xa1: {  	_ =	swait.ge [sflag:s13], $0x1800  }
0xa2: {  	[sflag:s13] =	ssyncset.done $0x0  }
0xa3: {  	[sflag:s13] =	ssyncadd.s32 $0xFFFFE800  }
0xa4: {  	_ =	swait.ge [sflag:s13], $0x1800  }
0xa5: {  	[sflag:s13] =	ssyncset.done $0x0  }
0xa6: {  	s20 =	sadd.s32 $0x1, s20;
	[sflag:s13] =	ssyncadd.s32 $0xFFFFE800  }
0xa7: {  	p0 =	sne.s32 s20, $0x7;
	_ =	swait.ge [sflag:s13], $0x1800  }
.Ltmp1:
0xa8: {  	[sflag:s13] =	ssyncset.done $0x0;
	(pc) =	sbr.rel @p0 .LBB2_2-.Ltmp1, $4  }
0xa9: {  	s19 =	sadd.s32 $0xE000, s19;
	s18 =	sadd.s32 $0xE000, s18;
	[sflag:s13] =	ssyncadd.s32 $0xFFFFE800  }
0xaa: {  	[hbm4b:s22+s14] =	stream.strided.scatter [tilespmem:s0], [sflag:$0x2], $0x6000, s12, s14, $0x38;
	[tilespmem:$0x19C00] =	vst v63  }
0xab: {  	s17 =	sadd.s32 $0x7, s17;
	s16 =	sadd.s32 $0xFFFFC800, s16;
	s31 =	sadd.s32 $0x2000, s21  }
0xac: {  	[hbm4b:s31+s14] =	stream.strided.scatter [tilespmem:s23], [sflag:$0x2], $0x6000, s12, s14, $0x38;
	[tilespmem:$0x19C00] =	vst v63  }
0xad: {  	_ =	swait.ge [sflag:s15], $0x6000  }
0xae: {  	[sflag:s15] =	ssyncset.done $0x0  }
0xaf: {  	[sflag:s15] =	ssyncadd.s32 $0xFFFFA000  }
0xb0: {  	_ =	swait.ge [sflag:s15], $0x6000  }
0xb1: {  	s3 =	sadd.s32 $0x1, s3;
	s0 =	rddreg [dreg:$0x3]  }
0xb2: {  	p0 =	sne.s32 s3, s0  }
.Ltmp2:
0xb3: {  	_ = 	snop;
	(pc) =	sbr.rel @p0 .LBB2_1-.Ltmp2, $3  }
0xb4: {  	_ =	sdelay $0x1  }
0xb5: {  	[sflag:s15] =	ssyncset.done $0x0  }
0xb6: {  	[sflag:s15] =	ssyncadd.s32 $0xFFFFA000  }
0xb7: {  	_ =	sfence.sel $0x180000  }
0xb8: {  	[bflag:$0x0] =	sbarrier.arrive $0xFFFF  }
0xb9: {  	_ =	strace $0x90000050  }
0xba: {  	s0 =	stileid.u32;
	[bflag:$0x2] =	sbarrier.arrive $0xFFFF  }
0xbb: {  	p0 =	sne.s32 s0, $0x0;
	s0 =	rddreg [dreg:$0x2]  }
0xbc: {  	s0 =	sadd.s32 @!p0 $0x100000, s0  }
0xbd: {  	[sflag:s0] =	ssyncadd.tile.s32 @!p0 $0x1;
	_ =	shalt  }
.Lfunc_end2:
_tile_overlayer_lowered:
.L_overlay_start_2:
0xbe: {  	(tag) =	ssettag $0x2  }
0xbf: {  	s0 =	rddreg [dreg:$0x0];
	s2 =	stileid.u32  }
0xc0: {  	s1 =	rddreg [dreg:$0x1];
	p0 =	sne.s32 s2, $0x0  }
0xc1: {  	s3 =	rddreg [dreg:$0x2];
	[bflag:$0x3] =	sbarrier.arrive $0xFFFF;
	s2 =	simm.s32 @!p0 $0x1C03  }
0xc2: {  	[timem:s3], [sflag:s2] =	dma.local @!p0 [hbm:s0], s1  }
0xc3: {  	s0 =	simm.s32 @!p0 $0x3  }
0xc4: {  	_ =	swait.ge @!p0 [sflag:s0], s1  }
0xc5: {  	s1 =	ssub.s32 @!p0 $0x0, s1;
	[sflag:s0] =	ssyncset.done @!p0 $0x0  }
0xc6: {  	[sflag:s0] =	ssyncadd.s32 @!p0 s1  }
0xc7: {  	[bflag:$0x3] =	sbarrier.arrive $0xFFFF  }
0xc8: {  	_ =	shalt  }

// kernel: kernel.24.cloned.1.call-start
scs
__scs_entry_jumppad:
0x0: {  	(pc) =	sbr.rel $0x88, $3  }
0x1: {  	(tag) =	ssettag $0x0;
	lr =	simm.s32 $0x1  }
0x2: {  	[smem:$0x3F7F] =	sst lr;
	_ =	strace $0xD0000000  }
0x3: {  	_ = 	snop  }
0x4: {  	_ = 	snop  }
0x5: {  	_ = 	snop  }
0x6: {  	_ = 	snop  }
0x7: {  	_ = 	snop  }
__scs_overlays_trampoline_lowered:
0x8: {  	[smem:$0x3F8E] =	sst s0  }
0x9: {  	[smem:$0x3F8F] =	sst s1  }
0xa: {  	[smem:$0x3F90] =	sst s2  }
0xb: {  	[smem:$0x3F91] =	sst s3  }
0xc: {  	[smem:$0x3F92] =	sst s4  }
0xd: {  	[smem:$0x3F93] =	sst s5  }
0xe: {  	[smem:$0x3F94] =	sst s6  }
0xf: {  	[smem:$0x3F95] =	sst s7  }
0x10: {  	[smem:$0x3F96] =	sst s8  }
0x11: {  	[smem:$0x3F97] =	sst s9;
	s0 =	simm.s32 @!p0 $0x0  }
0x12: {  	s1 =	sld [smem:$0x3F7D];
	s0 =	simm.s32 @p0 $0x1  }
0x13: {  	[smem:$0x3F98] =	sst s0;
	s0 =	simm.s32 @!p1 $0x0  }
0x14: {  	s2 =	sld [smem:$0x3F7C];
	s0 =	simm.s32 @p1 $0x1  }
0x15: {  	[smem:$0x3F99] =	sst s0;
	s0 =	simm.s32 @!p2 $0x0  }
0x16: {  	s3 =	sld [smem:$0x3FDB];
	s0 =	simm.s32 @p2 $0x1  }
0x17: {  	s4 =	simm.s32 $0x1BF5;
	[smem:$0x3F9B] =	sst s0  }
0x18: {  	s0 =	sld [smem:$0x3F7E];
	_ =	swait.ge [sflag:s4], $0x0  }
0x19: {  	s7 =	sld [smem:$0x3F7F]  }
0x1a: {  	s8 =	sadd.s32 $0xFFFFE003, lr  }
0x1b: {  	s9 =	sadd.s32 $0xFFFFFEF7, lr;
	s5 =	simm.s32 $0xFFFFFFFF;
	p2 =	slt.u32 s8, $0xFFFFF086  }
0x1c: {  	p1 =	slt.u32 s9, $0xF7A;
	s5 =	simm.s32 @!p2 $0x0  }
0x1d: {  	s5 =	simm.s32 @p1 $0x1;
	p0 =	seq.s32 s7, s2  }
0x1e: {  	s7 =	smul.u32 @!p0 $0xF7A, s2;
	p2 =	seq.s32 @!p0 s5, $0x0  }
0x1f: {  	s9 =	smul.u32 $0xF7A, s1;
	s8 =	simm.s32 @!p0 $0x1BF5;
	p2 =	por !p2, p0  }
0x20: {  	[sflag:s8] =	ssyncset.s32 @!p0 $0xFFFFF086;
	s6 =	sadd.s32 @!p0 s3, s7;
	s7 =	simm.s32 @!p0 $0x108  }
0x21: {  	s3 =	sadd.s32 s3, s9;
	s6 =	sadd.s32 @!p0 $0x88, s6;
	s7 =	simm.s32 @p2 $0x1082  }
0x22: {  	[simem:s7], [sflag:s8] =	dma.local @!p0 [hbm:s6], $0xF7A  }
0x23: {  	s9 =	sor.u32 $0xD0000000, s2;
	s6 =	simm.s32 $0x108;
	_ =	swait.ge @!p0 [sflag:s8], $0x0  }
0x24: {  	s3 =	sadd.s32 $0x88, s3;
	s6 =	simm.s32 @!p1 $0x1082;
	[sflag:s4] =	ssyncset.s32 $0xFFFFF086  }
0x25: {  	[simem:s6], [sflag:s4] =	dma.local [hbm:s3], $0xF7A  }
0x26: {  	[smem:$0x3F7F] =	sst s1;
	(tag) =	ssettag s2;
	_ =	strace s9  }
0x27: {  	s1 =	sld [smem:$0x3F8F]  }
0x28: {  	s2 =	sld [smem:$0x3F90]  }
0x29: {  	s4 =	sld [smem:$0x3F92]  }
0x2a: {  	p0 =	seq.s32 s5, $0x0;
	s5 =	sld [smem:$0x3F93]  }
0x2b: {  	s6 =	sld [smem:$0x3F94]  }
0x2c: {  	s7 =	sld [smem:$0x3F95]  }
0x2d: {  	s3 =	simm.s32 $0x108;
	s8 =	sld [smem:$0x3F96]  }
0x2e: {  	s3 =	simm.s32 @!p0 $0x1082;
	s9 =	sld [smem:$0x3F97]  }
0x2f: {  	lr =	sadd.s32 s0, s3;
	s0 =	sld [smem:$0x3F8E]  }
0x30: {  	s3 =	sld [smem:$0x3F91]  }
0x31: {  	[smem:$0x3F9A] =	sst s10  }
0x32: {  	s10 =	sld [smem:$0x3F98];
	_ =	sdelay $0x3  }
0x33: {  	p0 =	seq.s32 s10, $0x1;
	s10 =	sld [smem:$0x3F9A];
	_ =	sdelay $0x3  }
0x34: {  	[smem:$0x3F9A] =	sst s10  }
0x35: {  	s10 =	sld [smem:$0x3F99];
	_ =	sdelay $0x3  }
0x36: {  	p1 =	seq.s32 s10, $0x1;
	s10 =	sld [smem:$0x3F9A];
	_ =	sdelay $0x3  }
0x37: {  	[smem:$0x3F9A] =	sst s10  }
0x38: {  	s10 =	sld [smem:$0x3F9B]  }
0x39: {  	_ = 	snop;
	(pc) =	sbr.ind lr, $3  }
0x3a: {  	_ = 	snop  }
0x3b: {  	_ = 	snop  }
0x3c: {  	p2 =	seq.s32 s10, $0x1;
	s10 =	sld [smem:$0x3F9A]  }
0x3d: {  	_ =	shalt  }
0x3e: {  	_ =	shalt  }
0x3f: {  	_ =	shalt  }
0x40: {  	_ =	shalt  }
0x41: {  	_ =	shalt  }
0x42: {  	_ =	shalt  }
0x43: {  	_ =	shalt  }
0x44: {  	_ =	shalt  }
0x45: {  	_ =	shalt  }
0x46: {  	_ =	shalt  }
0x47: {  	_ =	shalt  }
0x48: {  	_ =	shalt  }
0x49: {  	_ =	shalt  }
0x4a: {  	_ =	shalt  }
0x4b: {  	_ =	shalt  }
0x4c: {  	_ =	shalt  }
0x4d: {  	_ =	shalt  }
0x4e: {  	_ =	shalt  }
0x4f: {  	_ =	shalt  }
0x50: {  	_ =	shalt  }
0x51: {  	_ =	shalt  }
0x52: {  	_ =	shalt  }
0x53: {  	_ =	shalt  }
0x54: {  	_ =	shalt  }
0x55: {  	_ =	shalt  }
0x56: {  	_ =	shalt  }
0x57: {  	_ =	shalt  }
0x58: {  	_ =	shalt  }
0x59: {  	_ =	shalt  }
0x5a: {  	_ =	shalt  }
0x5b: {  	_ =	shalt  }
0x5c: {  	_ =	shalt  }
0x5d: {  	_ =	shalt  }
0x5e: {  	_ =	shalt  }
0x5f: {  	_ =	shalt  }
0x60: {  	_ =	shalt  }
0x61: {  	_ =	shalt  }
0x62: {  	_ =	shalt  }
0x63: {  	_ =	shalt  }
0x64: {  	_ =	shalt  }
0x65: {  	_ =	shalt  }
0x66: {  	_ =	shalt  }
0x67: {  	_ =	shalt  }
0x68: {  	_ =	shalt  }
0x69: {  	_ =	shalt  }
0x6a: {  	_ =	shalt  }
0x6b: {  	_ =	shalt  }
0x6c: {  	_ =	shalt  }
0x6d: {  	_ =	shalt  }
0x6e: {  	_ =	shalt  }
0x6f: {  	_ =	shalt  }
0x70: {  	_ =	shalt  }
0x71: {  	_ =	shalt  }
0x72: {  	_ =	shalt  }
0x73: {  	_ =	shalt  }
0x74: {  	_ =	shalt  }
0x75: {  	_ =	shalt  }
0x76: {  	_ =	shalt  }
0x77: {  	_ =	shalt  }
0x78: {  	_ =	shalt  }
0x79: {  	_ =	shalt  }
0x7a: {  	_ =	shalt  }
0x7b: {  	_ =	shalt  }
0x7c: {  	_ =	shalt  }
0x7d: {  	_ =	shalt  }
0x7e: {  	_ =	shalt  }
0x7f: {  	_ =	shalt  }
0x80: {  	_ =	shalt  }
0x81: {  	_ =	shalt  }
0x82: {  	_ =	shalt  }
0x83: {  	_ =	shalt  }
0x84: {  	_ =	shalt  }
0x85: {  	_ =	shalt  }
0x86: {  	_ =	shalt  }
0x87: {  	_ =	shalt  }
.Lfunc_end0:
.L_simem_size_0:
called_computation.4_lowered:
.L_overlay_start_0:
0x88: {  	s2 =	sld [smem:$0x3FD9]  }
0x89: {  	s3 =	sld [smem:$0x3FFE];
	_ =	sdelay $0x1  }
0x8a: {  	s1 =	srdreg.scid  }
0x8b: {  	s0 =	sand.u32 $0x1, s1  }
0x8c: {  	s17 =	sshll.u32 s0, $0xA;
	s2 =	sadd.s32 s3, s2  }
0x8d: {  	s2 =	sadd.s32 s2, s17  }
0x8e: {  	[smem:$0x3FA6] =	sst s2  }
0x8f: {  	_ = 	snop  }
0x90: {  	s2 =	sld [smem:$0x3FD0];
	(tm) =	ssettm $0x1  }
0x91: {  	s18 =	sld [smem:$0x3FFB];
	_ =	sdelay $0x3  }
0x92: {  	_ =	strace s18  }
0x93: {  	s3 =	sld [smem:$0x3FFC];
	_ =	sdelay $0x3  }
0x94: {  	_ =	strace s3  }
0x95: {  	s3 =	sld [smem:$0x3FFD];
	_ =	sdelay $0x3  }
0x96: {  	_ =	strace s3  }
0x97: {  	_ =	strace $0x8FFFFFFF  }
0x98: {  	s19 =	sld [smem:$0x3FDB];
	_ =	sdelay $0x1  }
0x99: {  	s4 =	simm.s32 $_scs_section_size  }
0x9a: {  	s5 =	simm.s32 $_size__tile_overlayer_lowered;
	s6 =	simm.s32 $_tile_overlayer_lowered  }
0x9b: {  	s22 =	simm.s32 $0x1BFF;
	s21 =	sshll.u32 s6, $0x1;
	s3 =	sadd.s32 s4, s19  }
0x9c: {  	s7 =	simm.s32 $0x0;
	s20 =	sshll.u32 s5, $0x1;
	s5 =	sadd.s32 s21, s3  }
0x9d: {  	[timem:s7], [sflag:s22] =	dma.local [hbm:s5], s20  }
0x9e: {  	_ =	swait.ge [sflag:s22], s20  }
0x9f: {  	s4 =	ssub.s32 $0x0, s20;
	[sflag:s22] =	ssyncset.done $0x0  }
0xa0: {  	[sflag:s22] =	ssyncadd.s32 s4;
	_ =	sdelay $0x1  }
0xa1: {  	s23 =	simm.s32 $0x1B8B  }
0xa2: {  	_ =	swait.ge [sflag:s23], $0x1  }
0xa3: {  	[sflag:s23] =	ssyncset.done $0x0  }
0xa4: {  	s25 =	simm.s32 $0x1B8E;
	s24 =	sld [smem:$0x3FFE];
	[sflag:s23] =	ssyncadd.s32 $0xFFFFFFFF  }
0xa5: {  	s26 =	simm.s32 $execute0_lowered;
	[smem:$0x3FD2] =	sst s25  }
0xa6: {  	s5 =	sshll.u32 s26, $0x1;
	_ =	strace $0x80000052;
	[dreg:$0x1] =	wrdreg $0xFFFFFFFF  }
0xa7: {  	s28 =	simm.s32 $_size_execute0_lowered;
	s3 =	sadd.s32 s3, s5;
	[dreg:$0x0] =	wrdreg $0x0  }
0xa8: {  	s5 =	sshll.u32 s28, $0x1;
	[dreg:$0x2] =	wrdreg s3  }
0xa9: {  	[dreg:$0x3] =	wrdreg s5  }
0xaa: {  	[dreg:$0x4] =	wrdreg $0xC0  }
0xab: {  	_ =	task [dreg:s7], $0x5FFFF  }
0xac: {  	[dreg:$0x1] =	wrdreg $0xFFFFFFFF  }
0xad: {  	[dreg:$0x0] =	wrdreg $0x60  }
0xae: {  	[dreg:$0x2] =	wrdreg s24  }
0xaf: {  	[dreg:$0x3] =	wrdreg s2  }
0xb0: {  	[dreg:$0x4] =	wrdreg $0x0  }
0xb1: {  	[dreg:$0x5] =	wrdreg $0x9  }
0xb2: {  	_ =	task.clear_ibuf [dreg:s7], $0x6FFFF;
	_ =	strace $0x90000052  }
0xb3: {  	s29 =	simm.s32 $0x9;
	_ =	strace $0x80000054  }
0xb4: {  	_ =	swait.ge [sflag:s29], $0x1  }
0xb5: {  	[sflag:s29] =	ssyncadd.s32 $0xFFFFFFFF  }
0xb6: {  	_ =	strace $0x90000054  }
0xb7: {  	_ =	sfence  }
0xb8: {  	s30 =	sld [smem:$0x0];
	_ =	sdelay $0x2  }
0xb9: {  	s31 =	sshll.u32 s1, $0xD;
	s1 =	sshrl.u32 s1, $0x2  }
0xba: {  	s3 =	sand.u32 $0x4000, s31;
	s1 =	sadd.s32 s1, s30  }
0xbb: {  	s0 =	sor.u32 s3, s0;
	s1 =	sshll.u32 s1, $0x11  }
0xbc: {  	s0 =	sor.u32 s1, s0  }
0xbd: {  	s0 =	sadd.s32 $0x8F2B, s0  }
0xbe: {  	[sflag:s0] =	ssyncadd.remote.s32 $0x1  }
0xbf: {  	_ =	sfence.sel $0xFFFF  }
0xc0: {  	[dreg:$0x0] =	wrdreg $0xFFFFFFFF;
	(pc) =	sbr.abs _section_cstart, $3  }
0xc1: {  	[dreg:$0x1] =	wrdreg $0xFFFFFFFF  }
0xc2: {  	_ =	task.clear_ibuf [dreg:s7], $0x2FFFF;
	_ =	strace $0x9FFFFFFF  }
0xc3: {  	(tm) =	ssettm $0x7FFFFFFF  }
tec
execute0_lowered:
.L_overlay_start_1:
0x0: {  	(tag) =	ssettag $0x1  }
0x1: {  	s6 =	rddreg [dreg:$0x0]  }
0x2: {  	s2 =	rddreg [dreg:$0x1]  }
0x3: {  	s3 =	rddreg [dreg:$0x2]  }
0x4: {  	s0 =	rddreg [dreg:$0x3]  }
0x5: {  	s5 =	srdreg.scid;
	s1 =	stileid.u32  }
0x6: {  	s4 =	simm.s32 $0x0;
	s16 =	simm.s32 $0x2;
	s17 =	simm.s32 $0x19000  }
0x7: {  	s18 =	simm.s32 $0x80;
	s19 =	simm.s32 $0x0;
	s8 =	smul.u32 $0xC800, s1  }
0x8: {  	s7 =	sand.u32 $0x1, s5;
	[smem:$0x7FF] =	sst s4;
	s28 =	smul.u32 $0x64000, s1  }
0x9: {  	s11 =	sadd.s32 $0x342FE00, s6;
	s5 =	sadd.s32 $0x1F800, s6;
	s13 =	smul.u32 $0x620000, s1  }
0xa: {  	s12 =	sshll.u32 s1, $0x1;
	s30 =	sshll.u32 s1, $0x6;
	s9 =	smul.u32 $0xC8000, s7  }
0xb: {  	_ =	strace $0x80000053;
	s26 =	ssub.s32 $0x2, s7;
	s12 =	sor.u32 s7, s12  }
0xc: {  	s7 =	smul.u32 $0x310000, s7;
	s10 =	sshrl.u32 s26, $0x1;
	s29 =	sshrl.u32 s28, $0x2  }
0xd: {  	s14 =	smul.u32 $0x62000, s12;
	s8 =	sadd.s32 s8, s9;
	s10 =	ssub.s32 s26, s10  }
0xe: {  	s15 =	sadd.s32 s29, s3;
	s13 =	sadd.s32 s7, s13;
	s7 =	smul.u32 $0xC4, s12  }
0xf: {  	s9 =	sadd.s32 s8, s6;
	s6 =	sor.u32 $0x1C02, s30;
	s8 =	sadd.s32 s11, s14  }
0x10: {  	s31 =	sor.u32 $0x4000, s13;
	s10 =	smax.u32 s10, $0x1;
	s13 =	simm.s32 $0x1  }
0x11: {  	s14 =	simm.s32 $0x4;
	s9 =	sadd.s32 $0x2C000, s9;
	s12 =	sshrl.u32 s31, $0x3  }
0x12: {  	s11 =	sadd.s32 s12, s11;
	s12 =	sshrl.u32 s15, $0x3;
	s15 =	simm.s32 $0x10  }
.LBB2_1:
0x13: {  	[spmem:s12@s14], [sflag:s6] =	dma.strided [hbm:s5@s15], $0x3200, s13, $0x4   }
0x14: {  	_ =	swait.ge [sflag:s16], $0x3200  }
0x15: {  	[sflag:s16] =	ssyncset.done $0x0  }
0x16: {  	s20 =	simm.s32 $0x0;
	[sflag:s16] =	ssyncadd.s32 $0xFFFFCE00  }
0x17: {  	s21 =	smov.u32 s11;
	s22 =	simm.s32 $0x0;
	[bflag:$0x0] =	sbarrier.arrive $0xFFFF  }
.LBB2_2:
0x18: {  	s23 =	smul.u32 $0x31, s22;
	_ =	sdelay $0x1  }
0x19: {  	s23 =	sadd.s32 s7, s23  }
0x1a: {  	s23 =	sshll.u32 s23, $0x4  }
0x1b: {  	s23 =	sadd.s32 s2, s23  }
0x1c: {  	[tilespmem:s17], [sflag:$0x2] =	stream.linear.gather [hbm4b:s23+s4], $0x1880, $0x38;
	[tilespmem:$0x1C880] =	vst v63  }
0x1d: {  	p0 =	sne.s32 s22, $0x0;
	_ =	swait.ge [sflag:s16], $0x1880  }
0x1e: {  	s29 =	sadd.s32 $0x0, s20;
	s24 =	simm.s32 @!p0 $0x80;
	[sflag:s16] =	ssyncset.done $0x0  }
0x1f: {  	s25 =	simm.s32 @!p0 $0x1A880;
	s23 =	simm.s32 @!p0 $0x20;
	[sflag:s16] =	ssyncadd.s32 $0xFFFFE780  }
0x20: {  	[tilespmem:s25], [sflag:$0x1] =	stream.strided.gather @!p0 [hbm4b:s8+s23], $0x1000, s24, s23, $0x38;
	[tilespmem:$0x1C880] =	vst v63  }
0x21: {  	s24 =	sand.u32 $0x1, s29;
	p0 =	sgt.u32 s29, $0xC2  }
0x22: {  	s23 =	sshll.u32 @!p0 s24, $0xC  }
0x23: {  	s25 =	simm.s32 @!p0 $0x20;
	s26 =	simm.s32 @!p0 $0x80;
	s23 =	sxor.u32 @!p0 $0x1B880, s23  }
0x24: {  	[tilespmem:s23], [sflag:$0x1] =	stream.strided.gather @!p0 [hbm4b:s21+s25], $0x1000, s26, s25, $0x38;
	[tilespmem:$0x1C880] =	vst v63  }
0x25: {  	s30 =	simm.s32 $0x19000;
	_ =	swait.ge [sflag:s13], $0x1000  }
0x26: {  	s28 =	sadd.s32 $0x1, s20;
	s24 =	sshll.u32 s24, $0xC;
	[sflag:s13] =	ssyncset.done $0x0  }
0x27: {  	s31 =	sor.u32 $0x1A880, s24;
	s24 =	sadd.s32 $0x800, s21;
	[sflag:s13] =	ssyncadd.s32 $0xFFFFF000  }
0x28: {  	[spmem:s3] =	stream.indirect.scatter.add.f32 [tilespmem:s31], [sflag:$0x2], $0x20, s30, s18, $0xb8;
	[tilespmem:$0x1C880] =	vst v63  }
0x29: {  	s25 =	simm.s32 $0x2;
	s23 =	simm.s32 $0x19080;
	_ =	swait.ge [sflag:s16], $0x1000  }
0x2a: {  	s26 =	sand.u32 $0x1, s28;
	p0 =	sgt.u32 s28, $0xC2;
	[sflag:s16] =	ssyncset.done $0x0  }
.LBB2_3:
0x2b: {  	s28 =	sshll.u32 @!p0 s26, $0xC  }
0x2c: {  	[sflag:s16] =	ssyncadd.s32 $0xFFFFF000;
	s29 =	smov.u32 s25;
	s25 =	sadd.s32 $0x1, s25  }
0x2d: {  	s30 =	simm.s32 @!p0 $0x20;
	s31 =	simm.s32 @!p0 $0x80;
	s28 =	sxor.u32 @!p0 $0x1B880, s28  }
0x2e: {  	[tilespmem:s28], [sflag:$0x1] =	stream.strided.gather @!p0 [hbm4b:s24+s30], $0x1000, s31, s30, $0x38;
	[tilespmem:$0x1C880] =	vst v63  }
0x2f: {  	p1 =	sne.s32 s25, $0x31;
	_ =	swait.ge [sflag:s13], $0x1000  }
.Ltmp0:
0x30: {  	s26 =	sshll.u32 s26, $0xC;
	[sflag:s13] =	ssyncset.done $0x0;
	(pc) =	sbr.rel @p1 .LBB2_3-.Ltmp0, $4  }
0x31: {  	s26 =	sor.u32 $0x1A880, s26;
	s24 =	sadd.s32 $0x800, s24;
	[sflag:s13] =	ssyncadd.s32 $0xFFFFF000  }
0x32: {  	[spmem:s3] =	stream.indirect.scatter.add.f32 [tilespmem:s26], [sflag:$0x2], $0x20, s23, s18, $0xb8;
	[tilespmem:$0x1C880] =	vst v63  }
0x33: {  	s28 =	sadd.s32 s29, s20;
	s23 =	sadd.s32 $0x80, s23;
	_ =	swait.ge [sflag:s16], $0x1000  }
0x34: {  	p0 =	sgt.u32 s28, $0xC2;
	s26 =	sand.u32 $0x1, s28;
	[sflag:s16] =	ssyncset.done $0x0  }
0x35: {  	s25 =	sshll.u32 @!p0 s26, $0xC;
	[sflag:s16] =	ssyncadd.s32 $0xFFFFF000  }
0x36: {  	s28 =	simm.s32 @!p0 $0x20;
	s29 =	simm.s32 @!p0 $0x80;
	s25 =	sxor.u32 @!p0 $0x1B880, s25  }
0x37: {  	[tilespmem:s25], [sflag:$0x1] =	stream.strided.gather @!p0 [hbm4b:s24+s28], $0x1000, s29, s28, $0x38;
	[tilespmem:$0x1C880] =	vst v63  }
0x38: {  	s22 =	sadd.s32 $0x1, s22;
	_ =	swait.ge [sflag:s13], $0x1000  }
0x39: {  	s31 =	sshll.u32 s26, $0xC;
	p0 =	sne.s32 s22, $0x4;
	[sflag:s13] =	ssyncset.done $0x0  }
.Ltmp1:
0x3a: {  	s24 =	sor.u32 $0x1A880, s31;
	[sflag:s13] =	ssyncadd.s32 $0xFFFFF000;
	(pc) =	sbr.rel @p0 .LBB2_2-.Ltmp1, $4  }
0x3b: {  	[spmem:s3] =	stream.indirect.scatter.add.f32 [tilespmem:s24], [sflag:$0x2], $0x20, s23, s18, $0xb8;
	[tilespmem:$0x1C880] =	vst v63  }
0x3c: {  	_ =	swait.ge [sflag:s16], $0x1000  }
0x3d: {  	[sflag:s16] =	ssyncset.done $0x0  }
0x3e: {  	s21 =	sadd.s32 $0x18800, s21;
	s20 =	sadd.s32 $0x31, s20;
	[sflag:s16] =	ssyncadd.s32 $0xFFFFF000  }
0x3f: {  	s19 =	sadd.s32 $0x1, s19  }
0x40: {  	p0 =	sne.s32 s19, s10  }
.Ltmp2:
0x41: {  	[bflag:$0x0] =	sbarrier.arrive $0xFFFF;
	(pc) =	sbr.rel @p0 .LBB2_1-.Ltmp2, $4  }
0x42: {  	[hbm:s9@s15], [sflag:s6] =	dma.strided [spmem:s12@s14], $0x3200, s13, $0x4   }
0x43: {  	_ =	swait.ge [sflag:s16], $0x3200  }
0x44: {  	[sflag:s16] =	ssyncset.done $0x0  }
0x45: {  	[sflag:s16] =	ssyncadd.s32 $0xFFFFCE00  }
0x46: {  	_ =	sfence.sel $0x180000  }
0x47: {  	[bflag:$0x0] =	sbarrier.arrive $0xFFFF  }
0x48: {  	p0 =	sne.s32 s1, $0x0;
	_ =	strace $0x90000053  }
0x49: {  	s0 =	sadd.s32 @!p0 $0x100000, s0;
	[bflag:$0x2] =	sbarrier.arrive $0xFFFF  }
0x4a: {  	[sflag:s0] =	ssyncadd.tile.s32 @!p0 $0x1;
	_ =	shalt  }
.Lfunc_end2:
_tile_overlayer_lowered:
.L_overlay_start_2:
0x4b: {  	(tag) =	ssettag $0x2  }
0x4c: {  	s0 =	rddreg [dreg:$0x0];
	s2 =	stileid.u32  }
0x4d: {  	s1 =	rddreg [dreg:$0x1];
	p0 =	sne.s32 s2, $0x0  }
0x4e: {  	s3 =	rddreg [dreg:$0x2];
	[bflag:$0x3] =	sbarrier.arrive $0xFFFF;
	s2 =	simm.s32 @!p0 $0x1C02  }
0x4f: {  	[timem:s3], [sflag:s2] =	dma.local @!p0 [hbm:s0], s1  }
0x50: {  	s0 =	simm.s32 @!p0 $0x2  }
0x51: {  	_ =	swait.ge @!p0 [sflag:s0], s1  }
0x52: {  	s1 =	ssub.s32 @!p0 $0x0, s1;
	[sflag:s0] =	ssyncset.done @!p0 $0x0  }
0x53: {  	[sflag:s0] =	ssyncadd.s32 @!p0 s1  }
0x54: {  	[bflag:$0x3] =	sbarrier.arrive $0xFFFF  }
0x55: {  	_ =	shalt  }

</sc_bundles>
